<compile_context>
chip_gen: v7x
topology: tpu7x:2x2x1
jax: 0.10.2.dev20260603
libtpu: 0.0.44.dev20260713+nightly
codegen_flags: <defaults>
</compile_context>

<pallas_src>
import functools

import jax
import jax.numpy as jnp
from jax import lax
from jax.experimental import pallas as pl
from jax.experimental.pallas import tpu as pltpu
from jax.experimental.pallas import tpu_sc as plsc

_NC = 2
_NS = 16
_NW = _NC * _NS
_L = 16


def _node_radius_kernel(attrs_ref, azf_ref, cr_ref, out_ref, cr4_ref):
    @pl.when(pl.program_id(0) == 0)
    def _():
        z128 = lax.broadcasted_iota(jnp.int32, (128, 128), 1).astype(
            jnp.float32)
        mz = (azf_ref[...] == z128).astype(jnp.float32)
        cr4_ref[...] = 0.25 * jnp.dot(mz, cr_ref[...],
                                      preferred_element_type=jnp.float32)

    attrs = attrs_ref[...]
    kf = lax.broadcasted_iota(jnp.int32, attrs.shape, 1).astype(jnp.float32)
    m = jnp.max(attrs, axis=1, keepdims=True)
    w = jnp.where(attrs == m, 128.0 - kf, 0.0)
    idxf = 128.0 - jnp.max(w, axis=1, keepdims=True)
    oh = (kf == idxf).astype(jnp.float32)
    cr4 = cr4_ref[...]
    dn = (((0,), (1,)), ((), ()))
    rows = [
        lax.dot_general(cr4, oh[128 * r:128 * (r + 1), :], dn,
                        preferred_element_type=jnp.float32)
        for r in range(attrs.shape[0] // 128)
    ]
    out_ref[...] = jnp.concatenate(rows, axis=0)


def _soft_kernel(x_ref, r0_ref, ab_ref, y_ref):
    x = x_ref[...]
    u = x / r0_ref[...]
    a = ab_ref[0]
    b = ab_ref[1]
    p = jnp.exp(b * jnp.log(jnp.maximum(u, 1e-30)))
    p = jnp.where(u > 0.0, p, 0.0)
    y_ref[...] = x + 0.5 * jnp.tanh(-u - a * p) + 0.5


def _make_gather_r0(E, TBL):
    RB = 40
    C = RB * 128
    rows = E // 128
    total_chunks = rows // RB
    mesh = plsc.VectorSubcoreMesh(core_axis_name="c", subcore_axis_name="s")

    @functools.partial(
        pl.kernel,
        mesh=mesh,
        compiler_params=pltpu.CompilerParams(needs_layout_passes=False),
        out_type=jax.ShapeDtypeStruct((rows, 128), jnp.float32),
        scratch_types=[
            pltpu.VMEM((TBL,), jnp.float32),
            pltpu.VMEM((2, C), jnp.int32),
            pltpu.VMEM((2, C), jnp.int32),
            pltpu.VMEM((RB, 128), jnp.float32),
            pltpu.VMEM((RB, 128), jnp.float32),
            pltpu.SemaphoreType.DMA,
            pltpu.SemaphoreType.DMA,
            pltpu.SemaphoreType.DMA,
            pltpu.SemaphoreType.DMA,
            pltpu.SemaphoreType.DMA,
        ],
    )
    def gather_r0(rnode_hbm, eidx_hbm, out_hbm, table_v,
                  eb0, eb1, r00, r01, tsem, is0, is1, os0, os1):
        wid = lax.axis_index("s") * _NC + lax.axis_index("c")
        my_chunks = (total_chunks - wid + _NW - 1) // _NW
        ebs, r0s, isems, osems = (eb0, eb1), (r00, r01), (is0, is1), (os0, os1)

        def in_src(ci):
            chunk = wid + ci * _NW
            base = pl.multiple_of(chunk * C, 128)
            return eidx_hbm.at[:, pl.ds(base, C)]

        def out_dst(ci):
            chunk = wid + ci * _NW
            rb = pl.multiple_of(chunk * RB, 8)
            return out_hbm.at[pl.ds(rb, RB), :]

        @pl.when(my_chunks > 0)
        def _():
            pltpu.async_copy(in_src(0), eb0, is0)

        @pl.when(my_chunks > 1)
        def _():
            pltpu.async_copy(in_src(1), eb1, is1)

        pltpu.async_copy(rnode_hbm.at[pl.ds(0, TBL)], table_v, tsem).wait()

        def pair_body(p, carry):
            for b in range(2):
                ci = p * 2 + b
                eb, r0v, isem, osem = ebs[b], r0s[b], isems[b], osems[b]

                @pl.when(ci < my_chunks)
                def _():
                    pltpu.make_async_copy(in_src(ci), eb, isem).wait()

                    @pl.when(ci >= 2)
                    def _():
                        pltpu.make_async_copy(r0v, out_dst(ci - 2), osem).wait()

                    @plsc.parallel_loop(0, RB, unroll=8)
                    def row_body(row):
                        for j in range(128 // _L):
                            o = row * 128 + j * _L
                            s16 = eb[0, pl.ds(o, _L)]
                            r16 = eb[1, pl.ds(o, _L)]
                            g = (plsc.load_gather(table_v, [s16]) +
                                 plsc.load_gather(table_v, [r16]))
                            r0v[row, pl.ds(j * _L, _L)] = g

                    pltpu.async_copy(r0v, out_dst(ci), osem)

                    @pl.when(ci + 2 < my_chunks)
                    def _():
                        pltpu.async_copy(in_src(ci + 2), eb, isem)

            return carry

        lax.fori_loop(0, (my_chunks + 1) // 2, pair_body, 0)

        for b in range(2):
            @pl.when(my_chunks > b)
            def _():
                pltpu.make_async_copy(r0s[b], out_dst(b), osems[b]).wait()

    return gather_r0


def kernel(x, node_attrs, edge_index, atomic_numbers, covalent_radii, a, b):
    N, K = node_attrs.shape
    E = x.shape[0]
    BN = 10240
    n_blocks = (N + BN - 1) // BN
    N_pad = n_blocks * BN
    TBL = ((N + 127) // 128 + 7) // 8 * 8 * 128

    azf = atomic_numbers.astype(jnp.float32).reshape(K, 1)
    crp = jnp.zeros((K, 1), jnp.float32)
    crp = crp.at[: covalent_radii.shape[0], 0].set(covalent_radii)

    rnode4 = pl.pallas_call(
        _node_radius_kernel,
        grid=(n_blocks,),
        in_specs=[
            pl.BlockSpec((BN, K), lambda i: (i, 0)),
            pl.BlockSpec((K, 1), lambda i: (0, 0)),
            pl.BlockSpec((K, 1), lambda i: (0, 0)),
        ],
        out_specs=pl.BlockSpec((BN // 128, 128), lambda i: (i, 0)),
        out_shape=jax.ShapeDtypeStruct((N_pad // 128, 128), jnp.float32),
        scratch_shapes=[pltpu.VMEM((128, 1), jnp.float32)],
    )(node_attrs, azf, crp)

    r0 = _make_gather_r0(E, TBL)(rnode4.reshape(N_pad), edge_index)

    W = 128
    rows = E // W
    RB = 5000
    ab = jnp.stack([a.astype(jnp.float32), b.astype(jnp.float32)])
    y = pl.pallas_call(
        _soft_kernel,
        grid=(rows // RB,),
        in_specs=[
            pl.BlockSpec((RB, W), lambda i: (i, 0)),
            pl.BlockSpec((RB, W), lambda i: (i, 0)),
            pl.BlockSpec(memory_space=pltpu.SMEM),
        ],
        out_specs=pl.BlockSpec((RB, W), lambda i: (i, 0)),
        out_shape=jax.ShapeDtypeStruct((rows, W), jnp.float32),
    )(x.reshape(rows, W), r0, ab)
    return y.reshape(E, 1)

# --- scband reference (transcript-rebuilt; emitter-appended) ---
"""Pipeline reference for scband-soft-transform-57045755625869 (READ-ONLY COPY).

The authoritative reference and input builder live on the scoring server;
editing this copy changes nothing except your own understanding.
"""

import jax, jax.numpy as jnp
import numpy as np

N_NODES = 100000
N_EDGES = 6400000
N_ELEM = 128
N_Z = 119  # length of ase.data.covalent_radii table


def setup_inputs(seed: int = 0) -> dict:
    key = jax.random.key(seed)
    k1, k2, k3, k4 = jax.random.split(key, 4)
    # per-edge distances (positive), up to ~3 Angstrom
    x = jax.random.uniform(k1, (N_EDGES, 1), dtype=jnp.float32) * 3.0
    # soft one-hot node attributes; argmax picks the element class
    node_attrs = jax.random.uniform(k2, (N_NODES, N_ELEM), dtype=jnp.float32)
    edge_index = jax.random.randint(k3, (2, N_EDGES), 0, N_NODES, dtype=jnp.int32)
    # atomic number per element class, in [1, 119)
    atomic_numbers = jax.random.randint(k4, (N_ELEM,), 1, N_Z, dtype=jnp.int32)
    # stand-in for ase.data.covalent_radii (buffer): positive radii in [0.3, 2.5]
    rng = np.random.RandomState(0)
    covalent_radii = jnp.asarray(0.3 + 2.2 * rng.rand(N_Z), dtype=jnp.float32)
    a = jnp.asarray(0.2, dtype=jnp.float32)
    b = jnp.asarray(3.0, dtype=jnp.float32)
    return {
        "x": x,
        "node_attrs": node_attrs,
        "edge_index": edge_index,
        "atomic_numbers": atomic_numbers,
        "covalent_radii": covalent_radii,
        "a": a,
        "b": b,
    }


def reference(x, node_attrs, edge_index, atomic_numbers, covalent_radii, a, b):
    sender = edge_index[0]
    receiver = edge_index[1]
    # node atomic numbers: gather via argmax over one-hot attrs
    node_atomic_numbers = atomic_numbers[jnp.argmax(node_attrs, axis=1)][:, None]  # [N, 1]
    Z_u = node_atomic_numbers[sender]    # [E, 1]
    Z_v = node_atomic_numbers[receiver]  # [E, 1]
    r_0 = (covalent_radii[Z_u] + covalent_radii[Z_v]) / 4.0  # [E, 1]
    y = x + 0.5 * jnp.tanh(-(x / r_0) - a * (x / r_0) ** b) + 0.5
    return y

if __name__ == "__main__":
    import jax
    _d = setup_inputs()
    print(jax.jit(kernel)(*tuple(_d.values())))

</pallas_src>

<mosaic_0001>
#map = affine_map<(d0, d1) -> (0)>
#map1 = affine_map<(d0, d1) -> (0, 0)>
module attributes {stable_mosaic.version = 14 : i64} {
  func.func @gather_r0(%arg0: i32, %arg1: i32, %arg2: memref<102400xf32, #tpu.memory_space<hbm>>, %arg3: memref<2x6400000xi32, #tpu.memory_space<hbm>>, %arg4: memref<50000x128xf32, #tpu.memory_space<hbm>>, %arg5: memref<100352xf32, #tpu.memory_space<vmem>>, %arg6: memref<2x5120xi32, #tpu.memory_space<vmem>>, %arg7: memref<2x5120xi32, #tpu.memory_space<vmem>>, %arg8: memref<40x128xf32, #tpu.memory_space<vmem>>, %arg9: memref<40x128xf32, #tpu.memory_space<vmem>>, %arg10: memref<!tpu.dma_semaphore, #tpu.memory_space<semaphore_mem>>, %arg11: memref<!tpu.dma_semaphore, #tpu.memory_space<semaphore_mem>>, %arg12: memref<!tpu.dma_semaphore, #tpu.memory_space<semaphore_mem>>, %arg13: memref<!tpu.dma_semaphore, #tpu.memory_space<semaphore_mem>>, %arg14: memref<!tpu.dma_semaphore, #tpu.memory_space<semaphore_mem>>) attributes {dimension_semantics = [#tpu.dimension_semantics<core_parallel>, #tpu.dimension_semantics<subcore_parallel>], iteration_bounds = array<i64: 2, 16>, scalar_prefetch = 0 : i64, scratch_operands = 10 : i64, tpu.core_type = #tpu.core_type<sc_vector_subcore>, window_params = [{transform_indices = #map}, {transform_indices = #map1}, {transform_indices = #map1}]} {
    %mul3A = arith.constant 2 : i32
    %mul3A_0 = arith.muli %arg1, %mul3A : i32
    %add3A = arith.addi %mul3A_0, %arg0 : i32
    %sub3A = arith.constant 1250 : i32
    %sub3A_1 = arith.subi %sub3A, %add3A : i32
    %add3A_2 = arith.constant 32 : i32
    %add3A_3 = arith.addi %sub3A_1, %add3A_2 : i32
    %sub3A_4 = arith.constant 1 : i32
    %sub3A_5 = arith.subi %add3A_3, %sub3A_4 : i32
    %jit3A = arith.constant 32 : i32
    %div3A = arith.divsi %sub3A_5, %jit3A : i32
    %sign3A = arith.constant 0 : i32
    %sign3A_6 = arith.cmpi sgt, %sub3A_5, %sign3A : i32
    %sign3A_7 = arith.extui %sign3A_6 : i1 to i32
    %sign3A_8 = arith.constant 0 : i32
    %sign3A_9 = arith.cmpi slt, %sub3A_5, %sign3A_8 : i32
    %sign3A_10 = arith.extui %sign3A_9 : i1 to i32
    %sign3A_11 = arith.subi %sign3A_7, %sign3A_10 : i32
    %sign3A_12 = arith.constant 0 : i32
    %sign3A_13 = arith.cmpi sgt, %jit3A, %sign3A_12 : i32
    %sign3A_14 = arith.extui %sign3A_13 : i1 to i32
    %sign3A_15 = arith.constant 0 : i32
    %sign3A_16 = arith.cmpi slt, %jit3A, %sign3A_15 : i32
    %sign3A_17 = arith.extui %sign3A_16 : i1 to i32
    %sign3A_18 = arith.subi %sign3A_14, %sign3A_17 : i32
    %ne3A = arith.cmpi ne, %sign3A_11, %sign3A_18 : i32
    %rem3A = arith.remsi %sub3A_5, %jit3A : i32
    %ne3A_19 = arith.constant 0 : i32
    %ne3A_20 = arith.cmpi ne, %rem3A, %ne3A_19 : i32
    %and3A = arith.andi %ne3A, %ne3A_20 : i1
    %sub3A_21 = arith.constant 1 : i32
    %sub3A_22 = arith.subi %div3A, %sub3A_21 : i32
    %select_n3A = arith.select %and3A, %sub3A_22, %div3A : i32
    %gt3A = arith.constant 0 : i32
    %gt3A_23 = arith.cmpi sgt, %select_n3A, %gt3A : i32
    %convert_element_type3A = arith.extui %gt3A_23 : i1 to i32
    %cond3A = arith.constant 0 : i32
    %cond3A_24 = arith.cmpi ne, %convert_element_type3A, %cond3A : i32
    scf.if %cond3A_24 {
      %add3A_81 = arith.constant 0 : i32
      %add3A_82 = arith.addi %add3A, %add3A_81 : i32
      %mul3A_83 = arith.constant 5120 : i32
      %mul3A_84 = arith.muli %add3A_82, %mul3A_83 : i32
      %multiple_of3A = tpu.assume_multiple %mul3A_84, 128 : i32
      %dma_start3A_85 = arith.constant 0 : i32
      %dma_start3A_86 = tpu.memref_slice %arg3[%dma_start3A_85, %multiple_of3A] : memref<2x6400000xi32, #tpu.memory_space<hbm>> -> memref<2x5120xi32, #tpu.memory_space<hbm>>
      %dma_start3A_87 = arith.constant 0 : i32
      %dma_start3A_88 = tpu.memref_slice %arg3[%dma_start3A_87, %multiple_of3A] : memref<2x6400000xi32, #tpu.memory_space<hbm>> -> memref<2x5120xi32, #tpu.memory_space<hbm>>
      tpu.enqueue_dma source(%dma_start3A_88 : memref<2x5120xi32, #tpu.memory_space<hbm>>) target(%arg6 : memref<2x5120xi32, #tpu.memory_space<vmem>>) target_semaphore(%arg11 : memref<!tpu.dma_semaphore, #tpu.memory_space<semaphore_mem>>)
    } else {
    }
    %gt3A_25 = arith.constant 1 : i32
    %gt3A_26 = arith.cmpi sgt, %select_n3A, %gt3A_25 : i32
    %convert_element_type3A_27 = arith.extui %gt3A_26 : i1 to i32
    %cond3A_28 = arith.constant 0 : i32
    %cond3A_29 = arith.cmpi ne, %convert_element_type3A_27, %cond3A_28 : i32
    scf.if %cond3A_29 {
      %add3A_81 = arith.constant 32 : i32
      %add3A_82 = arith.addi %add3A, %add3A_81 : i32
      %mul3A_83 = arith.constant 5120 : i32
      %mul3A_84 = arith.muli %add3A_82, %mul3A_83 : i32
      %multiple_of3A = tpu.assume_multiple %mul3A_84, 128 : i32
      %dma_start3A_85 = arith.constant 0 : i32
      %dma_start3A_86 = tpu.memref_slice %arg3[%dma_start3A_85, %multiple_of3A] : memref<2x6400000xi32, #tpu.memory_space<hbm>> -> memref<2x5120xi32, #tpu.memory_space<hbm>>
      %dma_start3A_87 = arith.constant 0 : i32
      %dma_start3A_88 = tpu.memref_slice %arg3[%dma_start3A_87, %multiple_of3A] : memref<2x6400000xi32, #tpu.memory_space<hbm>> -> memref<2x5120xi32, #tpu.memory_space<hbm>>
      tpu.enqueue_dma source(%dma_start3A_88 : memref<2x5120xi32, #tpu.memory_space<hbm>>) target(%arg7 : memref<2x5120xi32, #tpu.memory_space<vmem>>) target_semaphore(%arg12 : memref<!tpu.dma_semaphore, #tpu.memory_space<semaphore_mem>>)
    } else {
    }
    %dma_start3A = arith.constant 0 : i32
    %dma_start3A_30 = tpu.memref_slice %arg2[%dma_start3A] : memref<102400xf32, #tpu.memory_space<hbm>> -> memref<100352xf32, #tpu.memory_space<hbm>>
    %dma_start3A_31 = arith.constant 0 : i32
    %dma_start3A_32 = tpu.memref_slice %arg2[%dma_start3A_31] : memref<102400xf32, #tpu.memory_space<hbm>> -> memref<100352xf32, #tpu.memory_space<hbm>>
    tpu.enqueue_dma source(%dma_start3A_32 : memref<100352xf32, #tpu.memory_space<hbm>>) target(%arg5 : memref<100352xf32, #tpu.memory_space<vmem>>) target_semaphore(%arg10 : memref<!tpu.dma_semaphore, #tpu.memory_space<semaphore_mem>>)
    %dma_wait3A = arith.constant 0 : i32
    %dma_wait3A_33 = tpu.memref_slice %arg2[%dma_wait3A] : memref<102400xf32, #tpu.memory_space<hbm>> -> memref<100352xf32, #tpu.memory_space<hbm>>
    %dma_wait3A_34 = arith.constant 0 : i32
    %dma_wait3A_35 = tpu.memref_slice %arg2[%dma_wait3A_34] : memref<102400xf32, #tpu.memory_space<hbm>> -> memref<100352xf32, #tpu.memory_space<hbm>>
    tpu.wait_dma2 semaphore(%arg10 : memref<!tpu.dma_semaphore, #tpu.memory_space<semaphore_mem>>) src(%dma_wait3A_35 : memref<100352xf32, #tpu.memory_space<hbm>>) dst(%arg5 : memref<100352xf32, #tpu.memory_space<vmem>>)
    %add3A_36 = arith.constant 1 : i32
    %add3A_37 = arith.addi %select_n3A, %add3A_36 : i32
    %jit3A_38 = arith.constant 2 : i32
    %div3A_39 = arith.divsi %add3A_37, %jit3A_38 : i32
    %sign3A_40 = arith.constant 0 : i32
    %sign3A_41 = arith.cmpi sgt, %add3A_37, %sign3A_40 : i32
    %sign3A_42 = arith.extui %sign3A_41 : i1 to i32
    %sign3A_43 = arith.constant 0 : i32
    %sign3A_44 = arith.cmpi slt, %add3A_37, %sign3A_43 : i32
    %sign3A_45 = arith.extui %sign3A_44 : i1 to i32
    %sign3A_46 = arith.subi %sign3A_42, %sign3A_45 : i32
    %sign3A_47 = arith.constant 0 : i32
    %sign3A_48 = arith.cmpi sgt, %jit3A_38, %sign3A_47 : i32
    %sign3A_49 = arith.extui %sign3A_48 : i1 to i32
    %sign3A_50 = arith.constant 0 : i32
    %sign3A_51 = arith.cmpi slt, %jit3A_38, %sign3A_50 : i32
    %sign3A_52 = arith.extui %sign3A_51 : i1 to i32
    %sign3A_53 = arith.subi %sign3A_49, %sign3A_52 : i32
    %ne3A_54 = arith.cmpi ne, %sign3A_46, %sign3A_53 : i32
    %rem3A_55 = arith.remsi %add3A_37, %jit3A_38 : i32
    %ne3A_56 = arith.constant 0 : i32
    %ne3A_57 = arith.cmpi ne, %rem3A_55, %ne3A_56 : i32
    %and3A_58 = arith.andi %ne3A_54, %ne3A_57 : i1
    %sub3A_59 = arith.constant 1 : i32
    %sub3A_60 = arith.subi %div3A_39, %sub3A_59 : i32
    %select_n3A_61 = arith.select %and3A_58, %sub3A_60, %div3A_39 : i32
    %while3A = arith.constant 0 : i32
    %while3A_62 = arith.constant 0 : i32
    %while3A_63 = arith.subi %select_n3A_61, %while3A_62 : i32
    %while3A_64 = arith.addi %while3A_62, %while3A_63 : i32
    %while3A_65 = arith.constant 1 : i32
    %while3A_66 = arith.divsi %while3A_63, %while3A_65 : i32
    %while3A_67 = arith.muli %while3A_66, %while3A_65 : i32
    %while3A_68 = arith.addi %while3A_62, %while3A_67 : i32
    %while3A_69 = arith.constant 1 : i32
    scf.for %while3A_81 = %while3A_62 to %while3A_68 step %while3A_69  : i32 {
      %mul3A_82 = arith.constant 2 : i32
      %mul3A_83 = arith.muli %while3A_81, %mul3A_82 : i32
      %add3A_84 = arith.constant 0 : i32
      %add3A_85 = arith.addi %mul3A_83, %add3A_84 : i32
      %lt3A = arith.cmpi slt, %add3A_85, %select_n3A : i32
      %convert_element_type3A_86 = arith.extui %lt3A : i1 to i32
      %cond3A_87 = arith.constant 0 : i32
      %cond3A_88 = arith.cmpi ne, %convert_element_type3A_86, %cond3A_87 : i32
      scf.if %cond3A_88 {
        %mul3A_97 = arith.constant 32 : i32
        %mul3A_98 = arith.muli %add3A_85, %mul3A_97 : i32
        %add3A_99 = arith.addi %add3A, %mul3A_98 : i32
        %mul3A_100 = arith.constant 5120 : i32
        %mul3A_101 = arith.muli %add3A_99, %mul3A_100 : i32
        %multiple_of3A = tpu.assume_multiple %mul3A_101, 128 : i32
        %dma_wait3A_102 = arith.constant 0 : i32
        %dma_wait3A_103 = tpu.memref_slice %arg3[%dma_wait3A_102, %multiple_of3A] : memref<2x6400000xi32, #tpu.memory_space<hbm>> -> memref<2x5120xi32, #tpu.memory_space<hbm>>
        %dma_wait3A_104 = arith.constant 0 : i32
        %dma_wait3A_105 = tpu.memref_slice %arg3[%dma_wait3A_104, %multiple_of3A] : memref<2x6400000xi32, #tpu.memory_space<hbm>> -> memref<2x5120xi32, #tpu.memory_space<hbm>>
        tpu.wait_dma2 semaphore(%arg11 : memref<!tpu.dma_semaphore, #tpu.memory_space<semaphore_mem>>) src(%dma_wait3A_105 : memref<2x5120xi32, #tpu.memory_space<hbm>>) dst(%arg6 : memref<2x5120xi32, #tpu.memory_space<vmem>>)
        %ge3A = arith.constant 2 : i32
        %ge3A_106 = arith.cmpi sge, %add3A_85, %ge3A : i32
        %convert_element_type3A_107 = arith.extui %ge3A_106 : i1 to i32
        %cond3A_108 = arith.constant 0 : i32
        %cond3A_109 = arith.cmpi ne, %convert_element_type3A_107, %cond3A_108 : i32
        scf.if %cond3A_109 {
          %sub3A_128 = arith.constant 2 : i32
          %sub3A_129 = arith.subi %add3A_85, %sub3A_128 : i32
          %mul3A_130 = arith.constant 32 : i32
          %mul3A_131 = arith.muli %sub3A_129, %mul3A_130 : i32
          %add3A_132 = arith.addi %add3A, %mul3A_131 : i32
          %mul3A_133 = arith.constant 40 : i32
          %mul3A_134 = arith.muli %add3A_132, %mul3A_133 : i32
          %multiple_of3A_135 = tpu.assume_multiple %mul3A_134, 8 : i32
          %dma_wait3A_136 = arith.constant 0 : i32
          %dma_wait3A_137 = tpu.memref_slice %arg4[%multiple_of3A_135, %dma_wait3A_136] : memref<50000x128xf32, #tpu.memory_space<hbm>> -> memref<40x128xf32, #tpu.memory_space<hbm>>
          %dma_wait3A_138 = arith.constant 0 : i32
          %dma_wait3A_139 = tpu.memref_slice %arg4[%multiple_of3A_135, %dma_wait3A_138] : memref<50000x128xf32, #tpu.memory_space<hbm>> -> memref<40x128xf32, #tpu.memory_space<hbm>>
          tpu.wait_dma2 semaphore(%arg13 : memref<!tpu.dma_semaphore, #tpu.memory_space<semaphore_mem>>) src(%arg8 : memref<40x128xf32, #tpu.memory_space<vmem>>) dst(%dma_wait3A_139 : memref<40x128xf32, #tpu.memory_space<hbm>>)
        } else {
        }
        %parallel_loop3A = arith.constant 0 : i32
        %parallel_loop3A_110 = arith.constant 40 : i32
        %parallel_loop3A_111 = arith.constant 1 : i32
        scf.for %parallel_loop3A_128 = %parallel_loop3A to %parallel_loop3A_110 step %parallel_loop3A_111  : i32 {
          %parallel_loop3A_129 = arith.constant 128 : i32
          %parallel_loop3A_130 = arith.muli %parallel_loop3A_128, %parallel_loop3A_129 : i32
          %parallel_loop3A_131 = arith.constant 0 : i32
          %parallel_loop3A_132 = arith.addi %parallel_loop3A_130, %parallel_loop3A_131 : i32
          %parallel_loop3A_133 = arith.constant 0 : i32
          %parallel_loop3A_134 = arith.index_cast %parallel_loop3A_133 : i32 to index
          %parallel_loop3A_135 = arith.index_cast %parallel_loop3A_132 : i32 to index
          %parallel_loop3A_136 = tpu.vector_load %arg6[%parallel_loop3A_134, %parallel_loop3A_135] {strides = array<i32>} : memref<2x5120xi32, #tpu.memory_space<vmem>>, vector<16xi32>,
          %parallel_loop3A_137 = arith.constant 1 : i32
          %parallel_loop3A_138 = arith.index_cast %parallel_loop3A_137 : i32 to index
          %parallel_loop3A_139 = arith.index_cast %parallel_loop3A_132 : i32 to index
          %parallel_loop3A_140 = tpu.vector_load %arg6[%parallel_loop3A_138, %parallel_loop3A_139] {strides = array<i32>} : memref<2x5120xi32, #tpu.memory_space<vmem>>, vector<16xi32>,
          %parallel_loop3A_141 = tpu.vector_load_idx %arg5[%parallel_loop3A_136] : memref<100352xf32, #tpu.memory_space<vmem>>[vector<16xi32>], vector<16xf32>,
          %parallel_loop3A_142 = tpu.vector_load_idx %arg5[%parallel_loop3A_140] : memref<100352xf32, #tpu.memory_space<vmem>>[vector<16xi32>], vector<16xf32>,
          %parallel_loop3A_143 = arith.addf %parallel_loop3A_141, %parallel_loop3A_142 : vector<16xf32>
          %parallel_loop3A_144 = arith.index_cast %parallel_loop3A_128 : i32 to index
          %parallel_loop3A_145 = arith.constant 0 : index
          %parallel_loop3A_146 = tpu.vector_load %arg8[%parallel_loop3A_144, %parallel_loop3A_145] {strides = array<i32>} : memref<40x128xf32, #tpu.memory_space<vmem>>, vector<16xf32>,
          tpu.vector_store %arg8[%parallel_loop3A_144, %parallel_loop3A_145], %parallel_loop3A_143 {strides = array<i32>} : memref<40x128xf32, #tpu.memory_space<vmem>>, vector<16xf32>,
          %parallel_loop3A_147 = arith.constant 128 : i32
          %parallel_loop3A_148 = arith.muli %parallel_loop3A_128, %parallel_loop3A_147 : i32
          %parallel_loop3A_149 = arith.constant 16 : i32
          %parallel_loop3A_150 = arith.addi %parallel_loop3A_148, %parallel_loop3A_149 : i32
          %parallel_loop3A_151 = arith.constant 0 : i32
          %parallel_loop3A_152 = arith.index_cast %parallel_loop3A_151 : i32 to index
          %parallel_loop3A_153 = arith.index_cast %parallel_loop3A_150 : i32 to index
          %parallel_loop3A_154 = tpu.vector_load %arg6[%parallel_loop3A_152, %parallel_loop3A_153] {strides = array<i32>} : memref<2x5120xi32, #tpu.memory_space<vmem>>, vector<16xi32>,
          %parallel_loop3A_155 = arith.constant 1 : i32
          %parallel_loop3A_156 = arith.index_cast %parallel_loop3A_155 : i32 to index
          %parallel_loop3A_157 = arith.index_cast %parallel_loop3A_150 : i32 to index
          %parallel_loop3A_158 = tpu.vector_load %arg6[%parallel_loop3A_156, %parallel_loop3A_157] {strides = array<i32>} : memref<2x5120xi32, #tpu.memory_space<vmem>>, vector<16xi32>,
          %parallel_loop3A_159 = tpu.vector_load_idx %arg5[%parallel_loop3A_154] : memref<100352xf32, #tpu.memory_space<vmem>>[vector<16xi32>], vector<16xf32>,
          %parallel_loop3A_160 = tpu.vector_load_idx %arg5[%parallel_loop3A_158] : memref<100352xf32, #tpu.memory_space<vmem>>[vector<16xi32>], vector<16xf32>,
          %parallel_loop3A_161 = arith.addf %parallel_loop3A_159, %parallel_loop3A_160 : vector<16xf32>
          %parallel_loop3A_162 = arith.index_cast %parallel_loop3A_128 : i32 to index
          %parallel_loop3A_163 = arith.constant 16 : index
          %parallel_loop3A_164 = tpu.vector_load %arg8[%parallel_loop3A_162, %parallel_loop3A_163] {strides = array<i32>} : memref<40x128xf32, #tpu.memory_space<vmem>>, vector<16xf32>,
          tpu.vector_store %arg8[%parallel_loop3A_162, %parallel_loop3A_163], %parallel_loop3A_161 {strides = array<i32>} : memref<40x128xf32, #tpu.memory_space<vmem>>, vector<16xf32>,
          %parallel_loop3A_165 = arith.constant 128 : i32
          %parallel_loop3A_166 = arith.muli %parallel_loop3A_128, %parallel_loop3A_165 : i32
          %parallel_loop3A_167 = arith.constant 32 : i32
          %parallel_loop3A_168 = arith.addi %parallel_loop3A_166, %parallel_loop3A_167 : i32
          %parallel_loop3A_169 = arith.constant 0 : i32
          %parallel_loop3A_170 = arith.index_cast %parallel_loop3A_169 : i32 to index
          %parallel_loop3A_171 = arith.index_cast %parallel_loop3A_168 : i32 to index
          %parallel_loop3A_172 = tpu.vector_load %arg6[%parallel_loop3A_170, %parallel_loop3A_171] {strides = array<i32>} : memref<2x5120xi32, #tpu.memory_space<vmem>>, vector<16xi32>,
          %parallel_loop3A_173 = arith.constant 1 : i32
          %parallel_loop3A_174 = arith.index_cast %parallel_loop3A_173 : i32 to index
          %parallel_loop3A_175 = arith.index_cast %parallel_loop3A_168 : i32 to index
          %parallel_loop3A_176 = tpu.vector_load %arg6[%parallel_loop3A_174, %parallel_loop3A_175] {strides = array<i32>} : memref<2x5120xi32, #tpu.memory_space<vmem>>, vector<16xi32>,
          %parallel_loop3A_177 = tpu.vector_load_idx %arg5[%parallel_loop3A_172] : memref<100352xf32, #tpu.memory_space<vmem>>[vector<16xi32>], vector<16xf32>,
          %parallel_loop3A_178 = tpu.vector_load_idx %arg5[%parallel_loop3A_176] : memref<100352xf32, #tpu.memory_space<vmem>>[vector<16xi32>], vector<16xf32>,
          %parallel_loop3A_179 = arith.addf %parallel_loop3A_177, %parallel_loop3A_178 : vector<16xf32>
          %parallel_loop3A_180 = arith.index_cast %parallel_loop3A_128 : i32 to index
          %parallel_loop3A_181 = arith.constant 32 : index
          %parallel_loop3A_182 = tpu.vector_load %arg8[%parallel_loop3A_180, %parallel_loop3A_181] {strides = array<i32>} : memref<40x128xf32, #tpu.memory_space<vmem>>, vector<16xf32>,
          tpu.vector_store %arg8[%parallel_loop3A_180, %parallel_loop3A_181], %parallel_loop3A_179 {strides = array<i32>} : memref<40x128xf32, #tpu.memory_space<vmem>>, vector<16xf32>,
          %parallel_loop3A_183 = arith.constant 128 : i32
          %parallel_loop3A_184 = arith.muli %parallel_loop3A_128, %parallel_loop3A_183 : i32
          %parallel_loop3A_185 = arith.constant 48 : i32
          %parallel_loop3A_186 = arith.addi %parallel_loop3A_184, %parallel_loop3A_185 : i32
          %parallel_loop3A_187 = arith.constant 0 : i32
          %parallel_loop3A_188 = arith.index_cast %parallel_loop3A_187 : i32 to index
          %parallel_loop3A_189 = arith.index_cast %parallel_loop3A_186 : i32 to index
          %parallel_loop3A_190 = tpu.vector_load %arg6[%parallel_loop3A_188, %parallel_loop3A_189] {strides = array<i32>} : memref<2x5120xi32, #tpu.memory_space<vmem>>, vector<16xi32>,
          %parallel_loop3A_191 = arith.constant 1 : i32
          %parallel_loop3A_192 = arith.index_cast %parallel_loop3A_191 : i32 to index
          %parallel_loop3A_193 = arith.index_cast %parallel_loop3A_186 : i32 to index
          %parallel_loop3A_194 = tpu.vector_load %arg6[%parallel_loop3A_192, %parallel_loop3A_193] {strides = array<i32>} : memref<2x5120xi32, #tpu.memory_space<vmem>>, vector<16xi32>,
          %parallel_loop3A_195 = tpu.vector_load_idx %arg5[%parallel_loop3A_190] : memref<100352xf32, #tpu.memory_space<vmem>>[vector<16xi32>], vector<16xf32>,
          %parallel_loop3A_196 = tpu.vector_load_idx %arg5[%parallel_loop3A_194] : memref<100352xf32, #tpu.memory_space<vmem>>[vector<16xi32>], vector<16xf32>,
          %parallel_loop3A_197 = arith.addf %parallel_loop3A_195, %parallel_loop3A_196 : vector<16xf32>
          %parallel_loop3A_198 = arith.index_cast %parallel_loop3A_128 : i32 to index
          %parallel_loop3A_199 = arith.constant 48 : index
          %parallel_loop3A_200 = tpu.vector_load %arg8[%parallel_loop3A_198, %parallel_loop3A_199] {strides = array<i32>} : memref<40x128xf32, #tpu.memory_space<vmem>>, vector<16xf32>,
          tpu.vector_store %arg8[%parallel_loop3A_198, %parallel_loop3A_199], %parallel_loop3A_197 {strides = array<i32>} : memref<40x128xf32, #tpu.memory_space<vmem>>, vector<16xf32>,
          %parallel_loop3A_201 = arith.constant 128 : i32
          %parallel_loop3A_202 = arith.muli %parallel_loop3A_128, %parallel_loop3A_201 : i32
          %parallel_loop3A_203 = arith.constant 64 : i32
          %parallel_loop3A_204 = arith.addi %parallel_loop3A_202, %parallel_loop3A_203 : i32
          %parallel_loop3A_205 = arith.constant 0 : i32
          %parallel_loop3A_206 = arith.index_cast %parallel_loop3A_205 : i32 to index
          %parallel_loop3A_207 = arith.index_cast %parallel_loop3A_204 : i32 to index
          %parallel_loop3A_208 = tpu.vector_load %arg6[%parallel_loop3A_206, %parallel_loop3A_207] {strides = array<i32>} : memref<2x5120xi32, #tpu.memory_space<vmem>>, vector<16xi32>,
          %parallel_loop3A_209 = arith.constant 1 : i32
          %parallel_loop3A_210 = arith.index_cast %parallel_loop3A_209 : i32 to index
          %parallel_loop3A_211 = arith.index_cast %parallel_loop3A_204 : i32 to index
          %parallel_loop3A_212 = tpu.vector_load %arg6[%parallel_loop3A_210, %parallel_loop3A_211] {strides = array<i32>} : memref<2x5120xi32, #tpu.memory_space<vmem>>, vector<16xi32>,
          %parallel_loop3A_213 = tpu.vector_load_idx %arg5[%parallel_loop3A_208] : memref<100352xf32, #tpu.memory_space<vmem>>[vector<16xi32>], vector<16xf32>,
          %parallel_loop3A_214 = tpu.vector_load_idx %arg5[%parallel_loop3A_212] : memref<100352xf32, #tpu.memory_space<vmem>>[vector<16xi32>], vector<16xf32>,
          %parallel_loop3A_215 = arith.addf %parallel_loop3A_213, %parallel_loop3A_214 : vector<16xf32>
          %parallel_loop3A_216 = arith.index_cast %parallel_loop3A_128 : i32 to index
          %parallel_loop3A_217 = arith.constant 64 : index
          %parallel_loop3A_218 = tpu.vector_load %arg8[%parallel_loop3A_216, %parallel_loop3A_217] {strides = array<i32>} : memref<40x128xf32, #tpu.memory_space<vmem>>, vector<16xf32>,
          tpu.vector_store %arg8[%parallel_loop3A_216, %parallel_loop3A_217], %parallel_loop3A_215 {strides = array<i32>} : memref<40x128xf32, #tpu.memory_space<vmem>>, vector<16xf32>,
          %parallel_loop3A_219 = arith.constant 128 : i32
          %parallel_loop3A_220 = arith.muli %parallel_loop3A_128, %parallel_loop3A_219 : i32
          %parallel_loop3A_221 = arith.constant 80 : i32
          %parallel_loop3A_222 = arith.addi %parallel_loop3A_220, %parallel_loop3A_221 : i32
          %parallel_loop3A_223 = arith.constant 0 : i32
          %parallel_loop3A_224 = arith.index_cast %parallel_loop3A_223 : i32 to index
          %parallel_loop3A_225 = arith.index_cast %parallel_loop3A_222 : i32 to index
          %parallel_loop3A_226 = tpu.vector_load %arg6[%parallel_loop3A_224, %parallel_loop3A_225] {strides = array<i32>} : memref<2x5120xi32, #tpu.memory_space<vmem>>, vector<16xi32>,
          %parallel_loop3A_227 = arith.constant 1 : i32
          %parallel_loop3A_228 = arith.index_cast %parallel_loop3A_227 : i32 to index
          %parallel_loop3A_229 = arith.index_cast %parallel_loop3A_222 : i32 to index
          %parallel_loop3A_230 = tpu.vector_load %arg6[%parallel_loop3A_228, %parallel_loop3A_229] {strides = array<i32>} : memref<2x5120xi32, #tpu.memory_space<vmem>>, vector<16xi32>,
          %parallel_loop3A_231 = tpu.vector_load_idx %arg5[%parallel_loop3A_226] : memref<100352xf32, #tpu.memory_space<vmem>>[vector<16xi32>], vector<16xf32>,
          %parallel_loop3A_232 = tpu.vector_load_idx %arg5[%parallel_loop3A_230] : memref<100352xf32, #tpu.memory_space<vmem>>[vector<16xi32>], vector<16xf32>,
          %parallel_loop3A_233 = arith.addf %parallel_loop3A_231, %parallel_loop3A_232 : vector<16xf32>
          %parallel_loop3A_234 = arith.index_cast %parallel_loop3A_128 : i32 to index
          %parallel_loop3A_235 = arith.constant 80 : index
          %parallel_loop3A_236 = tpu.vector_load %arg8[%parallel_loop3A_234, %parallel_loop3A_235] {strides = array<i32>} : memref<40x128xf32, #tpu.memory_space<vmem>>, vector<16xf32>,
          tpu.vector_store %arg8[%parallel_loop3A_234, %parallel_loop3A_235], %parallel_loop3A_233 {strides = array<i32>} : memref<40x128xf32, #tpu.memory_space<vmem>>, vector<16xf32>,
          %parallel_loop3A_237 = arith.constant 128 : i32
          %parallel_loop3A_238 = arith.muli %parallel_loop3A_128, %parallel_loop3A_237 : i32
          %parallel_loop3A_239 = arith.constant 96 : i32
          %parallel_loop3A_240 = arith.addi %parallel_loop3A_238, %parallel_loop3A_239 : i32
          %parallel_loop3A_241 = arith.constant 0 : i32
          %parallel_loop3A_242 = arith.index_cast %parallel_loop3A_241 : i32 to index
          %parallel_loop3A_243 = arith.index_cast %parallel_loop3A_240 : i32 to index
          %parallel_loop3A_244 = tpu.vector_load %arg6[%parallel_loop3A_242, %parallel_loop3A_243] {strides = array<i32>} : memref<2x5120xi32, #tpu.memory_space<vmem>>, vector<16xi32>,
          %parallel_loop3A_245 = arith.constant 1 : i32
          %parallel_loop3A_246 = arith.index_cast %parallel_loop3A_245 : i32 to index
          %parallel_loop3A_247 = arith.index_cast %parallel_loop3A_240 : i32 to index
          %parallel_loop3A_248 = tpu.vector_load %arg6[%parallel_loop3A_246, %parallel_loop3A_247] {strides = array<i32>} : memref<2x5120xi32, #tpu.memory_space<vmem>>, vector<16xi32>,
          %parallel_loop3A_249 = tpu.vector_load_idx %arg5[%parallel_loop3A_244] : memref<100352xf32, #tpu.memory_space<vmem>>[vector<16xi32>], vector<16xf32>,
          %parallel_loop3A_250 = tpu.vector_load_idx %arg5[%parallel_loop3A_248] : memref<100352xf32, #tpu.memory_space<vmem>>[vector<16xi32>], vector<16xf32>,
          %parallel_loop3A_251 = arith.addf %parallel_loop3A_249, %parallel_loop3A_250 : vector<16xf32>
          %parallel_loop3A_252 = arith.index_cast %parallel_loop3A_128 : i32 to index
          %parallel_loop3A_253 = arith.constant 96 : index
          %parallel_loop3A_254 = tpu.vector_load %arg8[%parallel_loop3A_252, %parallel_loop3A_253] {strides = array<i32>} : memref<40x128xf32, #tpu.memory_space<vmem>>, vector<16xf32>,
          tpu.vector_store %arg8[%parallel_loop3A_252, %parallel_loop3A_253], %parallel_loop3A_251 {strides = array<i32>} : memref<40x128xf32, #tpu.memory_space<vmem>>, vector<16xf32>,
          %parallel_loop3A_255 = arith.constant 128 : i32
          %parallel_loop3A_256 = arith.muli %parallel_loop3A_128, %parallel_loop3A_255 : i32
          %parallel_loop3A_257 = arith.constant 112 : i32
          %parallel_loop3A_258 = arith.addi %parallel_loop3A_256, %parallel_loop3A_257 : i32
          %parallel_loop3A_259 = arith.constant 0 : i32
          %parallel_loop3A_260 = arith.index_cast %parallel_loop3A_259 : i32 to index
          %parallel_loop3A_261 = arith.index_cast %parallel_loop3A_258 : i32 to index
          %parallel_loop3A_262 = tpu.vector_load %arg6[%parallel_loop3A_260, %parallel_loop3A_261] {strides = array<i32>} : memref<2x5120xi32, #tpu.memory_space<vmem>>, vector<16xi32>,
          %parallel_loop3A_263 = arith.constant 1 : i32
          %parallel_loop3A_264 = arith.index_cast %parallel_loop3A_263 : i32 to index
          %parallel_loop3A_265 = arith.index_cast %parallel_loop3A_258 : i32 to index
          %parallel_loop3A_266 = tpu.vector_load %arg6[%parallel_loop3A_264, %parallel_loop3A_265] {strides = array<i32>} : memref<2x5120xi32, #tpu.memory_space<vmem>>, vector<16xi32>,
          %parallel_loop3A_267 = tpu.vector_load_idx %arg5[%parallel_loop3A_262] : memref<100352xf32, #tpu.memory_space<vmem>>[vector<16xi32>], vector<16xf32>,
          %parallel_loop3A_268 = tpu.vector_load_idx %arg5[%parallel_loop3A_266] : memref<100352xf32, #tpu.memory_space<vmem>>[vector<16xi32>], vector<16xf32>,
          %parallel_loop3A_269 = arith.addf %parallel_loop3A_267, %parallel_loop3A_268 : vector<16xf32>
          %parallel_loop3A_270 = arith.index_cast %parallel_loop3A_128 : i32 to index
          %parallel_loop3A_271 = arith.constant 112 : index
          %parallel_loop3A_272 = tpu.vector_load %arg8[%parallel_loop3A_270, %parallel_loop3A_271] {strides = array<i32>} : memref<40x128xf32, #tpu.memory_space<vmem>>, vector<16xf32>,
          tpu.vector_store %arg8[%parallel_loop3A_270, %parallel_loop3A_271], %parallel_loop3A_269 {strides = array<i32>} : memref<40x128xf32, #tpu.memory_space<vmem>>, vector<16xf32>,
        } {sc.loop_unroll_factor = 8 : i64, sc.parallel_access}
        %mul3A_112 = arith.constant 32 : i32
        %mul3A_113 = arith.muli %add3A_85, %mul3A_112 : i32
        %add3A_114 = arith.addi %add3A, %mul3A_113 : i32
        %mul3A_115 = arith.constant 40 : i32
        %mul3A_116 = arith.muli %add3A_114, %mul3A_115 : i32
        %multiple_of3A_117 = tpu.assume_multiple %mul3A_116, 8 : i32
        %dma_start3A_118 = arith.constant 0 : i32
        %dma_start3A_119 = tpu.memref_slice %arg4[%multiple_of3A_117, %dma_start3A_118] : memref<50000x128xf32, #tpu.memory_space<hbm>> -> memref<40x128xf32, #tpu.memory_space<hbm>>
        %dma_start3A_120 = arith.constant 0 : i32
        %dma_start3A_121 = tpu.memref_slice %arg4[%multiple_of3A_117, %dma_start3A_120] : memref<50000x128xf32, #tpu.memory_space<hbm>> -> memref<40x128xf32, #tpu.memory_space<hbm>>
        tpu.enqueue_dma source(%arg8 : memref<40x128xf32, #tpu.memory_space<vmem>>) target(%dma_start3A_121 : memref<40x128xf32, #tpu.memory_space<hbm>>) target_semaphore(%arg13 : memref<!tpu.dma_semaphore, #tpu.memory_space<semaphore_mem>>)
        %add3A_122 = arith.constant 2 : i32
        %add3A_123 = arith.addi %add3A_85, %add3A_122 : i32
        %lt3A_124 = arith.cmpi slt, %add3A_123, %select_n3A : i32
        %convert_element_type3A_125 = arith.extui %lt3A_124 : i1 to i32
        %cond3A_126 = arith.constant 0 : i32
        %cond3A_127 = arith.cmpi ne, %convert_element_type3A_125, %cond3A_126 : i32
        scf.if %cond3A_127 {
          %add3A_128 = arith.constant 2 : i32
          %add3A_129 = arith.addi %add3A_85, %add3A_128 : i32
          %mul3A_130 = arith.constant 32 : i32
          %mul3A_131 = arith.muli %add3A_129, %mul3A_130 : i32
          %add3A_132 = arith.addi %add3A, %mul3A_131 : i32
          %mul3A_133 = arith.constant 5120 : i32
          %mul3A_134 = arith.muli %add3A_132, %mul3A_133 : i32
          %multiple_of3A_135 = tpu.assume_multiple %mul3A_134, 128 : i32
          %dma_start3A_136 = arith.constant 0 : i32
          %dma_start3A_137 = tpu.memref_slice %arg3[%dma_start3A_136, %multiple_of3A_135] : memref<2x6400000xi32, #tpu.memory_space<hbm>> -> memref<2x5120xi32, #tpu.memory_space<hbm>>
          %dma_start3A_138 = arith.constant 0 : i32
          %dma_start3A_139 = tpu.memref_slice %arg3[%dma_start3A_138, %multiple_of3A_135] : memref<2x6400000xi32, #tpu.memory_space<hbm>> -> memref<2x5120xi32, #tpu.memory_space<hbm>>
          tpu.enqueue_dma source(%dma_start3A_139 : memref<2x5120xi32, #tpu.memory_space<hbm>>) target(%arg6 : memref<2x5120xi32, #tpu.memory_space<vmem>>) target_semaphore(%arg11 : memref<!tpu.dma_semaphore, #tpu.memory_space<semaphore_mem>>)
        } else {
        }
      } else {
      }
      %mul3A_89 = arith.constant 2 : i32
      %mul3A_90 = arith.muli %while3A_81, %mul3A_89 : i32
      %add3A_91 = arith.constant 1 : i32
      %add3A_92 = arith.addi %mul3A_90, %add3A_91 : i32
      %lt3A_93 = arith.cmpi slt, %add3A_92, %select_n3A : i32
      %convert_element_type3A_94 = arith.extui %lt3A_93 : i1 to i32
      %cond3A_95 = arith.constant 0 : i32
      %cond3A_96 = arith.cmpi ne, %convert_element_type3A_94, %cond3A_95 : i32
      scf.if %cond3A_96 {
        %mul3A_97 = arith.constant 32 : i32
        %mul3A_98 = arith.muli %add3A_92, %mul3A_97 : i32
        %add3A_99 = arith.addi %add3A, %mul3A_98 : i32
        %mul3A_100 = arith.constant 5120 : i32
        %mul3A_101 = arith.muli %add3A_99, %mul3A_100 : i32
        %multiple_of3A = tpu.assume_multiple %mul3A_101, 128 : i32
        %dma_wait3A_102 = arith.constant 0 : i32
        %dma_wait3A_103 = tpu.memref_slice %arg3[%dma_wait3A_102, %multiple_of3A] : memref<2x6400000xi32, #tpu.memory_space<hbm>> -> memref<2x5120xi32, #tpu.memory_space<hbm>>
        %dma_wait3A_104 = arith.constant 0 : i32
        %dma_wait3A_105 = tpu.memref_slice %arg3[%dma_wait3A_104, %multiple_of3A] : memref<2x6400000xi32, #tpu.memory_space<hbm>> -> memref<2x5120xi32, #tpu.memory_space<hbm>>
        tpu.wait_dma2 semaphore(%arg12 : memref<!tpu.dma_semaphore, #tpu.memory_space<semaphore_mem>>) src(%dma_wait3A_105 : memref<2x5120xi32, #tpu.memory_space<hbm>>) dst(%arg7 : memref<2x5120xi32, #tpu.memory_space<vmem>>)
        %ge3A = arith.constant 2 : i32
        %ge3A_106 = arith.cmpi sge, %add3A_92, %ge3A : i32
        %convert_element_type3A_107 = arith.extui %ge3A_106 : i1 to i32
        %cond3A_108 = arith.constant 0 : i32
        %cond3A_109 = arith.cmpi ne, %convert_element_type3A_107, %cond3A_108 : i32
        scf.if %cond3A_109 {
          %sub3A_128 = arith.constant 2 : i32
          %sub3A_129 = arith.subi %add3A_92, %sub3A_128 : i32
          %mul3A_130 = arith.constant 32 : i32
          %mul3A_131 = arith.muli %sub3A_129, %mul3A_130 : i32
          %add3A_132 = arith.addi %add3A, %mul3A_131 : i32
          %mul3A_133 = arith.constant 40 : i32
          %mul3A_134 = arith.muli %add3A_132, %mul3A_133 : i32
          %multiple_of3A_135 = tpu.assume_multiple %mul3A_134, 8 : i32
          %dma_wait3A_136 = arith.constant 0 : i32
          %dma_wait3A_137 = tpu.memref_slice %arg4[%multiple_of3A_135, %dma_wait3A_136] : memref<50000x128xf32, #tpu.memory_space<hbm>> -> memref<40x128xf32, #tpu.memory_space<hbm>>
          %dma_wait3A_138 = arith.constant 0 : i32
          %dma_wait3A_139 = tpu.memref_slice %arg4[%multiple_of3A_135, %dma_wait3A_138] : memref<50000x128xf32, #tpu.memory_space<hbm>> -> memref<40x128xf32, #tpu.memory_space<hbm>>
          tpu.wait_dma2 semaphore(%arg14 : memref<!tpu.dma_semaphore, #tpu.memory_space<semaphore_mem>>) src(%arg9 : memref<40x128xf32, #tpu.memory_space<vmem>>) dst(%dma_wait3A_139 : memref<40x128xf32, #tpu.memory_space<hbm>>)
        } else {
        }
        %parallel_loop3A = arith.constant 0 : i32
        %parallel_loop3A_110 = arith.constant 40 : i32
        %parallel_loop3A_111 = arith.constant 1 : i32
        scf.for %parallel_loop3A_128 = %parallel_loop3A to %parallel_loop3A_110 step %parallel_loop3A_111  : i32 {
          %parallel_loop3A_129 = arith.constant 128 : i32
          %parallel_loop3A_130 = arith.muli %parallel_loop3A_128, %parallel_loop3A_129 : i32
          %parallel_loop3A_131 = arith.constant 0 : i32
          %parallel_loop3A_132 = arith.addi %parallel_loop3A_130, %parallel_loop3A_131 : i32
          %parallel_loop3A_133 = arith.constant 0 : i32
          %parallel_loop3A_134 = arith.index_cast %parallel_loop3A_133 : i32 to index
          %parallel_loop3A_135 = arith.index_cast %parallel_loop3A_132 : i32 to index
          %parallel_loop3A_136 = tpu.vector_load %arg7[%parallel_loop3A_134, %parallel_loop3A_135] {strides = array<i32>} : memref<2x5120xi32, #tpu.memory_space<vmem>>, vector<16xi32>,
          %parallel_loop3A_137 = arith.constant 1 : i32
          %parallel_loop3A_138 = arith.index_cast %parallel_loop3A_137 : i32 to index
          %parallel_loop3A_139 = arith.index_cast %parallel_loop3A_132 : i32 to index
          %parallel_loop3A_140 = tpu.vector_load %arg7[%parallel_loop3A_138, %parallel_loop3A_139] {strides = array<i32>} : memref<2x5120xi32, #tpu.memory_space<vmem>>, vector<16xi32>,
          %parallel_loop3A_141 = tpu.vector_load_idx %arg5[%parallel_loop3A_136] : memref<100352xf32, #tpu.memory_space<vmem>>[vector<16xi32>], vector<16xf32>,
          %parallel_loop3A_142 = tpu.vector_load_idx %arg5[%parallel_loop3A_140] : memref<100352xf32, #tpu.memory_space<vmem>>[vector<16xi32>], vector<16xf32>,
          %parallel_loop3A_143 = arith.addf %parallel_loop3A_141, %parallel_loop3A_142 : vector<16xf32>
          %parallel_loop3A_144 = arith.index_cast %parallel_loop3A_128 : i32 to index
          %parallel_loop3A_145 = arith.constant 0 : index
          %parallel_loop3A_146 = tpu.vector_load %arg9[%parallel_loop3A_144, %parallel_loop3A_145] {strides = array<i32>} : memref<40x128xf32, #tpu.memory_space<vmem>>, vector<16xf32>,
          tpu.vector_store %arg9[%parallel_loop3A_144, %parallel_loop3A_145], %parallel_loop3A_143 {strides = array<i32>} : memref<40x128xf32, #tpu.memory_space<vmem>>, vector<16xf32>,
          %parallel_loop3A_147 = arith.constant 128 : i32
          %parallel_loop3A_148 = arith.muli %parallel_loop3A_128, %parallel_loop3A_147 : i32
          %parallel_loop3A_149 = arith.constant 16 : i32
          %parallel_loop3A_150 = arith.addi %parallel_loop3A_148, %parallel_loop3A_149 : i32
          %parallel_loop3A_151 = arith.constant 0 : i32
          %parallel_loop3A_152 = arith.index_cast %parallel_loop3A_151 : i32 to index
          %parallel_loop3A_153 = arith.index_cast %parallel_loop3A_150 : i32 to index
          %parallel_loop3A_154 = tpu.vector_load %arg7[%parallel_loop3A_152, %parallel_loop3A_153] {strides = array<i32>} : memref<2x5120xi32, #tpu.memory_space<vmem>>, vector<16xi32>,
          %parallel_loop3A_155 = arith.constant 1 : i32
          %parallel_loop3A_156 = arith.index_cast %parallel_loop3A_155 : i32 to index
          %parallel_loop3A_157 = arith.index_cast %parallel_loop3A_150 : i32 to index
          %parallel_loop3A_158 = tpu.vector_load %arg7[%parallel_loop3A_156, %parallel_loop3A_157] {strides = array<i32>} : memref<2x5120xi32, #tpu.memory_space<vmem>>, vector<16xi32>,
          %parallel_loop3A_159 = tpu.vector_load_idx %arg5[%parallel_loop3A_154] : memref<100352xf32, #tpu.memory_space<vmem>>[vector<16xi32>], vector<16xf32>,
          %parallel_loop3A_160 = tpu.vector_load_idx %arg5[%parallel_loop3A_158] : memref<100352xf32, #tpu.memory_space<vmem>>[vector<16xi32>], vector<16xf32>,
          %parallel_loop3A_161 = arith.addf %parallel_loop3A_159, %parallel_loop3A_160 : vector<16xf32>
          %parallel_loop3A_162 = arith.index_cast %parallel_loop3A_128 : i32 to index
          %parallel_loop3A_163 = arith.constant 16 : index
          %parallel_loop3A_164 = tpu.vector_load %arg9[%parallel_loop3A_162, %parallel_loop3A_163] {strides = array<i32>} : memref<40x128xf32, #tpu.memory_space<vmem>>, vector<16xf32>,
          tpu.vector_store %arg9[%parallel_loop3A_162, %parallel_loop3A_163], %parallel_loop3A_161 {strides = array<i32>} : memref<40x128xf32, #tpu.memory_space<vmem>>, vector<16xf32>,
          %parallel_loop3A_165 = arith.constant 128 : i32
          %parallel_loop3A_166 = arith.muli %parallel_loop3A_128, %parallel_loop3A_165 : i32
          %parallel_loop3A_167 = arith.constant 32 : i32
          %parallel_loop3A_168 = arith.addi %parallel_loop3A_166, %parallel_loop3A_167 : i32
          %parallel_loop3A_169 = arith.constant 0 : i32
          %parallel_loop3A_170 = arith.index_cast %parallel_loop3A_169 : i32 to index
          %parallel_loop3A_171 = arith.index_cast %parallel_loop3A_168 : i32 to index
          %parallel_loop3A_172 = tpu.vector_load %arg7[%parallel_loop3A_170, %parallel_loop3A_171] {strides = array<i32>} : memref<2x5120xi32, #tpu.memory_space<vmem>>, vector<16xi32>,
          %parallel_loop3A_173 = arith.constant 1 : i32
          %parallel_loop3A_174 = arith.index_cast %parallel_loop3A_173 : i32 to index
          %parallel_loop3A_175 = arith.index_cast %parallel_loop3A_168 : i32 to index
          %parallel_loop3A_176 = tpu.vector_load %arg7[%parallel_loop3A_174, %parallel_loop3A_175] {strides = array<i32>} : memref<2x5120xi32, #tpu.memory_space<vmem>>, vector<16xi32>,
          %parallel_loop3A_177 = tpu.vector_load_idx %arg5[%parallel_loop3A_172] : memref<100352xf32, #tpu.memory_space<vmem>>[vector<16xi32>], vector<16xf32>,
          %parallel_loop3A_178 = tpu.vector_load_idx %arg5[%parallel_loop3A_176] : memref<100352xf32, #tpu.memory_space<vmem>>[vector<16xi32>], vector<16xf32>,
          %parallel_loop3A_179 = arith.addf %parallel_loop3A_177, %parallel_loop3A_178 : vector<16xf32>
          %parallel_loop3A_180 = arith.index_cast %parallel_loop3A_128 : i32 to index
          %parallel_loop3A_181 = arith.constant 32 : index
          %parallel_loop3A_182 = tpu.vector_load %arg9[%parallel_loop3A_180, %parallel_loop3A_181] {strides = array<i32>} : memref<40x128xf32, #tpu.memory_space<vmem>>, vector<16xf32>,
          tpu.vector_store %arg9[%parallel_loop3A_180, %parallel_loop3A_181], %parallel_loop3A_179 {strides = array<i32>} : memref<40x128xf32, #tpu.memory_space<vmem>>, vector<16xf32>,
          %parallel_loop3A_183 = arith.constant 128 : i32
          %parallel_loop3A_184 = arith.muli %parallel_loop3A_128, %parallel_loop3A_183 : i32
          %parallel_loop3A_185 = arith.constant 48 : i32
          %parallel_loop3A_186 = arith.addi %parallel_loop3A_184, %parallel_loop3A_185 : i32
          %parallel_loop3A_187 = arith.constant 0 : i32
          %parallel_loop3A_188 = arith.index_cast %parallel_loop3A_187 : i32 to index
          %parallel_loop3A_189 = arith.index_cast %parallel_loop3A_186 : i32 to index
          %parallel_loop3A_190 = tpu.vector_load %arg7[%parallel_loop3A_188, %parallel_loop3A_189] {strides = array<i32>} : memref<2x5120xi32, #tpu.memory_space<vmem>>, vector<16xi32>,
          %parallel_loop3A_191 = arith.constant 1 : i32
          %parallel_loop3A_192 = arith.index_cast %parallel_loop3A_191 : i32 to index
          %parallel_loop3A_193 = arith.index_cast %parallel_loop3A_186 : i32 to index
          %parallel_loop3A_194 = tpu.vector_load %arg7[%parallel_loop3A_192, %parallel_loop3A_193] {strides = array<i32>} : memref<2x5120xi32, #tpu.memory_space<vmem>>, vector<16xi32>,
          %parallel_loop3A_195 = tpu.vector_load_idx %arg5[%parallel_loop3A_190] : memref<100352xf32, #tpu.memory_space<vmem>>[vector<16xi32>], vector<16xf32>,
          %parallel_loop3A_196 = tpu.vector_load_idx %arg5[%parallel_loop3A_194] : memref<100352xf32, #tpu.memory_space<vmem>>[vector<16xi32>], vector<16xf32>,
          %parallel_loop3A_197 = arith.addf %parallel_loop3A_195, %parallel_loop3A_196 : vector<16xf32>
          %parallel_loop3A_198 = arith.index_cast %parallel_loop3A_128 : i32 to index
          %parallel_loop3A_199 = arith.constant 48 : index
          %parallel_loop3A_200 = tpu.vector_load %arg9[%parallel_loop3A_198, %parallel_loop3A_199] {strides = array<i32>} : memref<40x128xf32, #tpu.memory_space<vmem>>, vector<16xf32>,
          tpu.vector_store %arg9[%parallel_loop3A_198, %parallel_loop3A_199], %parallel_loop3A_197 {strides = array<i32>} : memref<40x128xf32, #tpu.memory_space<vmem>>, vector<16xf32>,
          %parallel_loop3A_201 = arith.constant 128 : i32
          %parallel_loop3A_202 = arith.muli %parallel_loop3A_128, %parallel_loop3A_201 : i32
          %parallel_loop3A_203 = arith.constant 64 : i32
          %parallel_loop3A_204 = arith.addi %parallel_loop3A_202, %parallel_loop3A_203 : i32
          %parallel_loop3A_205 = arith.constant 0 : i32
          %parallel_loop3A_206 = arith.index_cast %parallel_loop3A_205 : i32 to index
          %parallel_loop3A_207 = arith.index_cast %parallel_loop3A_204 : i32 to index
          %parallel_loop3A_208 = tpu.vector_load %arg7[%parallel_loop3A_206, %parallel_loop3A_207] {strides = array<i32>} : memref<2x5120xi32, #tpu.memory_space<vmem>>, vector<16xi32>,
          %parallel_loop3A_209 = arith.constant 1 : i32
          %parallel_loop3A_210 = arith.index_cast %parallel_loop3A_209 : i32 to index
          %parallel_loop3A_211 = arith.index_cast %parallel_loop3A_204 : i32 to index
          %parallel_loop3A_212 = tpu.vector_load %arg7[%parallel_loop3A_210, %parallel_loop3A_211] {strides = array<i32>} : memref<2x5120xi32, #tpu.memory_space<vmem>>, vector<16xi32>,
          %parallel_loop3A_213 = tpu.vector_load_idx %arg5[%parallel_loop3A_208] : memref<100352xf32, #tpu.memory_space<vmem>>[vector<16xi32>], vector<16xf32>,
          %parallel_loop3A_214 = tpu.vector_load_idx %arg5[%parallel_loop3A_212] : memref<100352xf32, #tpu.memory_space<vmem>>[vector<16xi32>], vector<16xf32>,
          %parallel_loop3A_215 = arith.addf %parallel_loop3A_213, %parallel_loop3A_214 : vector<16xf32>
          %parallel_loop3A_216 = arith.index_cast %parallel_loop3A_128 : i32 to index
          %parallel_loop3A_217 = arith.constant 64 : index
          %parallel_loop3A_218 = tpu.vector_load %arg9[%parallel_loop3A_216, %parallel_loop3A_217] {strides = array<i32>} : memref<40x128xf32, #tpu.memory_space<vmem>>, vector<16xf32>,
          tpu.vector_store %arg9[%parallel_loop3A_216, %parallel_loop3A_217], %parallel_loop3A_215 {strides = array<i32>} : memref<40x128xf32, #tpu.memory_space<vmem>>, vector<16xf32>,
          %parallel_loop3A_219 = arith.constant 128 : i32
          %parallel_loop3A_220 = arith.muli %parallel_loop3A_128, %parallel_loop3A_219 : i32
          %parallel_loop3A_221 = arith.constant 80 : i32
          %parallel_loop3A_222 = arith.addi %parallel_loop3A_220, %parallel_loop3A_221 : i32
          %parallel_loop3A_223 = arith.constant 0 : i32
          %parallel_loop3A_224 = arith.index_cast %parallel_loop3A_223 : i32 to index
          %parallel_loop3A_225 = arith.index_cast %parallel_loop3A_222 : i32 to index
          %parallel_loop3A_226 = tpu.vector_load %arg7[%parallel_loop3A_224, %parallel_loop3A_225] {strides = array<i32>} : memref<2x5120xi32, #tpu.memory_space<vmem>>, vector<16xi32>,
          %parallel_loop3A_227 = arith.constant 1 : i32
          %parallel_loop3A_228 = arith.index_cast %parallel_loop3A_227 : i32 to index
          %parallel_loop3A_229 = arith.index_cast %parallel_loop3A_222 : i32 to index
          %parallel_loop3A_230 = tpu.vector_load %arg7[%parallel_loop3A_228, %parallel_loop3A_229] {strides = array<i32>} : memref<2x5120xi32, #tpu.memory_space<vmem>>, vector<16xi32>,
          %parallel_loop3A_231 = tpu.vector_load_idx %arg5[%parallel_loop3A_226] : memref<100352xf32, #tpu.memory_space<vmem>>[vector<16xi32>], vector<16xf32>,
          %parallel_loop3A_232 = tpu.vector_load_idx %arg5[%parallel_loop3A_230] : memref<100352xf32, #tpu.memory_space<vmem>>[vector<16xi32>], vector<16xf32>,
          %parallel_loop3A_233 = arith.addf %parallel_loop3A_231, %parallel_loop3A_232 : vector<16xf32>
          %parallel_loop3A_234 = arith.index_cast %parallel_loop3A_128 : i32 to index
          %parallel_loop3A_235 = arith.constant 80 : index
          %parallel_loop3A_236 = tpu.vector_load %arg9[%parallel_loop3A_234, %parallel_loop3A_235] {strides = array<i32>} : memref<40x128xf32, #tpu.memory_space<vmem>>, vector<16xf32>,
          tpu.vector_store %arg9[%parallel_loop3A_234, %parallel_loop3A_235], %parallel_loop3A_233 {strides = array<i32>} : memref<40x128xf32, #tpu.memory_space<vmem>>, vector<16xf32>,
          %parallel_loop3A_237 = arith.constant 128 : i32
          %parallel_loop3A_238 = arith.muli %parallel_loop3A_128, %parallel_loop3A_237 : i32
          %parallel_loop3A_239 = arith.constant 96 : i32
          %parallel_loop3A_240 = arith.addi %parallel_loop3A_238, %parallel_loop3A_239 : i32
          %parallel_loop3A_241 = arith.constant 0 : i32
          %parallel_loop3A_242 = arith.index_cast %parallel_loop3A_241 : i32 to index
          %parallel_loop3A_243 = arith.index_cast %parallel_loop3A_240 : i32 to index
          %parallel_loop3A_244 = tpu.vector_load %arg7[%parallel_loop3A_242, %parallel_loop3A_243] {strides = array<i32>} : memref<2x5120xi32, #tpu.memory_space<vmem>>, vector<16xi32>,
          %parallel_loop3A_245 = arith.constant 1 : i32
          %parallel_loop3A_246 = arith.index_cast %parallel_loop3A_245 : i32 to index
          %parallel_loop3A_247 = arith.index_cast %parallel_loop3A_240 : i32 to index
          %parallel_loop3A_248 = tpu.vector_load %arg7[%parallel_loop3A_246, %parallel_loop3A_247] {strides = array<i32>} : memref<2x5120xi32, #tpu.memory_space<vmem>>, vector<16xi32>,
          %parallel_loop3A_249 = tpu.vector_load_idx %arg5[%parallel_loop3A_244] : memref<100352xf32, #tpu.memory_space<vmem>>[vector<16xi32>], vector<16xf32>,
          %parallel_loop3A_250 = tpu.vector_load_idx %arg5[%parallel_loop3A_248] : memref<100352xf32, #tpu.memory_space<vmem>>[vector<16xi32>], vector<16xf32>,
          %parallel_loop3A_251 = arith.addf %parallel_loop3A_249, %parallel_loop3A_250 : vector<16xf32>
          %parallel_loop3A_252 = arith.index_cast %parallel_loop3A_128 : i32 to index
          %parallel_loop3A_253 = arith.constant 96 : index
          %parallel_loop3A_254 = tpu.vector_load %arg9[%parallel_loop3A_252, %parallel_loop3A_253] {strides = array<i32>} : memref<40x128xf32, #tpu.memory_space<vmem>>, vector<16xf32>,
          tpu.vector_store %arg9[%parallel_loop3A_252, %parallel_loop3A_253], %parallel_loop3A_251 {strides = array<i32>} : memref<40x128xf32, #tpu.memory_space<vmem>>, vector<16xf32>,
          %parallel_loop3A_255 = arith.constant 128 : i32
          %parallel_loop3A_256 = arith.muli %parallel_loop3A_128, %parallel_loop3A_255 : i32
          %parallel_loop3A_257 = arith.constant 112 : i32
          %parallel_loop3A_258 = arith.addi %parallel_loop3A_256, %parallel_loop3A_257 : i32
          %parallel_loop3A_259 = arith.constant 0 : i32
          %parallel_loop3A_260 = arith.index_cast %parallel_loop3A_259 : i32 to index
          %parallel_loop3A_261 = arith.index_cast %parallel_loop3A_258 : i32 to index
          %parallel_loop3A_262 = tpu.vector_load %arg7[%parallel_loop3A_260, %parallel_loop3A_261] {strides = array<i32>} : memref<2x5120xi32, #tpu.memory_space<vmem>>, vector<16xi32>,
          %parallel_loop3A_263 = arith.constant 1 : i32
          %parallel_loop3A_264 = arith.index_cast %parallel_loop3A_263 : i32 to index
          %parallel_loop3A_265 = arith.index_cast %parallel_loop3A_258 : i32 to index
          %parallel_loop3A_266 = tpu.vector_load %arg7[%parallel_loop3A_264, %parallel_loop3A_265] {strides = array<i32>} : memref<2x5120xi32, #tpu.memory_space<vmem>>, vector<16xi32>,
          %parallel_loop3A_267 = tpu.vector_load_idx %arg5[%parallel_loop3A_262] : memref<100352xf32, #tpu.memory_space<vmem>>[vector<16xi32>], vector<16xf32>,
          %parallel_loop3A_268 = tpu.vector_load_idx %arg5[%parallel_loop3A_266] : memref<100352xf32, #tpu.memory_space<vmem>>[vector<16xi32>], vector<16xf32>,
          %parallel_loop3A_269 = arith.addf %parallel_loop3A_267, %parallel_loop3A_268 : vector<16xf32>
          %parallel_loop3A_270 = arith.index_cast %parallel_loop3A_128 : i32 to index
          %parallel_loop3A_271 = arith.constant 112 : index
          %parallel_loop3A_272 = tpu.vector_load %arg9[%parallel_loop3A_270, %parallel_loop3A_271] {strides = array<i32>} : memref<40x128xf32, #tpu.memory_space<vmem>>, vector<16xf32>,
          tpu.vector_store %arg9[%parallel_loop3A_270, %parallel_loop3A_271], %parallel_loop3A_269 {strides = array<i32>} : memref<40x128xf32, #tpu.memory_space<vmem>>, vector<16xf32>,
        } {sc.loop_unroll_factor = 8 : i64, sc.parallel_access}
        %mul3A_112 = arith.constant 32 : i32
        %mul3A_113 = arith.muli %add3A_92, %mul3A_112 : i32
        %add3A_114 = arith.addi %add3A, %mul3A_113 : i32
        %mul3A_115 = arith.constant 40 : i32
        %mul3A_116 = arith.muli %add3A_114, %mul3A_115 : i32
        %multiple_of3A_117 = tpu.assume_multiple %mul3A_116, 8 : i32
        %dma_start3A_118 = arith.constant 0 : i32
        %dma_start3A_119 = tpu.memref_slice %arg4[%multiple_of3A_117, %dma_start3A_118] : memref<50000x128xf32, #tpu.memory_space<hbm>> -> memref<40x128xf32, #tpu.memory_space<hbm>>
        %dma_start3A_120 = arith.constant 0 : i32
        %dma_start3A_121 = tpu.memref_slice %arg4[%multiple_of3A_117, %dma_start3A_120] : memref<50000x128xf32, #tpu.memory_space<hbm>> -> memref<40x128xf32, #tpu.memory_space<hbm>>
        tpu.enqueue_dma source(%arg9 : memref<40x128xf32, #tpu.memory_space<vmem>>) target(%dma_start3A_121 : memref<40x128xf32, #tpu.memory_space<hbm>>) target_semaphore(%arg14 : memref<!tpu.dma_semaphore, #tpu.memory_space<semaphore_mem>>)
        %add3A_122 = arith.constant 2 : i32
        %add3A_123 = arith.addi %add3A_92, %add3A_122 : i32
        %lt3A_124 = arith.cmpi slt, %add3A_123, %select_n3A : i32
        %convert_element_type3A_125 = arith.extui %lt3A_124 : i1 to i32
        %cond3A_126 = arith.constant 0 : i32
        %cond3A_127 = arith.cmpi ne, %convert_element_type3A_125, %cond3A_126 : i32
        scf.if %cond3A_127 {
          %add3A_128 = arith.constant 2 : i32
          %add3A_129 = arith.addi %add3A_92, %add3A_128 : i32
          %mul3A_130 = arith.constant 32 : i32
          %mul3A_131 = arith.muli %add3A_129, %mul3A_130 : i32
          %add3A_132 = arith.addi %add3A, %mul3A_131 : i32
          %mul3A_133 = arith.constant 5120 : i32
          %mul3A_134 = arith.muli %add3A_132, %mul3A_133 : i32
          %multiple_of3A_135 = tpu.assume_multiple %mul3A_134, 128 : i32
          %dma_start3A_136 = arith.constant 0 : i32
          %dma_start3A_137 = tpu.memref_slice %arg3[%dma_start3A_136, %multiple_of3A_135] : memref<2x6400000xi32, #tpu.memory_space<hbm>> -> memref<2x5120xi32, #tpu.memory_space<hbm>>
          %dma_start3A_138 = arith.constant 0 : i32
          %dma_start3A_139 = tpu.memref_slice %arg3[%dma_start3A_138, %multiple_of3A_135] : memref<2x6400000xi32, #tpu.memory_space<hbm>> -> memref<2x5120xi32, #tpu.memory_space<hbm>>
          tpu.enqueue_dma source(%dma_start3A_139 : memref<2x5120xi32, #tpu.memory_space<hbm>>) target(%arg7 : memref<2x5120xi32, #tpu.memory_space<vmem>>) target_semaphore(%arg12 : memref<!tpu.dma_semaphore, #tpu.memory_space<semaphore_mem>>)
        } else {
        }
      } else {
      }
    }
    %while3A_70 = arith.constant 1 : i32
    scf.for %while3A_81 = %while3A_68 to %while3A_64 step %while3A_70  : i32 {
      %mul3A_82 = arith.constant 2 : i32
      %mul3A_83 = arith.muli %while3A_81, %mul3A_82 : i32
      %add3A_84 = arith.constant 0 : i32
      %add3A_85 = arith.addi %mul3A_83, %add3A_84 : i32
      %lt3A = arith.cmpi slt, %add3A_85, %select_n3A : i32
      %convert_element_type3A_86 = arith.extui %lt3A : i1 to i32
      %cond3A_87 = arith.constant 0 : i32
      %cond3A_88 = arith.cmpi ne, %convert_element_type3A_86, %cond3A_87 : i32
      scf.if %cond3A_88 {
        %mul3A_97 = arith.constant 32 : i32
        %mul3A_98 = arith.muli %add3A_85, %mul3A_97 : i32
        %add3A_99 = arith.addi %add3A, %mul3A_98 : i32
        %mul3A_100 = arith.constant 5120 : i32
        %mul3A_101 = arith.muli %add3A_99, %mul3A_100 : i32
        %multiple_of3A = tpu.assume_multiple %mul3A_101, 128 : i32
        %dma_wait3A_102 = arith.constant 0 : i32
        %dma_wait3A_103 = tpu.memref_slice %arg3[%dma_wait3A_102, %multiple_of3A] : memref<2x6400000xi32, #tpu.memory_space<hbm>> -> memref<2x5120xi32, #tpu.memory_space<hbm>>
        %dma_wait3A_104 = arith.constant 0 : i32
        %dma_wait3A_105 = tpu.memref_slice %arg3[%dma_wait3A_104, %multiple_of3A] : memref<2x6400000xi32, #tpu.memory_space<hbm>> -> memref<2x5120xi32, #tpu.memory_space<hbm>>
        tpu.wait_dma2 semaphore(%arg11 : memref<!tpu.dma_semaphore, #tpu.memory_space<semaphore_mem>>) src(%dma_wait3A_105 : memref<2x5120xi32, #tpu.memory_space<hbm>>) dst(%arg6 : memref<2x5120xi32, #tpu.memory_space<vmem>>)
        %ge3A = arith.constant 2 : i32
        %ge3A_106 = arith.cmpi sge, %add3A_85, %ge3A : i32
        %convert_element_type3A_107 = arith.extui %ge3A_106 : i1 to i32
        %cond3A_108 = arith.constant 0 : i32
        %cond3A_109 = arith.cmpi ne, %convert_element_type3A_107, %cond3A_108 : i32
        scf.if %cond3A_109 {
          %sub3A_128 = arith.constant 2 : i32
          %sub3A_129 = arith.subi %add3A_85, %sub3A_128 : i32
          %mul3A_130 = arith.constant 32 : i32
          %mul3A_131 = arith.muli %sub3A_129, %mul3A_130 : i32
          %add3A_132 = arith.addi %add3A, %mul3A_131 : i32
          %mul3A_133 = arith.constant 40 : i32
          %mul3A_134 = arith.muli %add3A_132, %mul3A_133 : i32
          %multiple_of3A_135 = tpu.assume_multiple %mul3A_134, 8 : i32
          %dma_wait3A_136 = arith.constant 0 : i32
          %dma_wait3A_137 = tpu.memref_slice %arg4[%multiple_of3A_135, %dma_wait3A_136] : memref<50000x128xf32, #tpu.memory_space<hbm>> -> memref<40x128xf32, #tpu.memory_space<hbm>>
          %dma_wait3A_138 = arith.constant 0 : i32
          %dma_wait3A_139 = tpu.memref_slice %arg4[%multiple_of3A_135, %dma_wait3A_138] : memref<50000x128xf32, #tpu.memory_space<hbm>> -> memref<40x128xf32, #tpu.memory_space<hbm>>
          tpu.wait_dma2 semaphore(%arg13 : memref<!tpu.dma_semaphore, #tpu.memory_space<semaphore_mem>>) src(%arg8 : memref<40x128xf32, #tpu.memory_space<vmem>>) dst(%dma_wait3A_139 : memref<40x128xf32, #tpu.memory_space<hbm>>)
        } else {
        }
        %parallel_loop3A = arith.constant 0 : i32
        %parallel_loop3A_110 = arith.constant 40 : i32
        %parallel_loop3A_111 = arith.constant 1 : i32
        scf.for %parallel_loop3A_128 = %parallel_loop3A to %parallel_loop3A_110 step %parallel_loop3A_111  : i32 {
          %parallel_loop3A_129 = arith.constant 128 : i32
          %parallel_loop3A_130 = arith.muli %parallel_loop3A_128, %parallel_loop3A_129 : i32
          %parallel_loop3A_131 = arith.constant 0 : i32
          %parallel_loop3A_132 = arith.addi %parallel_loop3A_130, %parallel_loop3A_131 : i32
          %parallel_loop3A_133 = arith.constant 0 : i32
          %parallel_loop3A_134 = arith.index_cast %parallel_loop3A_133 : i32 to index
          %parallel_loop3A_135 = arith.index_cast %parallel_loop3A_132 : i32 to index
          %parallel_loop3A_136 = tpu.vector_load %arg6[%parallel_loop3A_134, %parallel_loop3A_135] {strides = array<i32>} : memref<2x5120xi32, #tpu.memory_space<vmem>>, vector<16xi32>,
          %parallel_loop3A_137 = arith.constant 1 : i32
          %parallel_loop3A_138 = arith.index_cast %parallel_loop3A_137 : i32 to index
          %parallel_loop3A_139 = arith.index_cast %parallel_loop3A_132 : i32 to index
          %parallel_loop3A_140 = tpu.vector_load %arg6[%parallel_loop3A_138, %parallel_loop3A_139] {strides = array<i32>} : memref<2x5120xi32, #tpu.memory_space<vmem>>, vector<16xi32>,
          %parallel_loop3A_141 = tpu.vector_load_idx %arg5[%parallel_loop3A_136] : memref<100352xf32, #tpu.memory_space<vmem>>[vector<16xi32>], vector<16xf32>,
          %parallel_loop3A_142 = tpu.vector_load_idx %arg5[%parallel_loop3A_140] : memref<100352xf32, #tpu.memory_space<vmem>>[vector<16xi32>], vector<16xf32>,
          %parallel_loop3A_143 = arith.addf %parallel_loop3A_141, %parallel_loop3A_142 : vector<16xf32>
          %parallel_loop3A_144 = arith.index_cast %parallel_loop3A_128 : i32 to index
          %parallel_loop3A_145 = arith.constant 0 : index
          %parallel_loop3A_146 = tpu.vector_load %arg8[%parallel_loop3A_144, %parallel_loop3A_145] {strides = array<i32>} : memref<40x128xf32, #tpu.memory_space<vmem>>, vector<16xf32>,
          tpu.vector_store %arg8[%parallel_loop3A_144, %parallel_loop3A_145], %parallel_loop3A_143 {strides = array<i32>} : memref<40x128xf32, #tpu.memory_space<vmem>>, vector<16xf32>,
          %parallel_loop3A_147 = arith.constant 128 : i32
          %parallel_loop3A_148 = arith.muli %parallel_loop3A_128, %parallel_loop3A_147 : i32
          %parallel_loop3A_149 = arith.constant 16 : i32
          %parallel_loop3A_150 = arith.addi %parallel_loop3A_148, %parallel_loop3A_149 : i32
          %parallel_loop3A_151 = arith.constant 0 : i32
          %parallel_loop3A_152 = arith.index_cast %parallel_loop3A_151 : i32 to index
          %parallel_loop3A_153 = arith.index_cast %parallel_loop3A_150 : i32 to index
          %parallel_loop3A_154 = tpu.vector_load %arg6[%parallel_loop3A_152, %parallel_loop3A_153] {strides = array<i32>} : memref<2x5120xi32, #tpu.memory_space<vmem>>, vector<16xi32>,
          %parallel_loop3A_155 = arith.constant 1 : i32
          %parallel_loop3A_156 = arith.index_cast %parallel_loop3A_155 : i32 to index
          %parallel_loop3A_157 = arith.index_cast %parallel_loop3A_150 : i32 to index
          %parallel_loop3A_158 = tpu.vector_load %arg6[%parallel_loop3A_156, %parallel_loop3A_157] {strides = array<i32>} : memref<2x5120xi32, #tpu.memory_space<vmem>>, vector<16xi32>,
          %parallel_loop3A_159 = tpu.vector_load_idx %arg5[%parallel_loop3A_154] : memref<100352xf32, #tpu.memory_space<vmem>>[vector<16xi32>], vector<16xf32>,
          %parallel_loop3A_160 = tpu.vector_load_idx %arg5[%parallel_loop3A_158] : memref<100352xf32, #tpu.memory_space<vmem>>[vector<16xi32>], vector<16xf32>,
          %parallel_loop3A_161 = arith.addf %parallel_loop3A_159, %parallel_loop3A_160 : vector<16xf32>
          %parallel_loop3A_162 = arith.index_cast %parallel_loop3A_128 : i32 to index
          %parallel_loop3A_163 = arith.constant 16 : index
          %parallel_loop3A_164 = tpu.vector_load %arg8[%parallel_loop3A_162, %parallel_loop3A_163] {strides = array<i32>} : memref<40x128xf32, #tpu.memory_space<vmem>>, vector<16xf32>,
          tpu.vector_store %arg8[%parallel_loop3A_162, %parallel_loop3A_163], %parallel_loop3A_161 {strides = array<i32>} : memref<40x128xf32, #tpu.memory_space<vmem>>, vector<16xf32>,
          %parallel_loop3A_165 = arith.constant 128 : i32
          %parallel_loop3A_166 = arith.muli %parallel_loop3A_128, %parallel_loop3A_165 : i32
          %parallel_loop3A_167 = arith.constant 32 : i32
          %parallel_loop3A_168 = arith.addi %parallel_loop3A_166, %parallel_loop3A_167 : i32
          %parallel_loop3A_169 = arith.constant 0 : i32
          %parallel_loop3A_170 = arith.index_cast %parallel_loop3A_169 : i32 to index
          %parallel_loop3A_171 = arith.index_cast %parallel_loop3A_168 : i32 to index
          %parallel_loop3A_172 = tpu.vector_load %arg6[%parallel_loop3A_170, %parallel_loop3A_171] {strides = array<i32>} : memref<2x5120xi32, #tpu.memory_space<vmem>>, vector<16xi32>,
          %parallel_loop3A_173 = arith.constant 1 : i32
          %parallel_loop3A_174 = arith.index_cast %parallel_loop3A_173 : i32 to index
          %parallel_loop3A_175 = arith.index_cast %parallel_loop3A_168 : i32 to index
          %parallel_loop3A_176 = tpu.vector_load %arg6[%parallel_loop3A_174, %parallel_loop3A_175] {strides = array<i32>} : memref<2x5120xi32, #tpu.memory_space<vmem>>, vector<16xi32>,
          %parallel_loop3A_177 = tpu.vector_load_idx %arg5[%parallel_loop3A_172] : memref<100352xf32, #tpu.memory_space<vmem>>[vector<16xi32>], vector<16xf32>,
          %parallel_loop3A_178 = tpu.vector_load_idx %arg5[%parallel_loop3A_176] : memref<100352xf32, #tpu.memory_space<vmem>>[vector<16xi32>], vector<16xf32>,
          %parallel_loop3A_179 = arith.addf %parallel_loop3A_177, %parallel_loop3A_178 : vector<16xf32>
          %parallel_loop3A_180 = arith.index_cast %parallel_loop3A_128 : i32 to index
          %parallel_loop3A_181 = arith.constant 32 : index
          %parallel_loop3A_182 = tpu.vector_load %arg8[%parallel_loop3A_180, %parallel_loop3A_181] {strides = array<i32>} : memref<40x128xf32, #tpu.memory_space<vmem>>, vector<16xf32>,
          tpu.vector_store %arg8[%parallel_loop3A_180, %parallel_loop3A_181], %parallel_loop3A_179 {strides = array<i32>} : memref<40x128xf32, #tpu.memory_space<vmem>>, vector<16xf32>,
          %parallel_loop3A_183 = arith.constant 128 : i32
          %parallel_loop3A_184 = arith.muli %parallel_loop3A_128, %parallel_loop3A_183 : i32
          %parallel_loop3A_185 = arith.constant 48 : i32
          %parallel_loop3A_186 = arith.addi %parallel_loop3A_184, %parallel_loop3A_185 : i32
          %parallel_loop3A_187 = arith.constant 0 : i32
          %parallel_loop3A_188 = arith.index_cast %parallel_loop3A_187 : i32 to index
          %parallel_loop3A_189 = arith.index_cast %parallel_loop3A_186 : i32 to index
          %parallel_loop3A_190 = tpu.vector_load %arg6[%parallel_loop3A_188, %parallel_loop3A_189] {strides = array<i32>} : memref<2x5120xi32, #tpu.memory_space<vmem>>, vector<16xi32>,
          %parallel_loop3A_191 = arith.constant 1 : i32
          %parallel_loop3A_192 = arith.index_cast %parallel_loop3A_191 : i32 to index
          %parallel_loop3A_193 = arith.index_cast %parallel_loop3A_186 : i32 to index
          %parallel_loop3A_194 = tpu.vector_load %arg6[%parallel_loop3A_192, %parallel_loop3A_193] {strides = array<i32>} : memref<2x5120xi32, #tpu.memory_space<vmem>>, vector<16xi32>,
          %parallel_loop3A_195 = tpu.vector_load_idx %arg5[%parallel_loop3A_190] : memref<100352xf32, #tpu.memory_space<vmem>>[vector<16xi32>], vector<16xf32>,
          %parallel_loop3A_196 = tpu.vector_load_idx %arg5[%parallel_loop3A_194] : memref<100352xf32, #tpu.memory_space<vmem>>[vector<16xi32>], vector<16xf32>,
          %parallel_loop3A_197 = arith.addf %parallel_loop3A_195, %parallel_loop3A_196 : vector<16xf32>
          %parallel_loop3A_198 = arith.index_cast %parallel_loop3A_128 : i32 to index
          %parallel_loop3A_199 = arith.constant 48 : index
          %parallel_loop3A_200 = tpu.vector_load %arg8[%parallel_loop3A_198, %parallel_loop3A_199] {strides = array<i32>} : memref<40x128xf32, #tpu.memory_space<vmem>>, vector<16xf32>,
          tpu.vector_store %arg8[%parallel_loop3A_198, %parallel_loop3A_199], %parallel_loop3A_197 {strides = array<i32>} : memref<40x128xf32, #tpu.memory_space<vmem>>, vector<16xf32>,
          %parallel_loop3A_201 = arith.constant 128 : i32
          %parallel_loop3A_202 = arith.muli %parallel_loop3A_128, %parallel_loop3A_201 : i32
          %parallel_loop3A_203 = arith.constant 64 : i32
          %parallel_loop3A_204 = arith.addi %parallel_loop3A_202, %parallel_loop3A_203 : i32
          %parallel_loop3A_205 = arith.constant 0 : i32
          %parallel_loop3A_206 = arith.index_cast %parallel_loop3A_205 : i32 to index
          %parallel_loop3A_207 = arith.index_cast %parallel_loop3A_204 : i32 to index
          %parallel_loop3A_208 = tpu.vector_load %arg6[%parallel_loop3A_206, %parallel_loop3A_207] {strides = array<i32>} : memref<2x5120xi32, #tpu.memory_space<vmem>>, vector<16xi32>,
          %parallel_loop3A_209 = arith.constant 1 : i32
          %parallel_loop3A_210 = arith.index_cast %parallel_loop3A_209 : i32 to index
          %parallel_loop3A_211 = arith.index_cast %parallel_loop3A_204 : i32 to index
          %parallel_loop3A_212 = tpu.vector_load %arg6[%parallel_loop3A_210, %parallel_loop3A_211] {strides = array<i32>} : memref<2x5120xi32, #tpu.memory_space<vmem>>, vector<16xi32>,
          %parallel_loop3A_213 = tpu.vector_load_idx %arg5[%parallel_loop3A_208] : memref<100352xf32, #tpu.memory_space<vmem>>[vector<16xi32>], vector<16xf32>,
          %parallel_loop3A_214 = tpu.vector_load_idx %arg5[%parallel_loop3A_212] : memref<100352xf32, #tpu.memory_space<vmem>>[vector<16xi32>], vector<16xf32>,
          %parallel_loop3A_215 = arith.addf %parallel_loop3A_213, %parallel_loop3A_214 : vector<16xf32>
          %parallel_loop3A_216 = arith.index_cast %parallel_loop3A_128 : i32 to index
          %parallel_loop3A_217 = arith.constant 64 : index
          %parallel_loop3A_218 = tpu.vector_load %arg8[%parallel_loop3A_216, %parallel_loop3A_217] {strides = array<i32>} : memref<40x128xf32, #tpu.memory_space<vmem>>, vector<16xf32>,
          tpu.vector_store %arg8[%parallel_loop3A_216, %parallel_loop3A_217], %parallel_loop3A_215 {strides = array<i32>} : memref<40x128xf32, #tpu.memory_space<vmem>>, vector<16xf32>,
          %parallel_loop3A_219 = arith.constant 128 : i32
          %parallel_loop3A_220 = arith.muli %parallel_loop3A_128, %parallel_loop3A_219 : i32
          %parallel_loop3A_221 = arith.constant 80 : i32
          %parallel_loop3A_222 = arith.addi %parallel_loop3A_220, %parallel_loop3A_221 : i32
          %parallel_loop3A_223 = arith.constant 0 : i32
          %parallel_loop3A_224 = arith.index_cast %parallel_loop3A_223 : i32 to index
          %parallel_loop3A_225 = arith.index_cast %parallel_loop3A_222 : i32 to index
          %parallel_loop3A_226 = tpu.vector_load %arg6[%parallel_loop3A_224, %parallel_loop3A_225] {strides = array<i32>} : memref<2x5120xi32, #tpu.memory_space<vmem>>, vector<16xi32>,
          %parallel_loop3A_227 = arith.constant 1 : i32
          %parallel_loop3A_228 = arith.index_cast %parallel_loop3A_227 : i32 to index
          %parallel_loop3A_229 = arith.index_cast %parallel_loop3A_222 : i32 to index
          %parallel_loop3A_230 = tpu.vector_load %arg6[%parallel_loop3A_228, %parallel_loop3A_229] {strides = array<i32>} : memref<2x5120xi32, #tpu.memory_space<vmem>>, vector<16xi32>,
          %parallel_loop3A_231 = tpu.vector_load_idx %arg5[%parallel_loop3A_226] : memref<100352xf32, #tpu.memory_space<vmem>>[vector<16xi32>], vector<16xf32>,
          %parallel_loop3A_232 = tpu.vector_load_idx %arg5[%parallel_loop3A_230] : memref<100352xf32, #tpu.memory_space<vmem>>[vector<16xi32>], vector<16xf32>,
          %parallel_loop3A_233 = arith.addf %parallel_loop3A_231, %parallel_loop3A_232 : vector<16xf32>
          %parallel_loop3A_234 = arith.index_cast %parallel_loop3A_128 : i32 to index
          %parallel_loop3A_235 = arith.constant 80 : index
          %parallel_loop3A_236 = tpu.vector_load %arg8[%parallel_loop3A_234, %parallel_loop3A_235] {strides = array<i32>} : memref<40x128xf32, #tpu.memory_space<vmem>>, vector<16xf32>,
          tpu.vector_store %arg8[%parallel_loop3A_234, %parallel_loop3A_235], %parallel_loop3A_233 {strides = array<i32>} : memref<40x128xf32, #tpu.memory_space<vmem>>, vector<16xf32>,
          %parallel_loop3A_237 = arith.constant 128 : i32
          %parallel_loop3A_238 = arith.muli %parallel_loop3A_128, %parallel_loop3A_237 : i32
          %parallel_loop3A_239 = arith.constant 96 : i32
          %parallel_loop3A_240 = arith.addi %parallel_loop3A_238, %parallel_loop3A_239 : i32
          %parallel_loop3A_241 = arith.constant 0 : i32
          %parallel_loop3A_242 = arith.index_cast %parallel_loop3A_241 : i32 to index
          %parallel_loop3A_243 = arith.index_cast %parallel_loop3A_240 : i32 to index
          %parallel_loop3A_244 = tpu.vector_load %arg6[%parallel_loop3A_242, %parallel_loop3A_243] {strides = array<i32>} : memref<2x5120xi32, #tpu.memory_space<vmem>>, vector<16xi32>,
          %parallel_loop3A_245 = arith.constant 1 : i32
          %parallel_loop3A_246 = arith.index_cast %parallel_loop3A_245 : i32 to index
          %parallel_loop3A_247 = arith.index_cast %parallel_loop3A_240 : i32 to index
          %parallel_loop3A_248 = tpu.vector_load %arg6[%parallel_loop3A_246, %parallel_loop3A_247] {strides = array<i32>} : memref<2x5120xi32, #tpu.memory_space<vmem>>, vector<16xi32>,
          %parallel_loop3A_249 = tpu.vector_load_idx %arg5[%parallel_loop3A_244] : memref<100352xf32, #tpu.memory_space<vmem>>[vector<16xi32>], vector<16xf32>,
          %parallel_loop3A_250 = tpu.vector_load_idx %arg5[%parallel_loop3A_248] : memref<100352xf32, #tpu.memory_space<vmem>>[vector<16xi32>], vector<16xf32>,
          %parallel_loop3A_251 = arith.addf %parallel_loop3A_249, %parallel_loop3A_250 : vector<16xf32>
          %parallel_loop3A_252 = arith.index_cast %parallel_loop3A_128 : i32 to index
          %parallel_loop3A_253 = arith.constant 96 : index
          %parallel_loop3A_254 = tpu.vector_load %arg8[%parallel_loop3A_252, %parallel_loop3A_253] {strides = array<i32>} : memref<40x128xf32, #tpu.memory_space<vmem>>, vector<16xf32>,
          tpu.vector_store %arg8[%parallel_loop3A_252, %parallel_loop3A_253], %parallel_loop3A_251 {strides = array<i32>} : memref<40x128xf32, #tpu.memory_space<vmem>>, vector<16xf32>,
          %parallel_loop3A_255 = arith.constant 128 : i32
          %parallel_loop3A_256 = arith.muli %parallel_loop3A_128, %parallel_loop3A_255 : i32
          %parallel_loop3A_257 = arith.constant 112 : i32
          %parallel_loop3A_258 = arith.addi %parallel_loop3A_256, %parallel_loop3A_257 : i32
          %parallel_loop3A_259 = arith.constant 0 : i32
          %parallel_loop3A_260 = arith.index_cast %parallel_loop3A_259 : i32 to index
          %parallel_loop3A_261 = arith.index_cast %parallel_loop3A_258 : i32 to index
          %parallel_loop3A_262 = tpu.vector_load %arg6[%parallel_loop3A_260, %parallel_loop3A_261] {strides = array<i32>} : memref<2x5120xi32, #tpu.memory_space<vmem>>, vector<16xi32>,
          %parallel_loop3A_263 = arith.constant 1 : i32
          %parallel_loop3A_264 = arith.index_cast %parallel_loop3A_263 : i32 to index
          %parallel_loop3A_265 = arith.index_cast %parallel_loop3A_258 : i32 to index
          %parallel_loop3A_266 = tpu.vector_load %arg6[%parallel_loop3A_264, %parallel_loop3A_265] {strides = array<i32>} : memref<2x5120xi32, #tpu.memory_space<vmem>>, vector<16xi32>,
          %parallel_loop3A_267 = tpu.vector_load_idx %arg5[%parallel_loop3A_262] : memref<100352xf32, #tpu.memory_space<vmem>>[vector<16xi32>], vector<16xf32>,
          %parallel_loop3A_268 = tpu.vector_load_idx %arg5[%parallel_loop3A_266] : memref<100352xf32, #tpu.memory_space<vmem>>[vector<16xi32>], vector<16xf32>,
          %parallel_loop3A_269 = arith.addf %parallel_loop3A_267, %parallel_loop3A_268 : vector<16xf32>
          %parallel_loop3A_270 = arith.index_cast %parallel_loop3A_128 : i32 to index
          %parallel_loop3A_271 = arith.constant 112 : index
          %parallel_loop3A_272 = tpu.vector_load %arg8[%parallel_loop3A_270, %parallel_loop3A_271] {strides = array<i32>} : memref<40x128xf32, #tpu.memory_space<vmem>>, vector<16xf32>,
          tpu.vector_store %arg8[%parallel_loop3A_270, %parallel_loop3A_271], %parallel_loop3A_269 {strides = array<i32>} : memref<40x128xf32, #tpu.memory_space<vmem>>, vector<16xf32>,
        } {sc.loop_unroll_factor = 8 : i64, sc.parallel_access}
        %mul3A_112 = arith.constant 32 : i32
        %mul3A_113 = arith.muli %add3A_85, %mul3A_112 : i32
        %add3A_114 = arith.addi %add3A, %mul3A_113 : i32
        %mul3A_115 = arith.constant 40 : i32
        %mul3A_116 = arith.muli %add3A_114, %mul3A_115 : i32
        %multiple_of3A_117 = tpu.assume_multiple %mul3A_116, 8 : i32
        %dma_start3A_118 = arith.constant 0 : i32
        %dma_start3A_119 = tpu.memref_slice %arg4[%multiple_of3A_117, %dma_start3A_118] : memref<50000x128xf32, #tpu.memory_space<hbm>> -> memref<40x128xf32, #tpu.memory_space<hbm>>
        %dma_start3A_120 = arith.constant 0 : i32
        %dma_start3A_121 = tpu.memref_slice %arg4[%multiple_of3A_117, %dma_start3A_120] : memref<50000x128xf32, #tpu.memory_space<hbm>> -> memref<40x128xf32, #tpu.memory_space<hbm>>
        tpu.enqueue_dma source(%arg8 : memref<40x128xf32, #tpu.memory_space<vmem>>) target(%dma_start3A_121 : memref<40x128xf32, #tpu.memory_space<hbm>>) target_semaphore(%arg13 : memref<!tpu.dma_semaphore, #tpu.memory_space<semaphore_mem>>)
        %add3A_122 = arith.constant 2 : i32
        %add3A_123 = arith.addi %add3A_85, %add3A_122 : i32
        %lt3A_124 = arith.cmpi slt, %add3A_123, %select_n3A : i32
        %convert_element_type3A_125 = arith.extui %lt3A_124 : i1 to i32
        %cond3A_126 = arith.constant 0 : i32
        %cond3A_127 = arith.cmpi ne, %convert_element_type3A_125, %cond3A_126 : i32
        scf.if %cond3A_127 {
          %add3A_128 = arith.constant 2 : i32
          %add3A_129 = arith.addi %add3A_85, %add3A_128 : i32
          %mul3A_130 = arith.constant 32 : i32
          %mul3A_131 = arith.muli %add3A_129, %mul3A_130 : i32
          %add3A_132 = arith.addi %add3A, %mul3A_131 : i32
          %mul3A_133 = arith.constant 5120 : i32
          %mul3A_134 = arith.muli %add3A_132, %mul3A_133 : i32
          %multiple_of3A_135 = tpu.assume_multiple %mul3A_134, 128 : i32
          %dma_start3A_136 = arith.constant 0 : i32
          %dma_start3A_137 = tpu.memref_slice %arg3[%dma_start3A_136, %multiple_of3A_135] : memref<2x6400000xi32, #tpu.memory_space<hbm>> -> memref<2x5120xi32, #tpu.memory_space<hbm>>
          %dma_start3A_138 = arith.constant 0 : i32
          %dma_start3A_139 = tpu.memref_slice %arg3[%dma_start3A_138, %multiple_of3A_135] : memref<2x6400000xi32, #tpu.memory_space<hbm>> -> memref<2x5120xi32, #tpu.memory_space<hbm>>
          tpu.enqueue_dma source(%dma_start3A_139 : memref<2x5120xi32, #tpu.memory_space<hbm>>) target(%arg6 : memref<2x5120xi32, #tpu.memory_space<vmem>>) target_semaphore(%arg11 : memref<!tpu.dma_semaphore, #tpu.memory_space<semaphore_mem>>)
        } else {
        }
      } else {
      }
      %mul3A_89 = arith.constant 2 : i32
      %mul3A_90 = arith.muli %while3A_81, %mul3A_89 : i32
      %add3A_91 = arith.constant 1 : i32
      %add3A_92 = arith.addi %mul3A_90, %add3A_91 : i32
      %lt3A_93 = arith.cmpi slt, %add3A_92, %select_n3A : i32
      %convert_element_type3A_94 = arith.extui %lt3A_93 : i1 to i32
      %cond3A_95 = arith.constant 0 : i32
      %cond3A_96 = arith.cmpi ne, %convert_element_type3A_94, %cond3A_95 : i32
      scf.if %cond3A_96 {
        %mul3A_97 = arith.constant 32 : i32
        %mul3A_98 = arith.muli %add3A_92, %mul3A_97 : i32
        %add3A_99 = arith.addi %add3A, %mul3A_98 : i32
        %mul3A_100 = arith.constant 5120 : i32
        %mul3A_101 = arith.muli %add3A_99, %mul3A_100 : i32
        %multiple_of3A = tpu.assume_multiple %mul3A_101, 128 : i32
        %dma_wait3A_102 = arith.constant 0 : i32
        %dma_wait3A_103 = tpu.memref_slice %arg3[%dma_wait3A_102, %multiple_of3A] : memref<2x6400000xi32, #tpu.memory_space<hbm>> -> memref<2x5120xi32, #tpu.memory_space<hbm>>
        %dma_wait3A_104 = arith.constant 0 : i32
        %dma_wait3A_105 = tpu.memref_slice %arg3[%dma_wait3A_104, %multiple_of3A] : memref<2x6400000xi32, #tpu.memory_space<hbm>> -> memref<2x5120xi32, #tpu.memory_space<hbm>>
        tpu.wait_dma2 semaphore(%arg12 : memref<!tpu.dma_semaphore, #tpu.memory_space<semaphore_mem>>) src(%dma_wait3A_105 : memref<2x5120xi32, #tpu.memory_space<hbm>>) dst(%arg7 : memref<2x5120xi32, #tpu.memory_space<vmem>>)
        %ge3A = arith.constant 2 : i32
        %ge3A_106 = arith.cmpi sge, %add3A_92, %ge3A : i32
        %convert_element_type3A_107 = arith.extui %ge3A_106 : i1 to i32
        %cond3A_108 = arith.constant 0 : i32
        %cond3A_109 = arith.cmpi ne, %convert_element_type3A_107, %cond3A_108 : i32
        scf.if %cond3A_109 {
          %sub3A_128 = arith.constant 2 : i32
          %sub3A_129 = arith.subi %add3A_92, %sub3A_128 : i32
          %mul3A_130 = arith.constant 32 : i32
          %mul3A_131 = arith.muli %sub3A_129, %mul3A_130 : i32
          %add3A_132 = arith.addi %add3A, %mul3A_131 : i32
          %mul3A_133 = arith.constant 40 : i32
          %mul3A_134 = arith.muli %add3A_132, %mul3A_133 : i32
          %multiple_of3A_135 = tpu.assume_multiple %mul3A_134, 8 : i32
          %dma_wait3A_136 = arith.constant 0 : i32
          %dma_wait3A_137 = tpu.memref_slice %arg4[%multiple_of3A_135, %dma_wait3A_136] : memref<50000x128xf32, #tpu.memory_space<hbm>> -> memref<40x128xf32, #tpu.memory_space<hbm>>
          %dma_wait3A_138 = arith.constant 0 : i32
          %dma_wait3A_139 = tpu.memref_slice %arg4[%multiple_of3A_135, %dma_wait3A_138] : memref<50000x128xf32, #tpu.memory_space<hbm>> -> memref<40x128xf32, #tpu.memory_space<hbm>>
          tpu.wait_dma2 semaphore(%arg14 : memref<!tpu.dma_semaphore, #tpu.memory_space<semaphore_mem>>) src(%arg9 : memref<40x128xf32, #tpu.memory_space<vmem>>) dst(%dma_wait3A_139 : memref<40x128xf32, #tpu.memory_space<hbm>>)
        } else {
        }
        %parallel_loop3A = arith.constant 0 : i32
        %parallel_loop3A_110 = arith.constant 40 : i32
        %parallel_loop3A_111 = arith.constant 1 : i32
        scf.for %parallel_loop3A_128 = %parallel_loop3A to %parallel_loop3A_110 step %parallel_loop3A_111  : i32 {
          %parallel_loop3A_129 = arith.constant 128 : i32
          %parallel_loop3A_130 = arith.muli %parallel_loop3A_128, %parallel_loop3A_129 : i32
          %parallel_loop3A_131 = arith.constant 0 : i32
          %parallel_loop3A_132 = arith.addi %parallel_loop3A_130, %parallel_loop3A_131 : i32
          %parallel_loop3A_133 = arith.constant 0 : i32
          %parallel_loop3A_134 = arith.index_cast %parallel_loop3A_133 : i32 to index
          %parallel_loop3A_135 = arith.index_cast %parallel_loop3A_132 : i32 to index
          %parallel_loop3A_136 = tpu.vector_load %arg7[%parallel_loop3A_134, %parallel_loop3A_135] {strides = array<i32>} : memref<2x5120xi32, #tpu.memory_space<vmem>>, vector<16xi32>,
          %parallel_loop3A_137 = arith.constant 1 : i32
          %parallel_loop3A_138 = arith.index_cast %parallel_loop3A_137 : i32 to index
          %parallel_loop3A_139 = arith.index_cast %parallel_loop3A_132 : i32 to index
          %parallel_loop3A_140 = tpu.vector_load %arg7[%parallel_loop3A_138, %parallel_loop3A_139] {strides = array<i32>} : memref<2x5120xi32, #tpu.memory_space<vmem>>, vector<16xi32>,
          %parallel_loop3A_141 = tpu.vector_load_idx %arg5[%parallel_loop3A_136] : memref<100352xf32, #tpu.memory_space<vmem>>[vector<16xi32>], vector<16xf32>,
          %parallel_loop3A_142 = tpu.vector_load_idx %arg5[%parallel_loop3A_140] : memref<100352xf32, #tpu.memory_space<vmem>>[vector<16xi32>], vector<16xf32>,
          %parallel_loop3A_143 = arith.addf %parallel_loop3A_141, %parallel_loop3A_142 : vector<16xf32>
          %parallel_loop3A_144 = arith.index_cast %parallel_loop3A_128 : i32 to index
          %parallel_loop3A_145 = arith.constant 0 : index
          %parallel_loop3A_146 = tpu.vector_load %arg9[%parallel_loop3A_144, %parallel_loop3A_145] {strides = array<i32>} : memref<40x128xf32, #tpu.memory_space<vmem>>, vector<16xf32>,
          tpu.vector_store %arg9[%parallel_loop3A_144, %parallel_loop3A_145], %parallel_loop3A_143 {strides = array<i32>} : memref<40x128xf32, #tpu.memory_space<vmem>>, vector<16xf32>,
          %parallel_loop3A_147 = arith.constant 128 : i32
          %parallel_loop3A_148 = arith.muli %parallel_loop3A_128, %parallel_loop3A_147 : i32
          %parallel_loop3A_149 = arith.constant 16 : i32
          %parallel_loop3A_150 = arith.addi %parallel_loop3A_148, %parallel_loop3A_149 : i32
          %parallel_loop3A_151 = arith.constant 0 : i32
          %parallel_loop3A_152 = arith.index_cast %parallel_loop3A_151 : i32 to index
          %parallel_loop3A_153 = arith.index_cast %parallel_loop3A_150 : i32 to index
          %parallel_loop3A_154 = tpu.vector_load %arg7[%parallel_loop3A_152, %parallel_loop3A_153] {strides = array<i32>} : memref<2x5120xi32, #tpu.memory_space<vmem>>, vector<16xi32>,
          %parallel_loop3A_155 = arith.constant 1 : i32
          %parallel_loop3A_156 = arith.index_cast %parallel_loop3A_155 : i32 to index
          %parallel_loop3A_157 = arith.index_cast %parallel_loop3A_150 : i32 to index
          %parallel_loop3A_158 = tpu.vector_load %arg7[%parallel_loop3A_156, %parallel_loop3A_157] {strides = array<i32>} : memref<2x5120xi32, #tpu.memory_space<vmem>>, vector<16xi32>,
          %parallel_loop3A_159 = tpu.vector_load_idx %arg5[%parallel_loop3A_154] : memref<100352xf32, #tpu.memory_space<vmem>>[vector<16xi32>], vector<16xf32>,
          %parallel_loop3A_160 = tpu.vector_load_idx %arg5[%parallel_loop3A_158] : memref<100352xf32, #tpu.memory_space<vmem>>[vector<16xi32>], vector<16xf32>,
          %parallel_loop3A_161 = arith.addf %parallel_loop3A_159, %parallel_loop3A_160 : vector<16xf32>
          %parallel_loop3A_162 = arith.index_cast %parallel_loop3A_128 : i32 to index
          %parallel_loop3A_163 = arith.constant 16 : index
          %parallel_loop3A_164 = tpu.vector_load %arg9[%parallel_loop3A_162, %parallel_loop3A_163] {strides = array<i32>} : memref<40x128xf32, #tpu.memory_space<vmem>>, vector<16xf32>,
          tpu.vector_store %arg9[%parallel_loop3A_162, %parallel_loop3A_163], %parallel_loop3A_161 {strides = array<i32>} : memref<40x128xf32, #tpu.memory_space<vmem>>, vector<16xf32>,
          %parallel_loop3A_165 = arith.constant 128 : i32
          %parallel_loop3A_166 = arith.muli %parallel_loop3A_128, %parallel_loop3A_165 : i32
          %parallel_loop3A_167 = arith.constant 32 : i32
          %parallel_loop3A_168 = arith.addi %parallel_loop3A_166, %parallel_loop3A_167 : i32
          %parallel_loop3A_169 = arith.constant 0 : i32
          %parallel_loop3A_170 = arith.index_cast %parallel_loop3A_169 : i32 to index
          %parallel_loop3A_171 = arith.index_cast %parallel_loop3A_168 : i32 to index
          %parallel_loop3A_172 = tpu.vector_load %arg7[%parallel_loop3A_170, %parallel_loop3A_171] {strides = array<i32>} : memref<2x5120xi32, #tpu.memory_space<vmem>>, vector<16xi32>,
          %parallel_loop3A_173 = arith.constant 1 : i32
          %parallel_loop3A_174 = arith.index_cast %parallel_loop3A_173 : i32 to index
          %parallel_loop3A_175 = arith.index_cast %parallel_loop3A_168 : i32 to index
          %parallel_loop3A_176 = tpu.vector_load %arg7[%parallel_loop3A_174, %parallel_loop3A_175] {strides = array<i32>} : memref<2x5120xi32, #tpu.memory_space<vmem>>, vector<16xi32>,
          %parallel_loop3A_177 = tpu.vector_load_idx %arg5[%parallel_loop3A_172] : memref<100352xf32, #tpu.memory_space<vmem>>[vector<16xi32>], vector<16xf32>,
          %parallel_loop3A_178 = tpu.vector_load_idx %arg5[%parallel_loop3A_176] : memref<100352xf32, #tpu.memory_space<vmem>>[vector<16xi32>], vector<16xf32>,
          %parallel_loop3A_179 = arith.addf %parallel_loop3A_177, %parallel_loop3A_178 : vector<16xf32>
          %parallel_loop3A_180 = arith.index_cast %parallel_loop3A_128 : i32 to index
          %parallel_loop3A_181 = arith.constant 32 : index
          %parallel_loop3A_182 = tpu.vector_load %arg9[%parallel_loop3A_180, %parallel_loop3A_181] {strides = array<i32>} : memref<40x128xf32, #tpu.memory_space<vmem>>, vector<16xf32>,
          tpu.vector_store %arg9[%parallel_loop3A_180, %parallel_loop3A_181], %parallel_loop3A_179 {strides = array<i32>} : memref<40x128xf32, #tpu.memory_space<vmem>>, vector<16xf32>,
          %parallel_loop3A_183 = arith.constant 128 : i32
          %parallel_loop3A_184 = arith.muli %parallel_loop3A_128, %parallel_loop3A_183 : i32
          %parallel_loop3A_185 = arith.constant 48 : i32
          %parallel_loop3A_186 = arith.addi %parallel_loop3A_184, %parallel_loop3A_185 : i32
          %parallel_loop3A_187 = arith.constant 0 : i32
          %parallel_loop3A_188 = arith.index_cast %parallel_loop3A_187 : i32 to index
          %parallel_loop3A_189 = arith.index_cast %parallel_loop3A_186 : i32 to index
          %parallel_loop3A_190 = tpu.vector_load %arg7[%parallel_loop3A_188, %parallel_loop3A_189] {strides = array<i32>} : memref<2x5120xi32, #tpu.memory_space<vmem>>, vector<16xi32>,
          %parallel_loop3A_191 = arith.constant 1 : i32
          %parallel_loop3A_192 = arith.index_cast %parallel_loop3A_191 : i32 to index
          %parallel_loop3A_193 = arith.index_cast %parallel_loop3A_186 : i32 to index
          %parallel_loop3A_194 = tpu.vector_load %arg7[%parallel_loop3A_192, %parallel_loop3A_193] {strides = array<i32>} : memref<2x5120xi32, #tpu.memory_space<vmem>>, vector<16xi32>,
          %parallel_loop3A_195 = tpu.vector_load_idx %arg5[%parallel_loop3A_190] : memref<100352xf32, #tpu.memory_space<vmem>>[vector<16xi32>], vector<16xf32>,
          %parallel_loop3A_196 = tpu.vector_load_idx %arg5[%parallel_loop3A_194] : memref<100352xf32, #tpu.memory_space<vmem>>[vector<16xi32>], vector<16xf32>,
          %parallel_loop3A_197 = arith.addf %parallel_loop3A_195, %parallel_loop3A_196 : vector<16xf32>
          %parallel_loop3A_198 = arith.index_cast %parallel_loop3A_128 : i32 to index
          %parallel_loop3A_199 = arith.constant 48 : index
          %parallel_loop3A_200 = tpu.vector_load %arg9[%parallel_loop3A_198, %parallel_loop3A_199] {strides = array<i32>} : memref<40x128xf32, #tpu.memory_space<vmem>>, vector<16xf32>,
          tpu.vector_store %arg9[%parallel_loop3A_198, %parallel_loop3A_199], %parallel_loop3A_197 {strides = array<i32>} : memref<40x128xf32, #tpu.memory_space<vmem>>, vector<16xf32>,
          %parallel_loop3A_201 = arith.constant 128 : i32
          %parallel_loop3A_202 = arith.muli %parallel_loop3A_128, %parallel_loop3A_201 : i32
          %parallel_loop3A_203 = arith.constant 64 : i32
          %parallel_loop3A_204 = arith.addi %parallel_loop3A_202, %parallel_loop3A_203 : i32
          %parallel_loop3A_205 = arith.constant 0 : i32
          %parallel_loop3A_206 = arith.index_cast %parallel_loop3A_205 : i32 to index
          %parallel_loop3A_207 = arith.index_cast %parallel_loop3A_204 : i32 to index
          %parallel_loop3A_208 = tpu.vector_load %arg7[%parallel_loop3A_206, %parallel_loop3A_207] {strides = array<i32>} : memref<2x5120xi32, #tpu.memory_space<vmem>>, vector<16xi32>,
          %parallel_loop3A_209 = arith.constant 1 : i32
          %parallel_loop3A_210 = arith.index_cast %parallel_loop3A_209 : i32 to index
          %parallel_loop3A_211 = arith.index_cast %parallel_loop3A_204 : i32 to index
          %parallel_loop3A_212 = tpu.vector_load %arg7[%parallel_loop3A_210, %parallel_loop3A_211] {strides = array<i32>} : memref<2x5120xi32, #tpu.memory_space<vmem>>, vector<16xi32>,
          %parallel_loop3A_213 = tpu.vector_load_idx %arg5[%parallel_loop3A_208] : memref<100352xf32, #tpu.memory_space<vmem>>[vector<16xi32>], vector<16xf32>,
          %parallel_loop3A_214 = tpu.vector_load_idx %arg5[%parallel_loop3A_212] : memref<100352xf32, #tpu.memory_space<vmem>>[vector<16xi32>], vector<16xf32>,
          %parallel_loop3A_215 = arith.addf %parallel_loop3A_213, %parallel_loop3A_214 : vector<16xf32>
          %parallel_loop3A_216 = arith.index_cast %parallel_loop3A_128 : i32 to index
          %parallel_loop3A_217 = arith.constant 64 : index
          %parallel_loop3A_218 = tpu.vector_load %arg9[%parallel_loop3A_216, %parallel_loop3A_217] {strides = array<i32>} : memref<40x128xf32, #tpu.memory_space<vmem>>, vector<16xf32>,
          tpu.vector_store %arg9[%parallel_loop3A_216, %parallel_loop3A_217], %parallel_loop3A_215 {strides = array<i32>} : memref<40x128xf32, #tpu.memory_space<vmem>>, vector<16xf32>,
          %parallel_loop3A_219 = arith.constant 128 : i32
          %parallel_loop3A_220 = arith.muli %parallel_loop3A_128, %parallel_loop3A_219 : i32
          %parallel_loop3A_221 = arith.constant 80 : i32
          %parallel_loop3A_222 = arith.addi %parallel_loop3A_220, %parallel_loop3A_221 : i32
          %parallel_loop3A_223 = arith.constant 0 : i32
          %parallel_loop3A_224 = arith.index_cast %parallel_loop3A_223 : i32 to index
          %parallel_loop3A_225 = arith.index_cast %parallel_loop3A_222 : i32 to index
          %parallel_loop3A_226 = tpu.vector_load %arg7[%parallel_loop3A_224, %parallel_loop3A_225] {strides = array<i32>} : memref<2x5120xi32, #tpu.memory_space<vmem>>, vector<16xi32>,
          %parallel_loop3A_227 = arith.constant 1 : i32
          %parallel_loop3A_228 = arith.index_cast %parallel_loop3A_227 : i32 to index
          %parallel_loop3A_229 = arith.index_cast %parallel_loop3A_222 : i32 to index
          %parallel_loop3A_230 = tpu.vector_load %arg7[%parallel_loop3A_228, %parallel_loop3A_229] {strides = array<i32>} : memref<2x5120xi32, #tpu.memory_space<vmem>>, vector<16xi32>,
          %parallel_loop3A_231 = tpu.vector_load_idx %arg5[%parallel_loop3A_226] : memref<100352xf32, #tpu.memory_space<vmem>>[vector<16xi32>], vector<16xf32>,
          %parallel_loop3A_232 = tpu.vector_load_idx %arg5[%parallel_loop3A_230] : memref<100352xf32, #tpu.memory_space<vmem>>[vector<16xi32>], vector<16xf32>,
          %parallel_loop3A_233 = arith.addf %parallel_loop3A_231, %parallel_loop3A_232 : vector<16xf32>
          %parallel_loop3A_234 = arith.index_cast %parallel_loop3A_128 : i32 to index
          %parallel_loop3A_235 = arith.constant 80 : index
          %parallel_loop3A_236 = tpu.vector_load %arg9[%parallel_loop3A_234, %parallel_loop3A_235] {strides = array<i32>} : memref<40x128xf32, #tpu.memory_space<vmem>>, vector<16xf32>,
          tpu.vector_store %arg9[%parallel_loop3A_234, %parallel_loop3A_235], %parallel_loop3A_233 {strides = array<i32>} : memref<40x128xf32, #tpu.memory_space<vmem>>, vector<16xf32>,
          %parallel_loop3A_237 = arith.constant 128 : i32
          %parallel_loop3A_238 = arith.muli %parallel_loop3A_128, %parallel_loop3A_237 : i32
          %parallel_loop3A_239 = arith.constant 96 : i32
          %parallel_loop3A_240 = arith.addi %parallel_loop3A_238, %parallel_loop3A_239 : i32
          %parallel_loop3A_241 = arith.constant 0 : i32
          %parallel_loop3A_242 = arith.index_cast %parallel_loop3A_241 : i32 to index
          %parallel_loop3A_243 = arith.index_cast %parallel_loop3A_240 : i32 to index
          %parallel_loop3A_244 = tpu.vector_load %arg7[%parallel_loop3A_242, %parallel_loop3A_243] {strides = array<i32>} : memref<2x5120xi32, #tpu.memory_space<vmem>>, vector<16xi32>,
          %parallel_loop3A_245 = arith.constant 1 : i32
          %parallel_loop3A_246 = arith.index_cast %parallel_loop3A_245 : i32 to index
          %parallel_loop3A_247 = arith.index_cast %parallel_loop3A_240 : i32 to index
          %parallel_loop3A_248 = tpu.vector_load %arg7[%parallel_loop3A_246, %parallel_loop3A_247] {strides = array<i32>} : memref<2x5120xi32, #tpu.memory_space<vmem>>, vector<16xi32>,
          %parallel_loop3A_249 = tpu.vector_load_idx %arg5[%parallel_loop3A_244] : memref<100352xf32, #tpu.memory_space<vmem>>[vector<16xi32>], vector<16xf32>,
          %parallel_loop3A_250 = tpu.vector_load_idx %arg5[%parallel_loop3A_248] : memref<100352xf32, #tpu.memory_space<vmem>>[vector<16xi32>], vector<16xf32>,
          %parallel_loop3A_251 = arith.addf %parallel_loop3A_249, %parallel_loop3A_250 : vector<16xf32>
          %parallel_loop3A_252 = arith.index_cast %parallel_loop3A_128 : i32 to index
          %parallel_loop3A_253 = arith.constant 96 : index
          %parallel_loop3A_254 = tpu.vector_load %arg9[%parallel_loop3A_252, %parallel_loop3A_253] {strides = array<i32>} : memref<40x128xf32, #tpu.memory_space<vmem>>, vector<16xf32>,
          tpu.vector_store %arg9[%parallel_loop3A_252, %parallel_loop3A_253], %parallel_loop3A_251 {strides = array<i32>} : memref<40x128xf32, #tpu.memory_space<vmem>>, vector<16xf32>,
          %parallel_loop3A_255 = arith.constant 128 : i32
          %parallel_loop3A_256 = arith.muli %parallel_loop3A_128, %parallel_loop3A_255 : i32
          %parallel_loop3A_257 = arith.constant 112 : i32
          %parallel_loop3A_258 = arith.addi %parallel_loop3A_256, %parallel_loop3A_257 : i32
          %parallel_loop3A_259 = arith.constant 0 : i32
          %parallel_loop3A_260 = arith.index_cast %parallel_loop3A_259 : i32 to index
          %parallel_loop3A_261 = arith.index_cast %parallel_loop3A_258 : i32 to index
          %parallel_loop3A_262 = tpu.vector_load %arg7[%parallel_loop3A_260, %parallel_loop3A_261] {strides = array<i32>} : memref<2x5120xi32, #tpu.memory_space<vmem>>, vector<16xi32>,
          %parallel_loop3A_263 = arith.constant 1 : i32
          %parallel_loop3A_264 = arith.index_cast %parallel_loop3A_263 : i32 to index
          %parallel_loop3A_265 = arith.index_cast %parallel_loop3A_258 : i32 to index
          %parallel_loop3A_266 = tpu.vector_load %arg7[%parallel_loop3A_264, %parallel_loop3A_265] {strides = array<i32>} : memref<2x5120xi32, #tpu.memory_space<vmem>>, vector<16xi32>,
          %parallel_loop3A_267 = tpu.vector_load_idx %arg5[%parallel_loop3A_262] : memref<100352xf32, #tpu.memory_space<vmem>>[vector<16xi32>], vector<16xf32>,
          %parallel_loop3A_268 = tpu.vector_load_idx %arg5[%parallel_loop3A_266] : memref<100352xf32, #tpu.memory_space<vmem>>[vector<16xi32>], vector<16xf32>,
          %parallel_loop3A_269 = arith.addf %parallel_loop3A_267, %parallel_loop3A_268 : vector<16xf32>
          %parallel_loop3A_270 = arith.index_cast %parallel_loop3A_128 : i32 to index
          %parallel_loop3A_271 = arith.constant 112 : index
          %parallel_loop3A_272 = tpu.vector_load %arg9[%parallel_loop3A_270, %parallel_loop3A_271] {strides = array<i32>} : memref<40x128xf32, #tpu.memory_space<vmem>>, vector<16xf32>,
          tpu.vector_store %arg9[%parallel_loop3A_270, %parallel_loop3A_271], %parallel_loop3A_269 {strides = array<i32>} : memref<40x128xf32, #tpu.memory_space<vmem>>, vector<16xf32>,
        } {sc.loop_unroll_factor = 8 : i64, sc.parallel_access}
        %mul3A_112 = arith.constant 32 : i32
        %mul3A_113 = arith.muli %add3A_92, %mul3A_112 : i32
        %add3A_114 = arith.addi %add3A, %mul3A_113 : i32
        %mul3A_115 = arith.constant 40 : i32
        %mul3A_116 = arith.muli %add3A_114, %mul3A_115 : i32
        %multiple_of3A_117 = tpu.assume_multiple %mul3A_116, 8 : i32
        %dma_start3A_118 = arith.constant 0 : i32
        %dma_start3A_119 = tpu.memref_slice %arg4[%multiple_of3A_117, %dma_start3A_118] : memref<50000x128xf32, #tpu.memory_space<hbm>> -> memref<40x128xf32, #tpu.memory_space<hbm>>
        %dma_start3A_120 = arith.constant 0 : i32
        %dma_start3A_121 = tpu.memref_slice %arg4[%multiple_of3A_117, %dma_start3A_120] : memref<50000x128xf32, #tpu.memory_space<hbm>> -> memref<40x128xf32, #tpu.memory_space<hbm>>
        tpu.enqueue_dma source(%arg9 : memref<40x128xf32, #tpu.memory_space<vmem>>) target(%dma_start3A_121 : memref<40x128xf32, #tpu.memory_space<hbm>>) target_semaphore(%arg14 : memref<!tpu.dma_semaphore, #tpu.memory_space<semaphore_mem>>)
        %add3A_122 = arith.constant 2 : i32
        %add3A_123 = arith.addi %add3A_92, %add3A_122 : i32
        %lt3A_124 = arith.cmpi slt, %add3A_123, %select_n3A : i32
        %convert_element_type3A_125 = arith.extui %lt3A_124 : i1 to i32
        %cond3A_126 = arith.constant 0 : i32
        %cond3A_127 = arith.cmpi ne, %convert_element_type3A_125, %cond3A_126 : i32
        scf.if %cond3A_127 {
          %add3A_128 = arith.constant 2 : i32
          %add3A_129 = arith.addi %add3A_92, %add3A_128 : i32
          %mul3A_130 = arith.constant 32 : i32
          %mul3A_131 = arith.muli %add3A_129, %mul3A_130 : i32
          %add3A_132 = arith.addi %add3A, %mul3A_131 : i32
          %mul3A_133 = arith.constant 5120 : i32
          %mul3A_134 = arith.muli %add3A_132, %mul3A_133 : i32
          %multiple_of3A_135 = tpu.assume_multiple %mul3A_134, 128 : i32
          %dma_start3A_136 = arith.constant 0 : i32
          %dma_start3A_137 = tpu.memref_slice %arg3[%dma_start3A_136, %multiple_of3A_135] : memref<2x6400000xi32, #tpu.memory_space<hbm>> -> memref<2x5120xi32, #tpu.memory_space<hbm>>
          %dma_start3A_138 = arith.constant 0 : i32
          %dma_start3A_139 = tpu.memref_slice %arg3[%dma_start3A_138, %multiple_of3A_135] : memref<2x6400000xi32, #tpu.memory_space<hbm>> -> memref<2x5120xi32, #tpu.memory_space<hbm>>
          tpu.enqueue_dma source(%dma_start3A_139 : memref<2x5120xi32, #tpu.memory_space<hbm>>) target(%arg7 : memref<2x5120xi32, #tpu.memory_space<vmem>>) target_semaphore(%arg12 : memref<!tpu.dma_semaphore, #tpu.memory_space<semaphore_mem>>)
        } else {
        }
      } else {
      }
    }
    %gt3A_71 = arith.constant 0 : i32
    %gt3A_72 = arith.cmpi sgt, %select_n3A, %gt3A_71 : i32
    %convert_element_type3A_73 = arith.extui %gt3A_72 : i1 to i32
    %cond3A_74 = arith.constant 0 : i32
    %cond3A_75 = arith.cmpi ne, %convert_element_type3A_73, %cond3A_74 : i32
    scf.if %cond3A_75 {
      %add3A_81 = arith.constant 0 : i32
      %add3A_82 = arith.addi %add3A, %add3A_81 : i32
      %mul3A_83 = arith.constant 40 : i32
      %mul3A_84 = arith.muli %add3A_82, %mul3A_83 : i32
      %multiple_of3A = tpu.assume_multiple %mul3A_84, 8 : i32
      %dma_wait3A_85 = arith.constant 0 : i32
      %dma_wait3A_86 = tpu.memref_slice %arg4[%multiple_of3A, %dma_wait3A_85] : memref<50000x128xf32, #tpu.memory_space<hbm>> -> memref<40x128xf32, #tpu.memory_space<hbm>>
      %dma_wait3A_87 = arith.constant 0 : i32
      %dma_wait3A_88 = tpu.memref_slice %arg4[%multiple_of3A, %dma_wait3A_87] : memref<50000x128xf32, #tpu.memory_space<hbm>> -> memref<40x128xf32, #tpu.memory_space<hbm>>
      tpu.wait_dma2 semaphore(%arg13 : memref<!tpu.dma_semaphore, #tpu.memory_space<semaphore_mem>>) src(%arg8 : memref<40x128xf32, #tpu.memory_space<vmem>>) dst(%dma_wait3A_88 : memref<40x128xf32, #tpu.memory_space<hbm>>)
    } else {
    }
    %gt3A_76 = arith.constant 1 : i32
    %gt3A_77 = arith.cmpi sgt, %select_n3A, %gt3A_76 : i32
    %convert_element_type3A_78 = arith.extui %gt3A_77 : i1 to i32
    %cond3A_79 = arith.constant 0 : i32
    %cond3A_80 = arith.cmpi ne, %convert_element_type3A_78, %cond3A_79 : i32
    scf.if %cond3A_80 {
      %add3A_81 = arith.constant 32 : i32
      %add3A_82 = arith.addi %add3A, %add3A_81 : i32
      %mul3A_83 = arith.constant 40 : i32
      %mul3A_84 = arith.muli %add3A_82, %mul3A_83 : i32
      %multiple_of3A = tpu.assume_multiple %mul3A_84, 8 : i32
      %dma_wait3A_85 = arith.constant 0 : i32
      %dma_wait3A_86 = tpu.memref_slice %arg4[%multiple_of3A, %dma_wait3A_85] : memref<50000x128xf32, #tpu.memory_space<hbm>> -> memref<40x128xf32, #tpu.memory_space<hbm>>
      %dma_wait3A_87 = arith.constant 0 : i32
      %dma_wait3A_88 = tpu.memref_slice %arg4[%multiple_of3A, %dma_wait3A_87] : memref<50000x128xf32, #tpu.memory_space<hbm>> -> memref<40x128xf32, #tpu.memory_space<hbm>>
      tpu.wait_dma2 semaphore(%arg14 : memref<!tpu.dma_semaphore, #tpu.memory_space<semaphore_mem>>) src(%arg9 : memref<40x128xf32, #tpu.memory_space<vmem>>) dst(%dma_wait3A_88 : memref<40x128xf32, #tpu.memory_space<hbm>>)
    } else {
    }
    return
  }
}

module attributes {stable_mosaic.version = 14 : i64} {
  func.func @_node_radius_kernel(%arg0: i32, %arg1: memref<10240x128xf32, #tpu.memory_space<vmem>>, %arg2: memref<128x1xf32, #tpu.memory_space<vmem>>, %arg3: memref<128x1xf32, #tpu.memory_space<vmem>>, %arg4: memref<80x128xf32, #tpu.memory_space<vmem>>, %arg5: memref<128x1xf32, #tpu.memory_space<vmem>>) attributes {dimension_semantics = [#tpu.dimension_semantics<arbitrary>], iteration_bounds = array<i64: 10>, scalar_prefetch = 0 : i64, scratch_operands = 1 : i64, tpu.core_type = #tpu.core_type<tc>, window_params = [{transform_indices = @transform_0, window_bounds = array<i64: 10240, 128>}, {pipeline_mode = #tpu.pipeline_mode<synchronous>, transform_indices = @transform_1, window_bounds = array<i64: 128, 1>}, {pipeline_mode = #tpu.pipeline_mode<synchronous>, transform_indices = @transform_2, window_bounds = array<i64: 128, 1>}, {transform_indices = @transform_3, window_bounds = array<i64: 80, 128>}]} {
    %eq3A = arith.constant 0 : i32
    %eq3A_0 = arith.cmpi eq, %arg0, %eq3A : i32
    %convert_element_type3A = arith.extui %eq3A_0 : i1 to i32
    %cond3A = arith.constant 0 : i32
    %cond3A_1 = arith.cmpi ne, %convert_element_type3A, %cond3A : i32
    scf.if %cond3A_1 {
      %iota3A_264 = tpu.iota {dimensions = array<i32: 1>} : vector<128x128xi32>
      %convert_element_type3A_265 = arith.sitofp %iota3A_264 : vector<128x128xi32> to vector<128x128xf32>
      %get3A_266 = arith.constant 0 : index
      %get3A_267 = arith.constant 0 : index
      %get3A_268 = vector.load %arg2[%get3A_266, %get3A_267] : memref<128x1xf32, #tpu.memory_space<vmem>>, vector<128x1xf32>
      %eq3A_269 = vector.broadcast %get3A_268 : vector<128x1xf32> to vector<128x128xf32>
      %eq3A_270 = arith.cmpf oeq, %eq3A_269, %convert_element_type3A_265 : vector<128x128xf32>
      %convert_element_type3A_271 = arith.extui %eq3A_270 : vector<128x128xi1> to vector<128x128xi32>
      %convert_element_type3A_272 = arith.sitofp %convert_element_type3A_271 : vector<128x128xi32> to vector<128x128xf32>
      %get3A_273 = arith.constant 0 : index
      %get3A_274 = arith.constant 0 : index
      %get3A_275 = vector.load %arg3[%get3A_273, %get3A_274] : memref<128x1xf32, #tpu.memory_space<vmem>>, vector<128x1xf32>
      %dot_general3A_276 = arith.constant dense<0.000000e+00> : vector<128x1xf32>
      %dot_general3A_277 = tpu.matmul %convert_element_type3A_272, %get3A_275, %dot_general3A_276 {dimension_numbers = #tpu.dot_dimension_numbers<[1], [0], [0], [1], [0, 0, 1, 1], [], []>, transpose_lhs_hint = false} : vector<128x128xf32>, vector<128x1xf32>, vector<128x1xf32> -> vector<128x1xf32>
      %mul3A = arith.constant 2.500000e-01 : f32
      %mul3A_278 = vector.broadcast %mul3A : f32 to vector<128x1xf32>
      %mul3A_279 = arith.mulf %mul3A_278, %dot_general3A_277 : vector<128x1xf32>
      %swap3A_280 = arith.constant 0 : index
      %swap3A_281 = arith.constant 0 : index
      %swap3A_282 = vector.load %arg5[%swap3A_280, %swap3A_281] : memref<128x1xf32, #tpu.memory_space<vmem>>, vector<128x1xf32>
      tpu.vector_store %arg5[%swap3A_280, %swap3A_281], %mul3A_279 {strides = array<i32>} : memref<128x1xf32, #tpu.memory_space<vmem>>, vector<128x1xf32>,
    } else {
    }
    %get3A = arith.constant 0 : index
    %get3A_2 = arith.constant 0 : index
    %get3A_3 = vector.load %arg1[%get3A, %get3A_2] : memref<10240x128xf32, #tpu.memory_space<vmem>>, vector<10240x128xf32>
    %iota3A = tpu.iota {dimensions = array<i32: 1>} : vector<10240x128xi32>
    %convert_element_type3A_4 = arith.sitofp %iota3A : vector<10240x128xi32> to vector<10240x128xf32>
    %reduce_max3A = arith.constant dense<0xFF800000> : vector<10240xf32>
    %reduce_max3A_5 = vector.multi_reduction <maximumf>, %get3A_3, %reduce_max3A [1] : vector<10240x128xf32> to vector<10240xf32>
    %broadcast_in_dim3A = vector.shape_cast %reduce_max3A_5 : vector<10240xf32> to vector<10240x1xf32>
    %eq3A_6 = vector.broadcast %broadcast_in_dim3A : vector<10240x1xf32> to vector<10240x128xf32>
    %eq3A_7 = arith.cmpf oeq, %get3A_3, %eq3A_6 : vector<10240x128xf32>
    %sub3A = arith.constant 1.280000e+02 : f32
    %sub3A_8 = vector.broadcast %sub3A : f32 to vector<10240x128xf32>
    %sub3A_9 = arith.subf %sub3A_8, %convert_element_type3A_4 : vector<10240x128xf32>
    %jit3A = arith.constant 0.000000e+00 : f32
    %broadcast_in_dim3A_10 = vector.broadcast %jit3A : f32 to vector<10240x128xf32>
    %select_n3A = arith.select %eq3A_7, %sub3A_9, %broadcast_in_dim3A_10 : vector<10240x128xi1>, vector<10240x128xf32>
    %reduce_max3A_11 = arith.constant dense<0xFF800000> : vector<10240xf32>
    %reduce_max3A_12 = vector.multi_reduction <maximumf>, %select_n3A, %reduce_max3A_11 [1] : vector<10240x128xf32> to vector<10240xf32>
    %broadcast_in_dim3A_13 = vector.shape_cast %reduce_max3A_12 : vector<10240xf32> to vector<10240x1xf32>
    %sub3A_14 = arith.constant 1.280000e+02 : f32
    %sub3A_15 = vector.broadcast %sub3A_14 : f32 to vector<10240x1xf32>
    %sub3A_16 = arith.subf %sub3A_15, %broadcast_in_dim3A_13 : vector<10240x1xf32>
    %eq3A_17 = vector.broadcast %sub3A_16 : vector<10240x1xf32> to vector<10240x128xf32>
    %eq3A_18 = arith.cmpf oeq, %convert_element_type3A_4, %eq3A_17 : vector<10240x128xf32>
    %convert_element_type3A_19 = arith.extui %eq3A_18 : vector<10240x128xi1> to vector<10240x128xi32>
    %convert_element_type3A_20 = arith.sitofp %convert_element_type3A_19 : vector<10240x128xi32> to vector<10240x128xf32>
    %get3A_21 = arith.constant 0 : index
    %get3A_22 = arith.constant 0 : index
    %get3A_23 = vector.load %arg5[%get3A_21, %get3A_22] : memref<128x1xf32, #tpu.memory_space<vmem>>, vector<128x1xf32>
    %slice3A = vector.extract_strided_slice %convert_element_type3A_20 {offsets = [0, 0], sizes = [128, 128], strides = [1, 1]} : vector<10240x128xf32> to vector<128x128xf32>
    %dot_general3A = arith.constant dense<0.000000e+00> : vector<1x128xf32>
    %dot_general3A_24 = tpu.matmul %get3A_23, %slice3A, %dot_general3A {dimension_numbers = #tpu.dot_dimension_numbers<[0], [1], [1], [0], [0, 1, 1, 0], [], []>, transpose_lhs_hint = false} : vector<128x1xf32>, vector<128x128xf32>, vector<1x128xf32> -> vector<1x128xf32>
    %slice3A_25 = vector.extract_strided_slice %convert_element_type3A_20 {offsets = [128, 0], sizes = [128, 128], strides = [1, 1]} : vector<10240x128xf32> to vector<128x128xf32>
    %dot_general3A_26 = arith.constant dense<0.000000e+00> : vector<1x128xf32>
    %dot_general3A_27 = tpu.matmul %get3A_23, %slice3A_25, %dot_general3A_26 {dimension_numbers = #tpu.dot_dimension_numbers<[0], [1], [1], [0], [0, 1, 1, 0], [], []>, transpose_lhs_hint = false} : vector<128x1xf32>, vector<128x128xf32>, vector<1x128xf32> -> vector<1x128xf32>
    %slice3A_28 = vector.extract_strided_slice %convert_element_type3A_20 {offsets = [256, 0], sizes = [128, 128], strides = [1, 1]} : vector<10240x128xf32> to vector<128x128xf32>
    %dot_general3A_29 = arith.constant dense<0.000000e+00> : vector<1x128xf32>
    %dot_general3A_30 = tpu.matmul %get3A_23, %slice3A_28, %dot_general3A_29 {dimension_numbers = #tpu.dot_dimension_numbers<[0], [1], [1], [0], [0, 1, 1, 0], [], []>, transpose_lhs_hint = false} : vector<128x1xf32>, vector<128x128xf32>, vector<1x128xf32> -> vector<1x128xf32>
    %slice3A_31 = vector.extract_strided_slice %convert_element_type3A_20 {offsets = [384, 0], sizes = [128, 128], strides = [1, 1]} : vector<10240x128xf32> to vector<128x128xf32>
    %dot_general3A_32 = arith.constant dense<0.000000e+00> : vector<1x128xf32>
    %dot_general3A_33 = tpu.matmul %get3A_23, %slice3A_31, %dot_general3A_32 {dimension_numbers = #tpu.dot_dimension_numbers<[0], [1], [1], [0], [0, 1, 1, 0], [], []>, transpose_lhs_hint = false} : vector<128x1xf32>, vector<128x128xf32>, vector<1x128xf32> -> vector<1x128xf32>
    %slice3A_34 = vector.extract_strided_slice %convert_element_type3A_20 {offsets = [512, 0], sizes = [128, 128], strides = [1, 1]} : vector<10240x128xf32> to vector<128x128xf32>
    %dot_general3A_35 = arith.constant dense<0.000000e+00> : vector<1x128xf32>
    %dot_general3A_36 = tpu.matmul %get3A_23, %slice3A_34, %dot_general3A_35 {dimension_numbers = #tpu.dot_dimension_numbers<[0], [1], [1], [0], [0, 1, 1, 0], [], []>, transpose_lhs_hint = false} : vector<128x1xf32>, vector<128x128xf32>, vector<1x128xf32> -> vector<1x128xf32>
    %slice3A_37 = vector.extract_strided_slice %convert_element_type3A_20 {offsets = [640, 0], sizes = [128, 128], strides = [1, 1]} : vector<10240x128xf32> to vector<128x128xf32>
    %dot_general3A_38 = arith.constant dense<0.000000e+00> : vector<1x128xf32>
    %dot_general3A_39 = tpu.matmul %get3A_23, %slice3A_37, %dot_general3A_38 {dimension_numbers = #tpu.dot_dimension_numbers<[0], [1], [1], [0], [0, 1, 1, 0], [], []>, transpose_lhs_hint = false} : vector<128x1xf32>, vector<128x128xf32>, vector<1x128xf32> -> vector<1x128xf32>
    %slice3A_40 = vector.extract_strided_slice %convert_element_type3A_20 {offsets = [768, 0], sizes = [128, 128], strides = [1, 1]} : vector<10240x128xf32> to vector<128x128xf32>
    %dot_general3A_41 = arith.constant dense<0.000000e+00> : vector<1x128xf32>
    %dot_general3A_42 = tpu.matmul %get3A_23, %slice3A_40, %dot_general3A_41 {dimension_numbers = #tpu.dot_dimension_numbers<[0], [1], [1], [0], [0, 1, 1, 0], [], []>, transpose_lhs_hint = false} : vector<128x1xf32>, vector<128x128xf32>, vector<1x128xf32> -> vector<1x128xf32>
    %slice3A_43 = vector.extract_strided_slice %convert_element_type3A_20 {offsets = [896, 0], sizes = [128, 128], strides = [1, 1]} : vector<10240x128xf32> to vector<128x128xf32>
    %dot_general3A_44 = arith.constant dense<0.000000e+00> : vector<1x128xf32>
    %dot_general3A_45 = tpu.matmul %get3A_23, %slice3A_43, %dot_general3A_44 {dimension_numbers = #tpu.dot_dimension_numbers<[0], [1], [1], [0], [0, 1, 1, 0], [], []>, transpose_lhs_hint = false} : vector<128x1xf32>, vector<128x128xf32>, vector<1x128xf32> -> vector<1x128xf32>
    %slice3A_46 = vector.extract_strided_slice %convert_element_type3A_20 {offsets = [1024, 0], sizes = [128, 128], strides = [1, 1]} : vector<10240x128xf32> to vector<128x128xf32>
    %dot_general3A_47 = arith.constant dense<0.000000e+00> : vector<1x128xf32>
    %dot_general3A_48 = tpu.matmul %get3A_23, %slice3A_46, %dot_general3A_47 {dimension_numbers = #tpu.dot_dimension_numbers<[0], [1], [1], [0], [0, 1, 1, 0], [], []>, transpose_lhs_hint = false} : vector<128x1xf32>, vector<128x128xf32>, vector<1x128xf32> -> vector<1x128xf32>
    %slice3A_49 = vector.extract_strided_slice %convert_element_type3A_20 {offsets = [1152, 0], sizes = [128, 128], strides = [1, 1]} : vector<10240x128xf32> to vector<128x128xf32>
    %dot_general3A_50 = arith.constant dense<0.000000e+00> : vector<1x128xf32>
    %dot_general3A_51 = tpu.matmul %get3A_23, %slice3A_49, %dot_general3A_50 {dimension_numbers = #tpu.dot_dimension_numbers<[0], [1], [1], [0], [0, 1, 1, 0], [], []>, transpose_lhs_hint = false} : vector<128x1xf32>, vector<128x128xf32>, vector<1x128xf32> -> vector<1x128xf32>
    %slice3A_52 = vector.extract_strided_slice %convert_element_type3A_20 {offsets = [1280, 0], sizes = [128, 128], strides = [1, 1]} : vector<10240x128xf32> to vector<128x128xf32>
    %dot_general3A_53 = arith.constant dense<0.000000e+00> : vector<1x128xf32>
    %dot_general3A_54 = tpu.matmul %get3A_23, %slice3A_52, %dot_general3A_53 {dimension_numbers = #tpu.dot_dimension_numbers<[0], [1], [1], [0], [0, 1, 1, 0], [], []>, transpose_lhs_hint = false} : vector<128x1xf32>, vector<128x128xf32>, vector<1x128xf32> -> vector<1x128xf32>
    %slice3A_55 = vector.extract_strided_slice %convert_element_type3A_20 {offsets = [1408, 0], sizes = [128, 128], strides = [1, 1]} : vector<10240x128xf32> to vector<128x128xf32>
    %dot_general3A_56 = arith.constant dense<0.000000e+00> : vector<1x128xf32>
    %dot_general3A_57 = tpu.matmul %get3A_23, %slice3A_55, %dot_general3A_56 {dimension_numbers = #tpu.dot_dimension_numbers<[0], [1], [1], [0], [0, 1, 1, 0], [], []>, transpose_lhs_hint = false} : vector<128x1xf32>, vector<128x128xf32>, vector<1x128xf32> -> vector<1x128xf32>
    %slice3A_58 = vector.extract_strided_slice %convert_element_type3A_20 {offsets = [1536, 0], sizes = [128, 128], strides = [1, 1]} : vector<10240x128xf32> to vector<128x128xf32>
    %dot_general3A_59 = arith.constant dense<0.000000e+00> : vector<1x128xf32>
    %dot_general3A_60 = tpu.matmul %get3A_23, %slice3A_58, %dot_general3A_59 {dimension_numbers = #tpu.dot_dimension_numbers<[0], [1], [1], [0], [0, 1, 1, 0], [], []>, transpose_lhs_hint = false} : vector<128x1xf32>, vector<128x128xf32>, vector<1x128xf32> -> vector<1x128xf32>
    %slice3A_61 = vector.extract_strided_slice %convert_element_type3A_20 {offsets = [1664, 0], sizes = [128, 128], strides = [1, 1]} : vector<10240x128xf32> to vector<128x128xf32>
    %dot_general3A_62 = arith.constant dense<0.000000e+00> : vector<1x128xf32>
    %dot_general3A_63 = tpu.matmul %get3A_23, %slice3A_61, %dot_general3A_62 {dimension_numbers = #tpu.dot_dimension_numbers<[0], [1], [1], [0], [0, 1, 1, 0], [], []>, transpose_lhs_hint = false} : vector<128x1xf32>, vector<128x128xf32>, vector<1x128xf32> -> vector<1x128xf32>
    %slice3A_64 = vector.extract_strided_slice %convert_element_type3A_20 {offsets = [1792, 0], sizes = [128, 128], strides = [1, 1]} : vector<10240x128xf32> to vector<128x128xf32>
    %dot_general3A_65 = arith.constant dense<0.000000e+00> : vector<1x128xf32>
    %dot_general3A_66 = tpu.matmul %get3A_23, %slice3A_64, %dot_general3A_65 {dimension_numbers = #tpu.dot_dimension_numbers<[0], [1], [1], [0], [0, 1, 1, 0], [], []>, transpose_lhs_hint = false} : vector<128x1xf32>, vector<128x128xf32>, vector<1x128xf32> -> vector<1x128xf32>
    %slice3A_67 = vector.extract_strided_slice %convert_element_type3A_20 {offsets = [1920, 0], sizes = [128, 128], strides = [1, 1]} : vector<10240x128xf32> to vector<128x128xf32>
    %dot_general3A_68 = arith.constant dense<0.000000e+00> : vector<1x128xf32>
    %dot_general3A_69 = tpu.matmul %get3A_23, %slice3A_67, %dot_general3A_68 {dimension_numbers = #tpu.dot_dimension_numbers<[0], [1], [1], [0], [0, 1, 1, 0], [], []>, transpose_lhs_hint = false} : vector<128x1xf32>, vector<128x128xf32>, vector<1x128xf32> -> vector<1x128xf32>
    %slice3A_70 = vector.extract_strided_slice %convert_element_type3A_20 {offsets = [2048, 0], sizes = [128, 128], strides = [1, 1]} : vector<10240x128xf32> to vector<128x128xf32>
    %dot_general3A_71 = arith.constant dense<0.000000e+00> : vector<1x128xf32>
    %dot_general3A_72 = tpu.matmul %get3A_23, %slice3A_70, %dot_general3A_71 {dimension_numbers = #tpu.dot_dimension_numbers<[0], [1], [1], [0], [0, 1, 1, 0], [], []>, transpose_lhs_hint = false} : vector<128x1xf32>, vector<128x128xf32>, vector<1x128xf32> -> vector<1x128xf32>
    %slice3A_73 = vector.extract_strided_slice %convert_element_type3A_20 {offsets = [2176, 0], sizes = [128, 128], strides = [1, 1]} : vector<10240x128xf32> to vector<128x128xf32>
    %dot_general3A_74 = arith.constant dense<0.000000e+00> : vector<1x128xf32>
    %dot_general3A_75 = tpu.matmul %get3A_23, %slice3A_73, %dot_general3A_74 {dimension_numbers = #tpu.dot_dimension_numbers<[0], [1], [1], [0], [0, 1, 1, 0], [], []>, transpose_lhs_hint = false} : vector<128x1xf32>, vector<128x128xf32>, vector<1x128xf32> -> vector<1x128xf32>
    %slice3A_76 = vector.extract_strided_slice %convert_element_type3A_20 {offsets = [2304, 0], sizes = [128, 128], strides = [1, 1]} : vector<10240x128xf32> to vector<128x128xf32>
    %dot_general3A_77 = arith.constant dense<0.000000e+00> : vector<1x128xf32>
    %dot_general3A_78 = tpu.matmul %get3A_23, %slice3A_76, %dot_general3A_77 {dimension_numbers = #tpu.dot_dimension_numbers<[0], [1], [1], [0], [0, 1, 1, 0], [], []>, transpose_lhs_hint = false} : vector<128x1xf32>, vector<128x128xf32>, vector<1x128xf32> -> vector<1x128xf32>
    %slice3A_79 = vector.extract_strided_slice %convert_element_type3A_20 {offsets = [2432, 0], sizes = [128, 128], strides = [1, 1]} : vector<10240x128xf32> to vector<128x128xf32>
    %dot_general3A_80 = arith.constant dense<0.000000e+00> : vector<1x128xf32>
    %dot_general3A_81 = tpu.matmul %get3A_23, %slice3A_79, %dot_general3A_80 {dimension_numbers = #tpu.dot_dimension_numbers<[0], [1], [1], [0], [0, 1, 1, 0], [], []>, transpose_lhs_hint = false} : vector<128x1xf32>, vector<128x128xf32>, vector<1x128xf32> -> vector<1x128xf32>
    %slice3A_82 = vector.extract_strided_slice %convert_element_type3A_20 {offsets = [2560, 0], sizes = [128, 128], strides = [1, 1]} : vector<10240x128xf32> to vector<128x128xf32>
    %dot_general3A_83 = arith.constant dense<0.000000e+00> : vector<1x128xf32>
    %dot_general3A_84 = tpu.matmul %get3A_23, %slice3A_82, %dot_general3A_83 {dimension_numbers = #tpu.dot_dimension_numbers<[0], [1], [1], [0], [0, 1, 1, 0], [], []>, transpose_lhs_hint = false} : vector<128x1xf32>, vector<128x128xf32>, vector<1x128xf32> -> vector<1x128xf32>
    %slice3A_85 = vector.extract_strided_slice %convert_element_type3A_20 {offsets = [2688, 0], sizes = [128, 128], strides = [1, 1]} : vector<10240x128xf32> to vector<128x128xf32>
    %dot_general3A_86 = arith.constant dense<0.000000e+00> : vector<1x128xf32>
    %dot_general3A_87 = tpu.matmul %get3A_23, %slice3A_85, %dot_general3A_86 {dimension_numbers = #tpu.dot_dimension_numbers<[0], [1], [1], [0], [0, 1, 1, 0], [], []>, transpose_lhs_hint = false} : vector<128x1xf32>, vector<128x128xf32>, vector<1x128xf32> -> vector<1x128xf32>
    %slice3A_88 = vector.extract_strided_slice %convert_element_type3A_20 {offsets = [2816, 0], sizes = [128, 128], strides = [1, 1]} : vector<10240x128xf32> to vector<128x128xf32>
    %dot_general3A_89 = arith.constant dense<0.000000e+00> : vector<1x128xf32>
    %dot_general3A_90 = tpu.matmul %get3A_23, %slice3A_88, %dot_general3A_89 {dimension_numbers = #tpu.dot_dimension_numbers<[0], [1], [1], [0], [0, 1, 1, 0], [], []>, transpose_lhs_hint = false} : vector<128x1xf32>, vector<128x128xf32>, vector<1x128xf32> -> vector<1x128xf32>
    %slice3A_91 = vector.extract_strided_slice %convert_element_type3A_20 {offsets = [2944, 0], sizes = [128, 128], strides = [1, 1]} : vector<10240x128xf32> to vector<128x128xf32>
    %dot_general3A_92 = arith.constant dense<0.000000e+00> : vector<1x128xf32>
    %dot_general3A_93 = tpu.matmul %get3A_23, %slice3A_91, %dot_general3A_92 {dimension_numbers = #tpu.dot_dimension_numbers<[0], [1], [1], [0], [0, 1, 1, 0], [], []>, transpose_lhs_hint = false} : vector<128x1xf32>, vector<128x128xf32>, vector<1x128xf32> -> vector<1x128xf32>
    %slice3A_94 = vector.extract_strided_slice %convert_element_type3A_20 {offsets = [3072, 0], sizes = [128, 128], strides = [1, 1]} : vector<10240x128xf32> to vector<128x128xf32>
    %dot_general3A_95 = arith.constant dense<0.000000e+00> : vector<1x128xf32>
    %dot_general3A_96 = tpu.matmul %get3A_23, %slice3A_94, %dot_general3A_95 {dimension_numbers = #tpu.dot_dimension_numbers<[0], [1], [1], [0], [0, 1, 1, 0], [], []>, transpose_lhs_hint = false} : vector<128x1xf32>, vector<128x128xf32>, vector<1x128xf32> -> vector<1x128xf32>
    %slice3A_97 = vector.extract_strided_slice %convert_element_type3A_20 {offsets = [3200, 0], sizes = [128, 128], strides = [1, 1]} : vector<10240x128xf32> to vector<128x128xf32>
    %dot_general3A_98 = arith.constant dense<0.000000e+00> : vector<1x128xf32>
    %dot_general3A_99 = tpu.matmul %get3A_23, %slice3A_97, %dot_general3A_98 {dimension_numbers = #tpu.dot_dimension_numbers<[0], [1], [1], [0], [0, 1, 1, 0], [], []>, transpose_lhs_hint = false} : vector<128x1xf32>, vector<128x128xf32>, vector<1x128xf32> -> vector<1x128xf32>
    %slice3A_100 = vector.extract_strided_slice %convert_element_type3A_20 {offsets = [3328, 0], sizes = [128, 128], strides = [1, 1]} : vector<10240x128xf32> to vector<128x128xf32>
    %dot_general3A_101 = arith.constant dense<0.000000e+00> : vector<1x128xf32>
    %dot_general3A_102 = tpu.matmul %get3A_23, %slice3A_100, %dot_general3A_101 {dimension_numbers = #tpu.dot_dimension_numbers<[0], [1], [1], [0], [0, 1, 1, 0], [], []>, transpose_lhs_hint = false} : vector<128x1xf32>, vector<128x128xf32>, vector<1x128xf32> -> vector<1x128xf32>
    %slice3A_103 = vector.extract_strided_slice %convert_element_type3A_20 {offsets = [3456, 0], sizes = [128, 128], strides = [1, 1]} : vector<10240x128xf32> to vector<128x128xf32>
    %dot_general3A_104 = arith.constant dense<0.000000e+00> : vector<1x128xf32>
    %dot_general3A_105 = tpu.matmul %get3A_23, %slice3A_103, %dot_general3A_104 {dimension_numbers = #tpu.dot_dimension_numbers<[0], [1], [1], [0], [0, 1, 1, 0], [], []>, transpose_lhs_hint = false} : vector<128x1xf32>, vector<128x128xf32>, vector<1x128xf32> -> vector<1x128xf32>
    %slice3A_106 = vector.extract_strided_slice %convert_element_type3A_20 {offsets = [3584, 0], sizes = [128, 128], strides = [1, 1]} : vector<10240x128xf32> to vector<128x128xf32>
    %dot_general3A_107 = arith.constant dense<0.000000e+00> : vector<1x128xf32>
    %dot_general3A_108 = tpu.matmul %get3A_23, %slice3A_106, %dot_general3A_107 {dimension_numbers = #tpu.dot_dimension_numbers<[0], [1], [1], [0], [0, 1, 1, 0], [], []>, transpose_lhs_hint = false} : vector<128x1xf32>, vector<128x128xf32>, vector<1x128xf32> -> vector<1x128xf32>
    %slice3A_109 = vector.extract_strided_slice %convert_element_type3A_20 {offsets = [3712, 0], sizes = [128, 128], strides = [1, 1]} : vector<10240x128xf32> to vector<128x128xf32>
    %dot_general3A_110 = arith.constant dense<0.000000e+00> : vector<1x128xf32>
    %dot_general3A_111 = tpu.matmul %get3A_23, %slice3A_109, %dot_general3A_110 {dimension_numbers = #tpu.dot_dimension_numbers<[0], [1], [1], [0], [0, 1, 1, 0], [], []>, transpose_lhs_hint = false} : vector<128x1xf32>, vector<128x128xf32>, vector<1x128xf32> -> vector<1x128xf32>
    %slice3A_112 = vector.extract_strided_slice %convert_element_type3A_20 {offsets = [3840, 0], sizes = [128, 128], strides = [1, 1]} : vector<10240x128xf32> to vector<128x128xf32>
    %dot_general3A_113 = arith.constant dense<0.000000e+00> : vector<1x128xf32>
    %dot_general3A_114 = tpu.matmul %get3A_23, %slice3A_112, %dot_general3A_113 {dimension_numbers = #tpu.dot_dimension_numbers<[0], [1], [1], [0], [0, 1, 1, 0], [], []>, transpose_lhs_hint = false} : vector<128x1xf32>, vector<128x128xf32>, vector<1x128xf32> -> vector<1x128xf32>
    %slice3A_115 = vector.extract_strided_slice %convert_element_type3A_20 {offsets = [3968, 0], sizes = [128, 128], strides = [1, 1]} : vector<10240x128xf32> to vector<128x128xf32>
    %dot_general3A_116 = arith.constant dense<0.000000e+00> : vector<1x128xf32>
    %dot_general3A_117 = tpu.matmul %get3A_23, %slice3A_115, %dot_general3A_116 {dimension_numbers = #tpu.dot_dimension_numbers<[0], [1], [1], [0], [0, 1, 1, 0], [], []>, transpose_lhs_hint = false} : vector<128x1xf32>, vector<128x128xf32>, vector<1x128xf32> -> vector<1x128xf32>
    %slice3A_118 = vector.extract_strided_slice %convert_element_type3A_20 {offsets = [4096, 0], sizes = [128, 128], strides = [1, 1]} : vector<10240x128xf32> to vector<128x128xf32>
    %dot_general3A_119 = arith.constant dense<0.000000e+00> : vector<1x128xf32>
    %dot_general3A_120 = tpu.matmul %get3A_23, %slice3A_118, %dot_general3A_119 {dimension_numbers = #tpu.dot_dimension_numbers<[0], [1], [1], [0], [0, 1, 1, 0], [], []>, transpose_lhs_hint = false} : vector<128x1xf32>, vector<128x128xf32>, vector<1x128xf32> -> vector<1x128xf32>
    %slice3A_121 = vector.extract_strided_slice %convert_element_type3A_20 {offsets = [4224, 0], sizes = [128, 128], strides = [1, 1]} : vector<10240x128xf32> to vector<128x128xf32>
    %dot_general3A_122 = arith.constant dense<0.000000e+00> : vector<1x128xf32>
    %dot_general3A_123 = tpu.matmul %get3A_23, %slice3A_121, %dot_general3A_122 {dimension_numbers = #tpu.dot_dimension_numbers<[0], [1], [1], [0], [0, 1, 1, 0], [], []>, transpose_lhs_hint = false} : vector<128x1xf32>, vector<128x128xf32>, vector<1x128xf32> -> vector<1x128xf32>
    %slice3A_124 = vector.extract_strided_slice %convert_element_type3A_20 {offsets = [4352, 0], sizes = [128, 128], strides = [1, 1]} : vector<10240x128xf32> to vector<128x128xf32>
    %dot_general3A_125 = arith.constant dense<0.000000e+00> : vector<1x128xf32>
    %dot_general3A_126 = tpu.matmul %get3A_23, %slice3A_124, %dot_general3A_125 {dimension_numbers = #tpu.dot_dimension_numbers<[0], [1], [1], [0], [0, 1, 1, 0], [], []>, transpose_lhs_hint = false} : vector<128x1xf32>, vector<128x128xf32>, vector<1x128xf32> -> vector<1x128xf32>
    %slice3A_127 = vector.extract_strided_slice %convert_element_type3A_20 {offsets = [4480, 0], sizes = [128, 128], strides = [1, 1]} : vector<10240x128xf32> to vector<128x128xf32>
    %dot_general3A_128 = arith.constant dense<0.000000e+00> : vector<1x128xf32>
    %dot_general3A_129 = tpu.matmul %get3A_23, %slice3A_127, %dot_general3A_128 {dimension_numbers = #tpu.dot_dimension_numbers<[0], [1], [1], [0], [0, 1, 1, 0], [], []>, transpose_lhs_hint = false} : vector<128x1xf32>, vector<128x128xf32>, vector<1x128xf32> -> vector<1x128xf32>
    %slice3A_130 = vector.extract_strided_slice %convert_element_type3A_20 {offsets = [4608, 0], sizes = [128, 128], strides = [1, 1]} : vector<10240x128xf32> to vector<128x128xf32>
    %dot_general3A_131 = arith.constant dense<0.000000e+00> : vector<1x128xf32>
    %dot_general3A_132 = tpu.matmul %get3A_23, %slice3A_130, %dot_general3A_131 {dimension_numbers = #tpu.dot_dimension_numbers<[0], [1], [1], [0], [0, 1, 1, 0], [], []>, transpose_lhs_hint = false} : vector<128x1xf32>, vector<128x128xf32>, vector<1x128xf32> -> vector<1x128xf32>
    %slice3A_133 = vector.extract_strided_slice %convert_element_type3A_20 {offsets = [4736, 0], sizes = [128, 128], strides = [1, 1]} : vector<10240x128xf32> to vector<128x128xf32>
    %dot_general3A_134 = arith.constant dense<0.000000e+00> : vector<1x128xf32>
    %dot_general3A_135 = tpu.matmul %get3A_23, %slice3A_133, %dot_general3A_134 {dimension_numbers = #tpu.dot_dimension_numbers<[0], [1], [1], [0], [0, 1, 1, 0], [], []>, transpose_lhs_hint = false} : vector<128x1xf32>, vector<128x128xf32>, vector<1x128xf32> -> vector<1x128xf32>
    %slice3A_136 = vector.extract_strided_slice %convert_element_type3A_20 {offsets = [4864, 0], sizes = [128, 128], strides = [1, 1]} : vector<10240x128xf32> to vector<128x128xf32>
    %dot_general3A_137 = arith.constant dense<0.000000e+00> : vector<1x128xf32>
    %dot_general3A_138 = tpu.matmul %get3A_23, %slice3A_136, %dot_general3A_137 {dimension_numbers = #tpu.dot_dimension_numbers<[0], [1], [1], [0], [0, 1, 1, 0], [], []>, transpose_lhs_hint = false} : vector<128x1xf32>, vector<128x128xf32>, vector<1x128xf32> -> vector<1x128xf32>
    %slice3A_139 = vector.extract_strided_slice %convert_element_type3A_20 {offsets = [4992, 0], sizes = [128, 128], strides = [1, 1]} : vector<10240x128xf32> to vector<128x128xf32>
    %dot_general3A_140 = arith.constant dense<0.000000e+00> : vector<1x128xf32>
    %dot_general3A_141 = tpu.matmul %get3A_23, %slice3A_139, %dot_general3A_140 {dimension_numbers = #tpu.dot_dimension_numbers<[0], [1], [1], [0], [0, 1, 1, 0], [], []>, transpose_lhs_hint = false} : vector<128x1xf32>, vector<128x128xf32>, vector<1x128xf32> -> vector<1x128xf32>
    %slice3A_142 = vector.extract_strided_slice %convert_element_type3A_20 {offsets = [5120, 0], sizes = [128, 128], strides = [1, 1]} : vector<10240x128xf32> to vector<128x128xf32>
    %dot_general3A_143 = arith.constant dense<0.000000e+00> : vector<1x128xf32>
    %dot_general3A_144 = tpu.matmul %get3A_23, %slice3A_142, %dot_general3A_143 {dimension_numbers = #tpu.dot_dimension_numbers<[0], [1], [1], [0], [0, 1, 1, 0], [], []>, transpose_lhs_hint = false} : vector<128x1xf32>, vector<128x128xf32>, vector<1x128xf32> -> vector<1x128xf32>
    %slice3A_145 = vector.extract_strided_slice %convert_element_type3A_20 {offsets = [5248, 0], sizes = [128, 128], strides = [1, 1]} : vector<10240x128xf32> to vector<128x128xf32>
    %dot_general3A_146 = arith.constant dense<0.000000e+00> : vector<1x128xf32>
    %dot_general3A_147 = tpu.matmul %get3A_23, %slice3A_145, %dot_general3A_146 {dimension_numbers = #tpu.dot_dimension_numbers<[0], [1], [1], [0], [0, 1, 1, 0], [], []>, transpose_lhs_hint = false} : vector<128x1xf32>, vector<128x128xf32>, vector<1x128xf32> -> vector<1x128xf32>
    %slice3A_148 = vector.extract_strided_slice %convert_element_type3A_20 {offsets = [5376, 0], sizes = [128, 128], strides = [1, 1]} : vector<10240x128xf32> to vector<128x128xf32>
    %dot_general3A_149 = arith.constant dense<0.000000e+00> : vector<1x128xf32>
    %dot_general3A_150 = tpu.matmul %get3A_23, %slice3A_148, %dot_general3A_149 {dimension_numbers = #tpu.dot_dimension_numbers<[0], [1], [1], [0], [0, 1, 1, 0], [], []>, transpose_lhs_hint = false} : vector<128x1xf32>, vector<128x128xf32>, vector<1x128xf32> -> vector<1x128xf32>
    %slice3A_151 = vector.extract_strided_slice %convert_element_type3A_20 {offsets = [5504, 0], sizes = [128, 128], strides = [1, 1]} : vector<10240x128xf32> to vector<128x128xf32>
    %dot_general3A_152 = arith.constant dense<0.000000e+00> : vector<1x128xf32>
    %dot_general3A_153 = tpu.matmul %get3A_23, %slice3A_151, %dot_general3A_152 {dimension_numbers = #tpu.dot_dimension_numbers<[0], [1], [1], [0], [0, 1, 1, 0], [], []>, transpose_lhs_hint = false} : vector<128x1xf32>, vector<128x128xf32>, vector<1x128xf32> -> vector<1x128xf32>
    %slice3A_154 = vector.extract_strided_slice %convert_element_type3A_20 {offsets = [5632, 0], sizes = [128, 128], strides = [1, 1]} : vector<10240x128xf32> to vector<128x128xf32>
    %dot_general3A_155 = arith.constant dense<0.000000e+00> : vector<1x128xf32>
    %dot_general3A_156 = tpu.matmul %get3A_23, %slice3A_154, %dot_general3A_155 {dimension_numbers = #tpu.dot_dimension_numbers<[0], [1], [1], [0], [0, 1, 1, 0], [], []>, transpose_lhs_hint = false} : vector<128x1xf32>, vector<128x128xf32>, vector<1x128xf32> -> vector<1x128xf32>
    %slice3A_157 = vector.extract_strided_slice %convert_element_type3A_20 {offsets = [5760, 0], sizes = [128, 128], strides = [1, 1]} : vector<10240x128xf32> to vector<128x128xf32>
    %dot_general3A_158 = arith.constant dense<0.000000e+00> : vector<1x128xf32>
    %dot_general3A_159 = tpu.matmul %get3A_23, %slice3A_157, %dot_general3A_158 {dimension_numbers = #tpu.dot_dimension_numbers<[0], [1], [1], [0], [0, 1, 1, 0], [], []>, transpose_lhs_hint = false} : vector<128x1xf32>, vector<128x128xf32>, vector<1x128xf32> -> vector<1x128xf32>
    %slice3A_160 = vector.extract_strided_slice %convert_element_type3A_20 {offsets = [5888, 0], sizes = [128, 128], strides = [1, 1]} : vector<10240x128xf32> to vector<128x128xf32>
    %dot_general3A_161 = arith.constant dense<0.000000e+00> : vector<1x128xf32>
    %dot_general3A_162 = tpu.matmul %get3A_23, %slice3A_160, %dot_general3A_161 {dimension_numbers = #tpu.dot_dimension_numbers<[0], [1], [1], [0], [0, 1, 1, 0], [], []>, transpose_lhs_hint = false} : vector<128x1xf32>, vector<128x128xf32>, vector<1x128xf32> -> vector<1x128xf32>
    %slice3A_163 = vector.extract_strided_slice %convert_element_type3A_20 {offsets = [6016, 0], sizes = [128, 128], strides = [1, 1]} : vector<10240x128xf32> to vector<128x128xf32>
    %dot_general3A_164 = arith.constant dense<0.000000e+00> : vector<1x128xf32>
    %dot_general3A_165 = tpu.matmul %get3A_23, %slice3A_163, %dot_general3A_164 {dimension_numbers = #tpu.dot_dimension_numbers<[0], [1], [1], [0], [0, 1, 1, 0], [], []>, transpose_lhs_hint = false} : vector<128x1xf32>, vector<128x128xf32>, vector<1x128xf32> -> vector<1x128xf32>
    %slice3A_166 = vector.extract_strided_slice %convert_element_type3A_20 {offsets = [6144, 0], sizes = [128, 128], strides = [1, 1]} : vector<10240x128xf32> to vector<128x128xf32>
    %dot_general3A_167 = arith.constant dense<0.000000e+00> : vector<1x128xf32>
    %dot_general3A_168 = tpu.matmul %get3A_23, %slice3A_166, %dot_general3A_167 {dimension_numbers = #tpu.dot_dimension_numbers<[0], [1], [1], [0], [0, 1, 1, 0], [], []>, transpose_lhs_hint = false} : vector<128x1xf32>, vector<128x128xf32>, vector<1x128xf32> -> vector<1x128xf32>
    %slice3A_169 = vector.extract_strided_slice %convert_element_type3A_20 {offsets = [6272, 0], sizes = [128, 128], strides = [1, 1]} : vector<10240x128xf32> to vector<128x128xf32>
    %dot_general3A_170 = arith.constant dense<0.000000e+00> : vector<1x128xf32>
    %dot_general3A_171 = tpu.matmul %get3A_23, %slice3A_169, %dot_general3A_170 {dimension_numbers = #tpu.dot_dimension_numbers<[0], [1], [1], [0], [0, 1, 1, 0], [], []>, transpose_lhs_hint = false} : vector<128x1xf32>, vector<128x128xf32>, vector<1x128xf32> -> vector<1x128xf32>
    %slice3A_172 = vector.extract_strided_slice %convert_element_type3A_20 {offsets = [6400, 0], sizes = [128, 128], strides = [1, 1]} : vector<10240x128xf32> to vector<128x128xf32>
    %dot_general3A_173 = arith.constant dense<0.000000e+00> : vector<1x128xf32>
    %dot_general3A_174 = tpu.matmul %get3A_23, %slice3A_172, %dot_general3A_173 {dimension_numbers = #tpu.dot_dimension_numbers<[0], [1], [1], [0], [0, 1, 1, 0], [], []>, transpose_lhs_hint = false} : vector<128x1xf32>, vector<128x128xf32>, vector<1x128xf32> -> vector<1x128xf32>
    %slice3A_175 = vector.extract_strided_slice %convert_element_type3A_20 {offsets = [6528, 0], sizes = [128, 128], strides = [1, 1]} : vector<10240x128xf32> to vector<128x128xf32>
    %dot_general3A_176 = arith.constant dense<0.000000e+00> : vector<1x128xf32>
    %dot_general3A_177 = tpu.matmul %get3A_23, %slice3A_175, %dot_general3A_176 {dimension_numbers = #tpu.dot_dimension_numbers<[0], [1], [1], [0], [0, 1, 1, 0], [], []>, transpose_lhs_hint = false} : vector<128x1xf32>, vector<128x128xf32>, vector<1x128xf32> -> vector<1x128xf32>
    %slice3A_178 = vector.extract_strided_slice %convert_element_type3A_20 {offsets = [6656, 0], sizes = [128, 128], strides = [1, 1]} : vector<10240x128xf32> to vector<128x128xf32>
    %dot_general3A_179 = arith.constant dense<0.000000e+00> : vector<1x128xf32>
    %dot_general3A_180 = tpu.matmul %get3A_23, %slice3A_178, %dot_general3A_179 {dimension_numbers = #tpu.dot_dimension_numbers<[0], [1], [1], [0], [0, 1, 1, 0], [], []>, transpose_lhs_hint = false} : vector<128x1xf32>, vector<128x128xf32>, vector<1x128xf32> -> vector<1x128xf32>
    %slice3A_181 = vector.extract_strided_slice %convert_element_type3A_20 {offsets = [6784, 0], sizes = [128, 128], strides = [1, 1]} : vector<10240x128xf32> to vector<128x128xf32>
    %dot_general3A_182 = arith.constant dense<0.000000e+00> : vector<1x128xf32>
    %dot_general3A_183 = tpu.matmul %get3A_23, %slice3A_181, %dot_general3A_182 {dimension_numbers = #tpu.dot_dimension_numbers<[0], [1], [1], [0], [0, 1, 1, 0], [], []>, transpose_lhs_hint = false} : vector<128x1xf32>, vector<128x128xf32>, vector<1x128xf32> -> vector<1x128xf32>
    %slice3A_184 = vector.extract_strided_slice %convert_element_type3A_20 {offsets = [6912, 0], sizes = [128, 128], strides = [1, 1]} : vector<10240x128xf32> to vector<128x128xf32>
    %dot_general3A_185 = arith.constant dense<0.000000e+00> : vector<1x128xf32>
    %dot_general3A_186 = tpu.matmul %get3A_23, %slice3A_184, %dot_general3A_185 {dimension_numbers = #tpu.dot_dimension_numbers<[0], [1], [1], [0], [0, 1, 1, 0], [], []>, transpose_lhs_hint = false} : vector<128x1xf32>, vector<128x128xf32>, vector<1x128xf32> -> vector<1x128xf32>
    %slice3A_187 = vector.extract_strided_slice %convert_element_type3A_20 {offsets = [7040, 0], sizes = [128, 128], strides = [1, 1]} : vector<10240x128xf32> to vector<128x128xf32>
    %dot_general3A_188 = arith.constant dense<0.000000e+00> : vector<1x128xf32>
    %dot_general3A_189 = tpu.matmul %get3A_23, %slice3A_187, %dot_general3A_188 {dimension_numbers = #tpu.dot_dimension_numbers<[0], [1], [1], [0], [0, 1, 1, 0], [], []>, transpose_lhs_hint = false} : vector<128x1xf32>, vector<128x128xf32>, vector<1x128xf32> -> vector<1x128xf32>
    %slice3A_190 = vector.extract_strided_slice %convert_element_type3A_20 {offsets = [7168, 0], sizes = [128, 128], strides = [1, 1]} : vector<10240x128xf32> to vector<128x128xf32>
    %dot_general3A_191 = arith.constant dense<0.000000e+00> : vector<1x128xf32>
    %dot_general3A_192 = tpu.matmul %get3A_23, %slice3A_190, %dot_general3A_191 {dimension_numbers = #tpu.dot_dimension_numbers<[0], [1], [1], [0], [0, 1, 1, 0], [], []>, transpose_lhs_hint = false} : vector<128x1xf32>, vector<128x128xf32>, vector<1x128xf32> -> vector<1x128xf32>
    %slice3A_193 = vector.extract_strided_slice %convert_element_type3A_20 {offsets = [7296, 0], sizes = [128, 128], strides = [1, 1]} : vector<10240x128xf32> to vector<128x128xf32>
    %dot_general3A_194 = arith.constant dense<0.000000e+00> : vector<1x128xf32>
    %dot_general3A_195 = tpu.matmul %get3A_23, %slice3A_193, %dot_general3A_194 {dimension_numbers = #tpu.dot_dimension_numbers<[0], [1], [1], [0], [0, 1, 1, 0], [], []>, transpose_lhs_hint = false} : vector<128x1xf32>, vector<128x128xf32>, vector<1x128xf32> -> vector<1x128xf32>
    %slice3A_196 = vector.extract_strided_slice %convert_element_type3A_20 {offsets = [7424, 0], sizes = [128, 128], strides = [1, 1]} : vector<10240x128xf32> to vector<128x128xf32>
    %dot_general3A_197 = arith.constant dense<0.000000e+00> : vector<1x128xf32>
    %dot_general3A_198 = tpu.matmul %get3A_23, %slice3A_196, %dot_general3A_197 {dimension_numbers = #tpu.dot_dimension_numbers<[0], [1], [1], [0], [0, 1, 1, 0], [], []>, transpose_lhs_hint = false} : vector<128x1xf32>, vector<128x128xf32>, vector<1x128xf32> -> vector<1x128xf32>
    %slice3A_199 = vector.extract_strided_slice %convert_element_type3A_20 {offsets = [7552, 0], sizes = [128, 128], strides = [1, 1]} : vector<10240x128xf32> to vector<128x128xf32>
    %dot_general3A_200 = arith.constant dense<0.000000e+00> : vector<1x128xf32>
    %dot_general3A_201 = tpu.matmul %get3A_23, %slice3A_199, %dot_general3A_200 {dimension_numbers = #tpu.dot_dimension_numbers<[0], [1], [1], [0], [0, 1, 1, 0], [], []>, transpose_lhs_hint = false} : vector<128x1xf32>, vector<128x128xf32>, vector<1x128xf32> -> vector<1x128xf32>
    %slice3A_202 = vector.extract_strided_slice %convert_element_type3A_20 {offsets = [7680, 0], sizes = [128, 128], strides = [1, 1]} : vector<10240x128xf32> to vector<128x128xf32>
    %dot_general3A_203 = arith.constant dense<0.000000e+00> : vector<1x128xf32>
    %dot_general3A_204 = tpu.matmul %get3A_23, %slice3A_202, %dot_general3A_203 {dimension_numbers = #tpu.dot_dimension_numbers<[0], [1], [1], [0], [0, 1, 1, 0], [], []>, transpose_lhs_hint = false} : vector<128x1xf32>, vector<128x128xf32>, vector<1x128xf32> -> vector<1x128xf32>
    %slice3A_205 = vector.extract_strided_slice %convert_element_type3A_20 {offsets = [7808, 0], sizes = [128, 128], strides = [1, 1]} : vector<10240x128xf32> to vector<128x128xf32>
    %dot_general3A_206 = arith.constant dense<0.000000e+00> : vector<1x128xf32>
    %dot_general3A_207 = tpu.matmul %get3A_23, %slice3A_205, %dot_general3A_206 {dimension_numbers = #tpu.dot_dimension_numbers<[0], [1], [1], [0], [0, 1, 1, 0], [], []>, transpose_lhs_hint = false} : vector<128x1xf32>, vector<128x128xf32>, vector<1x128xf32> -> vector<1x128xf32>
    %slice3A_208 = vector.extract_strided_slice %convert_element_type3A_20 {offsets = [7936, 0], sizes = [128, 128], strides = [1, 1]} : vector<10240x128xf32> to vector<128x128xf32>
    %dot_general3A_209 = arith.constant dense<0.000000e+00> : vector<1x128xf32>
    %dot_general3A_210 = tpu.matmul %get3A_23, %slice3A_208, %dot_general3A_209 {dimension_numbers = #tpu.dot_dimension_numbers<[0], [1], [1], [0], [0, 1, 1, 0], [], []>, transpose_lhs_hint = false} : vector<128x1xf32>, vector<128x128xf32>, vector<1x128xf32> -> vector<1x128xf32>
    %slice3A_211 = vector.extract_strided_slice %convert_element_type3A_20 {offsets = [8064, 0], sizes = [128, 128], strides = [1, 1]} : vector<10240x128xf32> to vector<128x128xf32>
    %dot_general3A_212 = arith.constant dense<0.000000e+00> : vector<1x128xf32>
    %dot_general3A_213 = tpu.matmul %get3A_23, %slice3A_211, %dot_general3A_212 {dimension_numbers = #tpu.dot_dimension_numbers<[0], [1], [1], [0], [0, 1, 1, 0], [], []>, transpose_lhs_hint = false} : vector<128x1xf32>, vector<128x128xf32>, vector<1x128xf32> -> vector<1x128xf32>
    %slice3A_214 = vector.extract_strided_slice %convert_element_type3A_20 {offsets = [8192, 0], sizes = [128, 128], strides = [1, 1]} : vector<10240x128xf32> to vector<128x128xf32>
    %dot_general3A_215 = arith.constant dense<0.000000e+00> : vector<1x128xf32>
    %dot_general3A_216 = tpu.matmul %get3A_23, %slice3A_214, %dot_general3A_215 {dimension_numbers = #tpu.dot_dimension_numbers<[0], [1], [1], [0], [0, 1, 1, 0], [], []>, transpose_lhs_hint = false} : vector<128x1xf32>, vector<128x128xf32>, vector<1x128xf32> -> vector<1x128xf32>
    %slice3A_217 = vector.extract_strided_slice %convert_element_type3A_20 {offsets = [8320, 0], sizes = [128, 128], strides = [1, 1]} : vector<10240x128xf32> to vector<128x128xf32>
    %dot_general3A_218 = arith.constant dense<0.000000e+00> : vector<1x128xf32>
    %dot_general3A_219 = tpu.matmul %get3A_23, %slice3A_217, %dot_general3A_218 {dimension_numbers = #tpu.dot_dimension_numbers<[0], [1], [1], [0], [0, 1, 1, 0], [], []>, transpose_lhs_hint = false} : vector<128x1xf32>, vector<128x128xf32>, vector<1x128xf32> -> vector<1x128xf32>
    %slice3A_220 = vector.extract_strided_slice %convert_element_type3A_20 {offsets = [8448, 0], sizes = [128, 128], strides = [1, 1]} : vector<10240x128xf32> to vector<128x128xf32>
    %dot_general3A_221 = arith.constant dense<0.000000e+00> : vector<1x128xf32>
    %dot_general3A_222 = tpu.matmul %get3A_23, %slice3A_220, %dot_general3A_221 {dimension_numbers = #tpu.dot_dimension_numbers<[0], [1], [1], [0], [0, 1, 1, 0], [], []>, transpose_lhs_hint = false} : vector<128x1xf32>, vector<128x128xf32>, vector<1x128xf32> -> vector<1x128xf32>
    %slice3A_223 = vector.extract_strided_slice %convert_element_type3A_20 {offsets = [8576, 0], sizes = [128, 128], strides = [1, 1]} : vector<10240x128xf32> to vector<128x128xf32>
    %dot_general3A_224 = arith.constant dense<0.000000e+00> : vector<1x128xf32>
    %dot_general3A_225 = tpu.matmul %get3A_23, %slice3A_223, %dot_general3A_224 {dimension_numbers = #tpu.dot_dimension_numbers<[0], [1], [1], [0], [0, 1, 1, 0], [], []>, transpose_lhs_hint = false} : vector<128x1xf32>, vector<128x128xf32>, vector<1x128xf32> -> vector<1x128xf32>
    %slice3A_226 = vector.extract_strided_slice %convert_element_type3A_20 {offsets = [8704, 0], sizes = [128, 128], strides = [1, 1]} : vector<10240x128xf32> to vector<128x128xf32>
    %dot_general3A_227 = arith.constant dense<0.000000e+00> : vector<1x128xf32>
    %dot_general3A_228 = tpu.matmul %get3A_23, %slice3A_226, %dot_general3A_227 {dimension_numbers = #tpu.dot_dimension_numbers<[0], [1], [1], [0], [0, 1, 1, 0], [], []>, transpose_lhs_hint = false} : vector<128x1xf32>, vector<128x128xf32>, vector<1x128xf32> -> vector<1x128xf32>
    %slice3A_229 = vector.extract_strided_slice %convert_element_type3A_20 {offsets = [8832, 0], sizes = [128, 128], strides = [1, 1]} : vector<10240x128xf32> to vector<128x128xf32>
    %dot_general3A_230 = arith.constant dense<0.000000e+00> : vector<1x128xf32>
    %dot_general3A_231 = tpu.matmul %get3A_23, %slice3A_229, %dot_general3A_230 {dimension_numbers = #tpu.dot_dimension_numbers<[0], [1], [1], [0], [0, 1, 1, 0], [], []>, transpose_lhs_hint = false} : vector<128x1xf32>, vector<128x128xf32>, vector<1x128xf32> -> vector<1x128xf32>
    %slice3A_232 = vector.extract_strided_slice %convert_element_type3A_20 {offsets = [8960, 0], sizes = [128, 128], strides = [1, 1]} : vector<10240x128xf32> to vector<128x128xf32>
    %dot_general3A_233 = arith.constant dense<0.000000e+00> : vector<1x128xf32>
    %dot_general3A_234 = tpu.matmul %get3A_23, %slice3A_232, %dot_general3A_233 {dimension_numbers = #tpu.dot_dimension_numbers<[0], [1], [1], [0], [0, 1, 1, 0], [], []>, transpose_lhs_hint = false} : vector<128x1xf32>, vector<128x128xf32>, vector<1x128xf32> -> vector<1x128xf32>
    %slice3A_235 = vector.extract_strided_slice %convert_element_type3A_20 {offsets = [9088, 0], sizes = [128, 128], strides = [1, 1]} : vector<10240x128xf32> to vector<128x128xf32>
    %dot_general3A_236 = arith.constant dense<0.000000e+00> : vector<1x128xf32>
    %dot_general3A_237 = tpu.matmul %get3A_23, %slice3A_235, %dot_general3A_236 {dimension_numbers = #tpu.dot_dimension_numbers<[0], [1], [1], [0], [0, 1, 1, 0], [], []>, transpose_lhs_hint = false} : vector<128x1xf32>, vector<128x128xf32>, vector<1x128xf32> -> vector<1x128xf32>
    %slice3A_238 = vector.extract_strided_slice %convert_element_type3A_20 {offsets = [9216, 0], sizes = [128, 128], strides = [1, 1]} : vector<10240x128xf32> to vector<128x128xf32>
    %dot_general3A_239 = arith.constant dense<0.000000e+00> : vector<1x128xf32>
    %dot_general3A_240 = tpu.matmul %get3A_23, %slice3A_238, %dot_general3A_239 {dimension_numbers = #tpu.dot_dimension_numbers<[0], [1], [1], [0], [0, 1, 1, 0], [], []>, transpose_lhs_hint = false} : vector<128x1xf32>, vector<128x128xf32>, vector<1x128xf32> -> vector<1x128xf32>
    %slice3A_241 = vector.extract_strided_slice %convert_element_type3A_20 {offsets = [9344, 0], sizes = [128, 128], strides = [1, 1]} : vector<10240x128xf32> to vector<128x128xf32>
    %dot_general3A_242 = arith.constant dense<0.000000e+00> : vector<1x128xf32>
    %dot_general3A_243 = tpu.matmul %get3A_23, %slice3A_241, %dot_general3A_242 {dimension_numbers = #tpu.dot_dimension_numbers<[0], [1], [1], [0], [0, 1, 1, 0], [], []>, transpose_lhs_hint = false} : vector<128x1xf32>, vector<128x128xf32>, vector<1x128xf32> -> vector<1x128xf32>
    %slice3A_244 = vector.extract_strided_slice %convert_element_type3A_20 {offsets = [9472, 0], sizes = [128, 128], strides = [1, 1]} : vector<10240x128xf32> to vector<128x128xf32>
    %dot_general3A_245 = arith.constant dense<0.000000e+00> : vector<1x128xf32>
    %dot_general3A_246 = tpu.matmul %get3A_23, %slice3A_244, %dot_general3A_245 {dimension_numbers = #tpu.dot_dimension_numbers<[0], [1], [1], [0], [0, 1, 1, 0], [], []>, transpose_lhs_hint = false} : vector<128x1xf32>, vector<128x128xf32>, vector<1x128xf32> -> vector<1x128xf32>
    %slice3A_247 = vector.extract_strided_slice %convert_element_type3A_20 {offsets = [9600, 0], sizes = [128, 128], strides = [1, 1]} : vector<10240x128xf32> to vector<128x128xf32>
    %dot_general3A_248 = arith.constant dense<0.000000e+00> : vector<1x128xf32>
    %dot_general3A_249 = tpu.matmul %get3A_23, %slice3A_247, %dot_general3A_248 {dimension_numbers = #tpu.dot_dimension_numbers<[0], [1], [1], [0], [0, 1, 1, 0], [], []>, transpose_lhs_hint = false} : vector<128x1xf32>, vector<128x128xf32>, vector<1x128xf32> -> vector<1x128xf32>
    %slice3A_250 = vector.extract_strided_slice %convert_element_type3A_20 {offsets = [9728, 0], sizes = [128, 128], strides = [1, 1]} : vector<10240x128xf32> to vector<128x128xf32>
    %dot_general3A_251 = arith.constant dense<0.000000e+00> : vector<1x128xf32>
    %dot_general3A_252 = tpu.matmul %get3A_23, %slice3A_250, %dot_general3A_251 {dimension_numbers = #tpu.dot_dimension_numbers<[0], [1], [1], [0], [0, 1, 1, 0], [], []>, transpose_lhs_hint = false} : vector<128x1xf32>, vector<128x128xf32>, vector<1x128xf32> -> vector<1x128xf32>
    %slice3A_253 = vector.extract_strided_slice %convert_element_type3A_20 {offsets = [9856, 0], sizes = [128, 128], strides = [1, 1]} : vector<10240x128xf32> to vector<128x128xf32>
    %dot_general3A_254 = arith.constant dense<0.000000e+00> : vector<1x128xf32>
    %dot_general3A_255 = tpu.matmul %get3A_23, %slice3A_253, %dot_general3A_254 {dimension_numbers = #tpu.dot_dimension_numbers<[0], [1], [1], [0], [0, 1, 1, 0], [], []>, transpose_lhs_hint = false} : vector<128x1xf32>, vector<128x128xf32>, vector<1x128xf32> -> vector<1x128xf32>
    %slice3A_256 = vector.extract_strided_slice %convert_element_type3A_20 {offsets = [9984, 0], sizes = [128, 128], strides = [1, 1]} : vector<10240x128xf32> to vector<128x128xf32>
    %dot_general3A_257 = arith.constant dense<0.000000e+00> : vector<1x128xf32>
    %dot_general3A_258 = tpu.matmul %get3A_23, %slice3A_256, %dot_general3A_257 {dimension_numbers = #tpu.dot_dimension_numbers<[0], [1], [1], [0], [0, 1, 1, 0], [], []>, transpose_lhs_hint = false} : vector<128x1xf32>, vector<128x128xf32>, vector<1x128xf32> -> vector<1x128xf32>
    %slice3A_259 = vector.extract_strided_slice %convert_element_type3A_20 {offsets = [10112, 0], sizes = [128, 128], strides = [1, 1]} : vector<10240x128xf32> to vector<128x128xf32>
    %dot_general3A_260 = arith.constant dense<0.000000e+00> : vector<1x128xf32>
    %dot_general3A_261 = tpu.matmul %get3A_23, %slice3A_259, %dot_general3A_260 {dimension_numbers = #tpu.dot_dimension_numbers<[0], [1], [1], [0], [0, 1, 1, 0], [], []>, transpose_lhs_hint = false} : vector<128x1xf32>, vector<128x128xf32>, vector<1x128xf32> -> vector<1x128xf32>
    %concatenate3A = tpu.concatenate %dot_general3A_24, %dot_general3A_27, %dot_general3A_30, %dot_general3A_33, %dot_general3A_36, %dot_general3A_39, %dot_general3A_42, %dot_general3A_45, %dot_general3A_48, %dot_general3A_51, %dot_general3A_54, %dot_general3A_57, %dot_general3A_60, %dot_general3A_63, %dot_general3A_66, %dot_general3A_69, %dot_general3A_72, %dot_general3A_75, %dot_general3A_78, %dot_general3A_81, %dot_general3A_84, %dot_general3A_87, %dot_general3A_90, %dot_general3A_93, %dot_general3A_96, %dot_general3A_99, %dot_general3A_102, %dot_general3A_105, %dot_general3A_108, %dot_general3A_111, %dot_general3A_114, %dot_general3A_117, %dot_general3A_120, %dot_general3A_123, %dot_general3A_126, %dot_general3A_129, %dot_general3A_132, %dot_general3A_135, %dot_general3A_138, %dot_general3A_141, %dot_general3A_144, %dot_general3A_147, %dot_general3A_150, %dot_general3A_153, %dot_general3A_156, %dot_general3A_159, %dot_general3A_162, %dot_general3A_165, %dot_general3A_168, %dot_general3A_171, %dot_general3A_174, %dot_general3A_177, %dot_general3A_180, %dot_general3A_183, %dot_general3A_186, %dot_general3A_189, %dot_general3A_192, %dot_general3A_195, %dot_general3A_198, %dot_general3A_201, %dot_general3A_204, %dot_general3A_207, %dot_general3A_210, %dot_general3A_213, %dot_general3A_216, %dot_general3A_219, %dot_general3A_222, %dot_general3A_225, %dot_general3A_228, %dot_general3A_231, %dot_general3A_234, %dot_general3A_237, %dot_general3A_240, %dot_general3A_243, %dot_general3A_246, %dot_general3A_249, %dot_general3A_252, %dot_general3A_255, %dot_general3A_258, %dot_general3A_261 in 0 : vector<1x128xf32>, vector<1x128xf32>, vector<1x128xf32>, vector<1x128xf32>, vector<1x128xf32>, vector<1x128xf32>, vector<1x128xf32>, vector<1x128xf32>, vector<1x128xf32>, vector<1x128xf32>, vector<1x128xf32>, vector<1x128xf32>, vector<1x128xf32>, vector<1x128xf32>, vector<1x128xf32>, vector<1x128xf32>, vector<1x128xf32>, vector<1x128xf32>, vector<1x128xf32>, vector<1x128xf32>, vector<1x128xf32>, vector<1x128xf32>, vector<1x128xf32>, vector<1x128xf32>, vector<1x128xf32>, vector<1x128xf32>, vector<1x128xf32>, vector<1x128xf32>, vector<1x128xf32>, vector<1x128xf32>, vector<1x128xf32>, vector<1x128xf32>, vector<1x128xf32>, vector<1x128xf32>, vector<1x128xf32>, vector<1x128xf32>, vector<1x128xf32>, vector<1x128xf32>, vector<1x128xf32>, vector<1x128xf32>, vector<1x128xf32>, vector<1x128xf32>, vector<1x128xf32>, vector<1x128xf32>, vector<1x128xf32>, vector<1x128xf32>, vector<1x128xf32>, vector<1x128xf32>, vector<1x128xf32>, vector<1x128xf32>, vector<1x128xf32>, vector<1x128xf32>, vector<1x128xf32>, vector<1x128xf32>, vector<1x128xf32>, vector<1x128xf32>, vector<1x128xf32>, vector<1x128xf32>, vector<1x128xf32>, vector<1x128xf32>, vector<1x128xf32>, vector<1x128xf32>, vector<1x128xf32>, vector<1x128xf32>, vector<1x128xf32>, vector<1x128xf32>, vector<1x128xf32>, vector<1x128xf32>, vector<1x128xf32>, vector<1x128xf32>, vector<1x128xf32>, vector<1x128xf32>, vector<1x128xf32>, vector<1x128xf32>, vector<1x128xf32>, vector<1x128xf32>, vector<1x128xf32>, vector<1x128xf32>, vector<1x128xf32>, vector<1x128xf32> -> vector<80x128xf32>
    %swap3A = arith.constant 0 : index
    %swap3A_262 = arith.constant 0 : index
    %swap3A_263 = vector.load %arg4[%swap3A, %swap3A_262] : memref<80x128xf32, #tpu.memory_space<vmem>>, vector<80x128xf32>
    tpu.vector_store %arg4[%swap3A, %swap3A_262], %concatenate3A {strides = array<i32>} : memref<80x128xf32, #tpu.memory_space<vmem>>, vector<80x128xf32>,
    return
  }
  func.func @transform_0(%arg0: i32) -> (i32, i32) {
    %c0_i32 = arith.constant 0 : i32
    %c0_i32_0 = arith.constant 0 : i32
    return %arg0, %c0_i32 : i32, i32
  }
  func.func @transform_1(%arg0: i32) -> (i32, i32) {
    %c0_i32 = arith.constant 0 : i32
    %c0_i32_0 = arith.constant 0 : i32
    %c0_i32_1 = arith.constant 0 : i32
    return %c0_i32, %c0_i32_0 : i32, i32
  }
  func.func @transform_2(%arg0: i32) -> (i32, i32) {
    %c0_i32 = arith.constant 0 : i32
    %c0_i32_0 = arith.constant 0 : i32
    %c0_i32_1 = arith.constant 0 : i32
    return %c0_i32, %c0_i32_0 : i32, i32
  }
  func.func @transform_3(%arg0: i32) -> (i32, i32) {
    %c0_i32 = arith.constant 0 : i32
    %c0_i32_0 = arith.constant 0 : i32
    return %arg0, %c0_i32 : i32, i32
  }
}

module attributes {stable_mosaic.version = 14 : i64} {
  func.func @_soft_kernel(%arg0: i32, %arg1: memref<5000x128xf32, #tpu.memory_space<vmem>>, %arg2: memref<5000x128xf32, #tpu.memory_space<vmem>>, %arg3: memref<2xf32, #tpu.memory_space<smem>>, %arg4: memref<5000x128xf32, #tpu.memory_space<vmem>>) attributes {dimension_semantics = [#tpu.dimension_semantics<arbitrary>], iteration_bounds = array<i64: 10>, scalar_prefetch = 0 : i64, scratch_operands = 0 : i64, tpu.core_type = #tpu.core_type<tc>, window_params = [{transform_indices = @transform_0, window_bounds = array<i64: 5000, 128>}, {transform_indices = @transform_1, window_bounds = array<i64: 5000, 128>}, {transform_indices = @transform_2, window_bounds = array<i64: 2>}, {transform_indices = @transform_3, window_bounds = array<i64: 5000, 128>}]} {
    %get3A = arith.constant 0 : index
    %get3A_0 = arith.constant 0 : index
    %get3A_1 = vector.load %arg1[%get3A, %get3A_0] : memref<5000x128xf32, #tpu.memory_space<vmem>>, vector<5000x128xf32>
    %get3A_2 = arith.constant 0 : index
    %get3A_3 = arith.constant 0 : index
    %get3A_4 = vector.load %arg2[%get3A_2, %get3A_3] : memref<5000x128xf32, #tpu.memory_space<vmem>>, vector<5000x128xf32>
    %div3A = arith.divf %get3A_1, %get3A_4 : vector<5000x128xf32>
    %get3A_5 = arith.constant 0 : index
    %get3A_6 = memref.load %arg3[%get3A_5] : memref<2xf32, #tpu.memory_space<smem>>
    %get3A_7 = arith.constant 1 : index
    %get3A_8 = memref.load %arg3[%get3A_7] : memref<2xf32, #tpu.memory_space<smem>>
    %max3A = arith.constant 1.000000e-30 : f32
    %max3A_9 = vector.broadcast %max3A : f32 to vector<5000x128xf32>
    %max3A_10 = arith.maximumf %div3A, %max3A_9 : vector<5000x128xf32>
    %log3A = math.log %max3A_10 : vector<5000x128xf32>
    %mul3A = vector.broadcast %get3A_8 : f32 to vector<5000x128xf32>
    %mul3A_11 = arith.mulf %mul3A, %log3A : vector<5000x128xf32>
    %exp3A = math.exp %mul3A_11 : vector<5000x128xf32>
    %gt3A = arith.constant 0.000000e+00 : f32
    %gt3A_12 = vector.broadcast %gt3A : f32 to vector<5000x128xf32>
    %gt3A_13 = arith.cmpf ogt, %div3A, %gt3A_12 : vector<5000x128xf32>
    %jit3A = arith.constant 0.000000e+00 : f32
    %broadcast_in_dim3A = vector.broadcast %jit3A : f32 to vector<5000x128xf32>
    %select_n3A = arith.select %gt3A_13, %exp3A, %broadcast_in_dim3A : vector<5000x128xi1>, vector<5000x128xf32>
    %neg3A = arith.constant 0.000000e+00 : f32
    %neg3A_14 = vector.broadcast %neg3A : f32 to vector<5000x128xf32>
    %neg3A_15 = arith.subf %neg3A_14, %div3A : vector<5000x128xf32>
    %mul3A_16 = vector.broadcast %get3A_6 : f32 to vector<5000x128xf32>
    %mul3A_17 = arith.mulf %mul3A_16, %select_n3A : vector<5000x128xf32>
    %sub3A = arith.subf %neg3A_15, %mul3A_17 : vector<5000x128xf32>
    %tanh3A = math.tanh %sub3A : vector<5000x128xf32>
    %mul3A_18 = arith.constant 5.000000e-01 : f32
    %mul3A_19 = vector.broadcast %mul3A_18 : f32 to vector<5000x128xf32>
    %mul3A_20 = arith.mulf %mul3A_19, %tanh3A : vector<5000x128xf32>
    %add3A = arith.addf %get3A_1, %mul3A_20 : vector<5000x128xf32>
    %add3A_21 = arith.constant 5.000000e-01 : f32
    %add3A_22 = vector.broadcast %add3A_21 : f32 to vector<5000x128xf32>
    %add3A_23 = arith.addf %add3A, %add3A_22 : vector<5000x128xf32>
    %swap3A = arith.constant 0 : index
    %swap3A_24 = arith.constant 0 : index
    %swap3A_25 = vector.load %arg4[%swap3A, %swap3A_24] : memref<5000x128xf32, #tpu.memory_space<vmem>>, vector<5000x128xf32>
    tpu.vector_store %arg4[%swap3A, %swap3A_24], %add3A_23 {strides = array<i32>} : memref<5000x128xf32, #tpu.memory_space<vmem>>, vector<5000x128xf32>,
    return
  }
  func.func @transform_0(%arg0: i32) -> (i32, i32) {
    %c0_i32 = arith.constant 0 : i32
    %c0_i32_0 = arith.constant 0 : i32
    return %arg0, %c0_i32 : i32, i32
  }
  func.func @transform_1(%arg0: i32) -> (i32, i32) {
    %c0_i32 = arith.constant 0 : i32
    %c0_i32_0 = arith.constant 0 : i32
    return %arg0, %c0_i32 : i32, i32
  }
  func.func @transform_2(%arg0: i32) -> i32 {
    %c0_i32 = arith.constant 0 : i32
    %c0_i32_0 = arith.constant 0 : i32
    return %c0_i32 : i32
  }
  func.func @transform_3(%arg0: i32) -> (i32, i32) {
    %c0_i32 = arith.constant 0 : i32
    %c0_i32_0 = arith.constant 0 : i32
    return %arg0, %c0_i32 : i32, i32
  }
}

</mosaic_0001>

<sc_bundles>
// kernel: kernel.5.cloned.1.call-start
scs
__scs_entry_jumppad:
0x0: {  	(pc) =	sbr.rel $0x88, $3  }
0x1: {  	(tag) =	ssettag $0x0;
	lr =	simm.s32 $0x1  }
0x2: {  	[smem:$0x3F9A] =	sst lr;
	_ =	strace $0xD0000000  }
0x3: {  	_ = 	snop  }
0x4: {  	_ = 	snop  }
0x5: {  	_ = 	snop  }
0x6: {  	_ = 	snop  }
0x7: {  	_ = 	snop  }
__scs_overlays_trampoline_lowered:
0x8: {  	[smem:$0x3FA9] =	sst s0  }
0x9: {  	[smem:$0x3FAA] =	sst s1  }
0xa: {  	[smem:$0x3FAB] =	sst s2  }
0xb: {  	[smem:$0x3FAC] =	sst s3  }
0xc: {  	[smem:$0x3FAD] =	sst s4  }
0xd: {  	[smem:$0x3FAE] =	sst s5  }
0xe: {  	[smem:$0x3FAF] =	sst s6  }
0xf: {  	[smem:$0x3FB0] =	sst s7  }
0x10: {  	[smem:$0x3FB1] =	sst s8  }
0x11: {  	[smem:$0x3FB2] =	sst s9;
	s0 =	simm.s32 @!p0 $0x0  }
0x12: {  	s1 =	sld [smem:$0x3F98];
	s0 =	simm.s32 @p0 $0x1  }
0x13: {  	[smem:$0x3FB3] =	sst s0;
	s0 =	simm.s32 @!p1 $0x0  }
0x14: {  	s2 =	sld [smem:$0x3F97];
	s0 =	simm.s32 @p1 $0x1  }
0x15: {  	[smem:$0x3FB4] =	sst s0;
	s0 =	simm.s32 @!p2 $0x0  }
0x16: {  	s3 =	sld [smem:$0x3FDB];
	s0 =	simm.s32 @p2 $0x1  }
0x17: {  	s4 =	simm.s32 $0x1BF5;
	[smem:$0x3FB6] =	sst s0  }
0x18: {  	s0 =	sld [smem:$0x3F99];
	_ =	swait.ge [sflag:s4], $0x0  }
0x19: {  	s7 =	sld [smem:$0x3F9A]  }
0x1a: {  	s8 =	sadd.s32 $0xFFFFE003, lr  }
0x1b: {  	s9 =	sadd.s32 $0xFFFFFEF7, lr;
	s5 =	simm.s32 $0xFFFFFFFF;
	p2 =	slt.u32 s8, $0xFFFFF086  }
0x1c: {  	p1 =	slt.u32 s9, $0xF7A;
	s5 =	simm.s32 @!p2 $0x0  }
0x1d: {  	s5 =	simm.s32 @p1 $0x1;
	p0 =	seq.s32 s7, s2  }
0x1e: {  	s7 =	smul.u32 @!p0 $0xF7A, s2;
	p2 =	seq.s32 @!p0 s5, $0x0  }
0x1f: {  	s9 =	smul.u32 $0xF7A, s1;
	s8 =	simm.s32 @!p0 $0x1BF5;
	p2 =	por !p2, p0  }
0x20: {  	[sflag:s8] =	ssyncset.s32 @!p0 $0xFFFFF086;
	s6 =	sadd.s32 @!p0 s3, s7;
	s7 =	simm.s32 @!p0 $0x108  }
0x21: {  	s3 =	sadd.s32 s3, s9;
	s6 =	sadd.s32 @!p0 $0x88, s6;
	s7 =	simm.s32 @p2 $0x1082  }
0x22: {  	[simem:s7], [sflag:s8] =	dma.local @!p0 [hbm:s6], $0xF7A  }
0x23: {  	s9 =	sor.u32 $0xD0000000, s2;
	s6 =	simm.s32 $0x108;
	_ =	swait.ge @!p0 [sflag:s8], $0x0  }
0x24: {  	s3 =	sadd.s32 $0x88, s3;
	s6 =	simm.s32 @!p1 $0x1082;
	[sflag:s4] =	ssyncset.s32 $0xFFFFF086  }
0x25: {  	[simem:s6], [sflag:s4] =	dma.local [hbm:s3], $0xF7A  }
0x26: {  	[smem:$0x3F9A] =	sst s1;
	(tag) =	ssettag s2;
	_ =	strace s9  }
0x27: {  	s1 =	sld [smem:$0x3FAA]  }
0x28: {  	s2 =	sld [smem:$0x3FAB]  }
0x29: {  	s4 =	sld [smem:$0x3FAD]  }
0x2a: {  	p0 =	seq.s32 s5, $0x0;
	s5 =	sld [smem:$0x3FAE]  }
0x2b: {  	s6 =	sld [smem:$0x3FAF]  }
0x2c: {  	s7 =	sld [smem:$0x3FB0]  }
0x2d: {  	s3 =	simm.s32 $0x108;
	s8 =	sld [smem:$0x3FB1]  }
0x2e: {  	s3 =	simm.s32 @!p0 $0x1082;
	s9 =	sld [smem:$0x3FB2]  }
0x2f: {  	lr =	sadd.s32 s0, s3;
	s0 =	sld [smem:$0x3FA9]  }
0x30: {  	s3 =	sld [smem:$0x3FAC]  }
0x31: {  	[smem:$0x3FB5] =	sst s10  }
0x32: {  	s10 =	sld [smem:$0x3FB3];
	_ =	sdelay $0x3  }
0x33: {  	p0 =	seq.s32 s10, $0x1;
	s10 =	sld [smem:$0x3FB5];
	_ =	sdelay $0x3  }
0x34: {  	[smem:$0x3FB5] =	sst s10  }
0x35: {  	s10 =	sld [smem:$0x3FB4];
	_ =	sdelay $0x3  }
0x36: {  	p1 =	seq.s32 s10, $0x1;
	s10 =	sld [smem:$0x3FB5];
	_ =	sdelay $0x3  }
0x37: {  	[smem:$0x3FB5] =	sst s10  }
0x38: {  	s10 =	sld [smem:$0x3FB6]  }
0x39: {  	_ = 	snop;
	(pc) =	sbr.ind lr, $3  }
0x3a: {  	_ = 	snop  }
0x3b: {  	_ = 	snop  }
0x3c: {  	p2 =	seq.s32 s10, $0x1;
	s10 =	sld [smem:$0x3FB5]  }
0x3d: {  	_ =	shalt  }
0x3e: {  	_ =	shalt  }
0x3f: {  	_ =	shalt  }
0x40: {  	_ =	shalt  }
0x41: {  	_ =	shalt  }
0x42: {  	_ =	shalt  }
0x43: {  	_ =	shalt  }
0x44: {  	_ =	shalt  }
0x45: {  	_ =	shalt  }
0x46: {  	_ =	shalt  }
0x47: {  	_ =	shalt  }
0x48: {  	_ =	shalt  }
0x49: {  	_ =	shalt  }
0x4a: {  	_ =	shalt  }
0x4b: {  	_ =	shalt  }
0x4c: {  	_ =	shalt  }
0x4d: {  	_ =	shalt  }
0x4e: {  	_ =	shalt  }
0x4f: {  	_ =	shalt  }
0x50: {  	_ =	shalt  }
0x51: {  	_ =	shalt  }
0x52: {  	_ =	shalt  }
0x53: {  	_ =	shalt  }
0x54: {  	_ =	shalt  }
0x55: {  	_ =	shalt  }
0x56: {  	_ =	shalt  }
0x57: {  	_ =	shalt  }
0x58: {  	_ =	shalt  }
0x59: {  	_ =	shalt  }
0x5a: {  	_ =	shalt  }
0x5b: {  	_ =	shalt  }
0x5c: {  	_ =	shalt  }
0x5d: {  	_ =	shalt  }
0x5e: {  	_ =	shalt  }
0x5f: {  	_ =	shalt  }
0x60: {  	_ =	shalt  }
0x61: {  	_ =	shalt  }
0x62: {  	_ =	shalt  }
0x63: {  	_ =	shalt  }
0x64: {  	_ =	shalt  }
0x65: {  	_ =	shalt  }
0x66: {  	_ =	shalt  }
0x67: {  	_ =	shalt  }
0x68: {  	_ =	shalt  }
0x69: {  	_ =	shalt  }
0x6a: {  	_ =	shalt  }
0x6b: {  	_ =	shalt  }
0x6c: {  	_ =	shalt  }
0x6d: {  	_ =	shalt  }
0x6e: {  	_ =	shalt  }
0x6f: {  	_ =	shalt  }
0x70: {  	_ =	shalt  }
0x71: {  	_ =	shalt  }
0x72: {  	_ =	shalt  }
0x73: {  	_ =	shalt  }
0x74: {  	_ =	shalt  }
0x75: {  	_ =	shalt  }
0x76: {  	_ =	shalt  }
0x77: {  	_ =	shalt  }
0x78: {  	_ =	shalt  }
0x79: {  	_ =	shalt  }
0x7a: {  	_ =	shalt  }
0x7b: {  	_ =	shalt  }
0x7c: {  	_ =	shalt  }
0x7d: {  	_ =	shalt  }
0x7e: {  	_ =	shalt  }
0x7f: {  	_ =	shalt  }
0x80: {  	_ =	shalt  }
0x81: {  	_ =	shalt  }
0x82: {  	_ =	shalt  }
0x83: {  	_ =	shalt  }
0x84: {  	_ =	shalt  }
0x85: {  	_ =	shalt  }
0x86: {  	_ =	shalt  }
0x87: {  	_ =	shalt  }
.Lfunc_end0:
.L_simem_size_0:
called_computation_lowered:
.L_overlay_start_0:
0x88: {  	s2 =	sld [smem:$0x3FD9]  }
0x89: {  	s3 =	sld [smem:$0x3FFE];
	_ =	sdelay $0x1  }
0x8a: {  	s1 =	srdreg.scid  }
0x8b: {  	s0 =	sand.u32 $0x1, s1  }
0x8c: {  	s17 =	sshll.u32 s0, $0xA;
	s2 =	sadd.s32 s3, s2  }
0x8d: {  	s2 =	sadd.s32 s2, s17  }
0x8e: {  	[smem:$0x3FC1] =	sst s2  }
0x8f: {  	_ = 	snop  }
0x90: {  	s2 =	sld [smem:$0x3FC7]  }
0x91: {  	s18 =	sld [smem:$0x3FD0];
	(tm) =	ssettm $0x1  }
0x92: {  	s4 =	sld [smem:$0x3FFB];
	_ =	sdelay $0x3  }
0x93: {  	_ =	strace s4  }
0x94: {  	s4 =	sld [smem:$0x3FFC];
	_ =	sdelay $0x3  }
0x95: {  	_ =	strace s4  }
0x96: {  	s4 =	sld [smem:$0x3FFD];
	_ =	sdelay $0x3  }
0x97: {  	_ =	strace s4  }
0x98: {  	_ =	strace $0x8FFFFFFF  }
0x99: {  	s19 =	sld [smem:$0x3FDB];
	_ =	sdelay $0x1  }
0x9a: {  	s5 =	simm.s32 $_scs_section_size  }
0x9b: {  	s6 =	simm.s32 $_size__tile_overlayer_lowered;
	s7 =	simm.s32 $_tile_overlayer_lowered  }
0x9c: {  	s22 =	simm.s32 $0x1BFF;
	s21 =	sshll.u32 s7, $0x1;
	s4 =	sadd.s32 s5, s19  }
0x9d: {  	s8 =	simm.s32 $0x0;
	s20 =	sshll.u32 s6, $0x1;
	s6 =	sadd.s32 s21, s4  }
0x9e: {  	[timem:s8], [sflag:s22] =	dma.local [hbm:s6], s20  }
0x9f: {  	_ =	swait.ge [sflag:s22], s20  }
0xa0: {  	s5 =	ssub.s32 $0x0, s20;
	[sflag:s22] =	ssyncset.done $0x0  }
0xa1: {  	[sflag:s22] =	ssyncadd.s32 s5;
	_ =	sdelay $0x1  }
0xa2: {  	s23 =	simm.s32 $0x1B8B  }
0xa3: {  	_ =	swait.ge [sflag:s23], $0x1  }
0xa4: {  	[sflag:s23] =	ssyncset.done $0x0  }
0xa5: {  	s25 =	simm.s32 $0x1B8E;
	s24 =	sld [smem:$0x3FFE];
	[sflag:s23] =	ssyncadd.s32 $0xFFFFFFFF  }
0xa6: {  	s26 =	simm.s32 $execute0_lowered;
	[smem:$0x3FD2] =	sst s25  }
0xa7: {  	s6 =	sshll.u32 s26, $0x1;
	_ =	strace $0x80000046;
	[dreg:$0x1] =	wrdreg $0xFFFFFFFF  }
0xa8: {  	s28 =	simm.s32 $_size_execute0_lowered;
	s4 =	sadd.s32 s4, s6;
	[dreg:$0x0] =	wrdreg $0x0  }
0xa9: {  	s6 =	sshll.u32 s28, $0x1;
	[dreg:$0x2] =	wrdreg s4  }
0xaa: {  	[dreg:$0x3] =	wrdreg s6  }
0xab: {  	[dreg:$0x4] =	wrdreg $0xC0  }
0xac: {  	_ =	task [dreg:s8], $0x5FFFF  }
0xad: {  	[dreg:$0x1] =	wrdreg $0xFFFFFFFF  }
0xae: {  	[dreg:$0x0] =	wrdreg $0x60  }
0xaf: {  	[dreg:$0x2] =	wrdreg s18  }
0xb0: {  	[dreg:$0x3] =	wrdreg s2  }
0xb1: {  	[dreg:$0x4] =	wrdreg s24  }
0xb2: {  	[dreg:$0x5] =	wrdreg $0x9  }
0xb3: {  	_ =	task.clear_ibuf [dreg:s8], $0x6FFFF;
	_ =	strace $0x90000046  }
0xb4: {  	s29 =	simm.s32 $0x9;
	_ =	strace $0x80000048  }
0xb5: {  	_ =	swait.ge [sflag:s29], $0x1  }
0xb6: {  	[sflag:s29] =	ssyncadd.s32 $0xFFFFFFFF  }
0xb7: {  	_ =	strace $0x90000048  }
0xb8: {  	_ =	sfence  }
0xb9: {  	s30 =	sld [smem:$0x0];
	_ =	sdelay $0x2  }
0xba: {  	s31 =	sshll.u32 s1, $0xD;
	s1 =	sshrl.u32 s1, $0x2  }
0xbb: {  	s3 =	sand.u32 $0x4000, s31;
	s1 =	sadd.s32 s1, s30  }
0xbc: {  	s0 =	sor.u32 s3, s0;
	s1 =	sshll.u32 s1, $0x11  }
0xbd: {  	s0 =	sor.u32 s1, s0  }
0xbe: {  	s0 =	sadd.s32 $0x8F2B, s0  }
0xbf: {  	[sflag:s0] =	ssyncadd.remote.s32 $0x1  }
0xc0: {  	_ =	sfence.sel $0xFFFF  }
0xc1: {  	[dreg:$0x0] =	wrdreg $0xFFFFFFFF;
	(pc) =	sbr.abs _section_cstart, $3  }
0xc2: {  	[dreg:$0x1] =	wrdreg $0xFFFFFFFF  }
0xc3: {  	_ =	task.clear_ibuf [dreg:s8], $0x2FFFF;
	_ =	strace $0x9FFFFFFF  }
0xc4: {  	(tm) =	ssettm $0x7FFFFFFF  }
0xc5: {  	_ =	shalt  }
tec
execute0_lowered:
.L_overlay_start_1:
0x0: {  	(tag) =	ssettag $0x1  }
0x1: {  	s3 =	rddreg [dreg:$0x1]  }
0x2: {  	s0 =	rddreg [dreg:$0x2]  }
0x3: {  	s1 =	srdreg.scid;
	s2 =	stileid.u32;
	s4 =	simm.s32 $0x0  }
0x4: {  	s14 =	simm.s32 $0x2;
	s1 =	sand.u32 $0x1, s1;
	s2 =	sshll.u32 s2, $0x1  }
0x5: {  	s15 =	simm.s32 $0x1D800;
	s16 =	simm.s32 $0x3;
	s5 =	sor.u32 s1, s2  }
0x6: {  	s17 =	simm.s32 $0x1EC00;
	[smem:$0x7FF] =	sst s4;
	s2 =	smul.u32 $0x2800, s5  }
0x7: {  	s6 =	sadd.s32 $0x600, s0;
	s1 =	ssub.s32 $0x2, s1;
	s8 =	smul.u32 $0x500, s5  }
.Ltmp0:
0x8: {  	_ =	strace $0x80000047;
	s28 =	sshrl.u32 s1, $0x1;
	(pc) =	sbr.rel .LBB2_1-.Ltmp0, $4  }
0x9: {  	s0 =	ssub.s32 s1, s28;
	s2 =	sshrl.u32 s2, $0x3;
	s30 =	sadd.s32 s3, s8  }
0xa: {  	s0 =	smax.u32 s0, $0x1;
	[dreg:$0x4] =	wrdreg s30;
	s31 =	sadd.s32 s3, s2  }
0xb: {  	s29 =	ssub.s32 $0x501, s5;
	[dreg:$0x6] =	wrdreg s0;
	s1 =	sadd.s32 $0xA000, s31  }
0xc: {  	s7 =	sshrl.u32 s29, $0x5;
	s2 =	simm.s32 $0x0;
	[dreg:$0x5] =	wrdreg s1  }
.LBB2_9:
0xd: {  	s0 =	simm.s32 $0x4  }
0xe: {  	_ =	swait.ge [sflag:s0], $0x1400  }
0xf: {  	[sflag:s0] =	ssyncset.done $0x0  }
0x10: {  	s1 =	simm.s32 $0x5;
	[sflag:s0] =	ssyncadd.s32 $0xFFFFEC00  }
0x11: {  	_ =	swait.ge [sflag:s1], $0x1400  }
0x12: {  	s2 =	rddreg [dreg:$0x7]  }
0x13: {  	s31 =	rddreg [dreg:$0x6];
	s2 =	sadd.s32 $0x1, s2  }
0x14: {  	p0 =	sne.s32 s2, s31  }
.Ltmp1:
0x15: {  	_ = 	snop;
	(pc) =	sbr.rel @!p0 .LBB2_10-.Ltmp1, $3  }
0x16: {  	_ =	sdelay $0x1  }
0x17: {  	[sflag:s1] =	ssyncset.done $0x0  }
0x18: {  	[sflag:s1] =	ssyncadd.s32 $0xFFFFEC00  }
.LBB2_1:
0x19: {  	[dreg:$0x7] =	wrdreg s2  }
0x1a: {  	s0 =	rddreg [dreg:$0x4];
	s1 =	simm.s32 $0x18800  }
0x1b: {  	[tilespmem:s1], [sflag:$0x2] =	stream.linear.gather [hbm4b:s0+s4], $0x2800, $0x38;
	v63 =	vld [tilespmem:$0x0]  }
0x1c: {  	s28 =	rddreg [dreg:$0x5];
	s29 =	simm.s32 $0x1B000  }
0x1d: {  	[tilespmem:s29], [sflag:$0x3] =	stream.linear.gather [hbm4b:s28+s4], $0x2800, $0x38;
	v63 =	vld [tilespmem:$0x0]  }
.Ltmp2:
0x1e: {  	s30 =	rddreg [dreg:$0x0];
	s31 =	simm.s32 $0x1;
	(pc) =	sbr.rel .LBB2_2-.Ltmp2, $4  }
0x1f: {  	[tilespmem:s4], [sflag:$0x1] =	stream.linear.gather [hbm4b:s30+s4], $0x18800, $0x38;
	v63 =	vld [tilespmem:$0x0]  }
0x20: {  	_ =	swait.ge [sflag:s31], $0x18800  }
0x21: {  	[sflag:s31] =	ssyncset.done $0x0  }
0x22: {  	s21 =	simm.s32 $0x0;
	[sflag:s31] =	ssyncadd.s32 $0xFFFE7800  }
.LBB2_8:
0x23: {  	s21 =	sadd.s32 $0x1, s21  }
0x24: {  	p0 =	sne.s32 s21, $0x14  }
.Ltmp3:
0x25: {  	_ = 	snop;
	(pc) =	sbr.rel @!p0 .LBB2_9-.Ltmp3, $1  }
0x26: {  	_ =	sdelay $0x3  }
.LBB2_2:
0x27: {  	_ =	swait.ge [sflag:s14], $0x2800  }
0x28: {  	p0 =	seq.s32 s21, $0x0;
	[sflag:s14] =	ssyncset.done $0x0  }
0x29: {  	s0 =	simm.s32 @!p0 $0x4;
	[sflag:s14] =	ssyncadd.s32 $0xFFFFD800  }
0x2a: {  	_ =	swait.ge @!p0 [sflag:s0], $0x1400  }
0x2b: {  	[sflag:s0] =	ssyncset.done @!p0 $0x0  }
0x2c: {  	s22 =	simm.s32 $0x18C00;
	[sflag:s0] =	ssyncadd.s32 @!p0 $0xFFFFEC00  }
0x2d: {  	v0 =	vld [tilespmem:s22+$0x300]  }
0x2e: {  	v1 =	vld [tilespmem:s22+$0x380]  }
0x2f: {  	v2 =	vld [tilespmem:s22+$0xFFFFFC80]  }
0x30: {  	v3 =	vld [tilespmem:s22+$0xFFFFFD00]  }
0x31: {  	v4 =	vld [tilespmem:s22+$0xFFFFFD80]  }
0x32: {  	v5 =	vld [tilespmem:s22+$0xFFFFFE00]  }
0x33: {  	v6 =	vld [tilespmem:s22+$0xFFFFFE80]  }
0x34: {  	v7 =	vld [tilespmem:s22+$0xFFFFFF00]  }
0x35: {  	v8 =	vld [tilespmem:s22+$0xFFFFFF80]  }
0x36: {  	v9 =	vld [tilespmem:s22+$0x0]  }
0x37: {  	v10 =	vld [tilespmem:s22+$0x80]  }
0x38: {  	v11 =	vld [tilespmem:s22+$0x100]  }
0x39: {  	v12 =	vld [tilespmem:s22+$0x180]  }
0x3a: {  	v13 =	vld [tilespmem:s22+$0x200]  }
0x3b: {  	v14 =	vld [tilespmem:s22+$0xFFFFFC00]  }
0x3c: {  	v0 =	vld.idx.msk [tilespmem:v0+s4+$0x0], $0xffff  }
0x3d: {  	v1 =	vld.idx.msk [tilespmem:v1+s4+$0x0], $0xffff  }
0x3e: {  	v2 =	vld.idx.msk [tilespmem:v2+s4+$0x0], $0xffff  }
0x3f: {  	v3 =	vld.idx.msk [tilespmem:v3+s4+$0x0], $0xffff  }
0x40: {  	v4 =	vld.idx.msk [tilespmem:v4+s4+$0x0], $0xffff  }
0x41: {  	v5 =	vld.idx.msk [tilespmem:v5+s4+$0x0], $0xffff  }
0x42: {  	v6 =	vld.idx.msk [tilespmem:v6+s4+$0x0], $0xffff  }
0x43: {  	v14 =	vld.idx.msk [tilespmem:v14+s4+$0x0], $0xffff  }
0x44: {  	v7 =	vld.idx.msk [tilespmem:v7+s4+$0x0], $0xffff  }
0x45: {  	v8 =	vld.idx.msk [tilespmem:v8+s4+$0x0], $0xffff  }
0x46: {  	v9 =	vld.idx.msk [tilespmem:v9+s4+$0x0], $0xffff  }
0x47: {  	v10 =	vld.idx.msk [tilespmem:v10+s4+$0x0], $0xffff  }
0x48: {  	v11 =	vld.idx.msk [tilespmem:v11+s4+$0x0], $0xffff  }
0x49: {  	v12 =	vld.idx.msk [tilespmem:v12+s4+$0x0], $0xffff;
	v0 =	vadd.f32 v1, v0  }
0x4a: {  	s23 =	simm.s32 $0x1DA00;
	v13 =	vld.idx.msk [tilespmem:v13+s4+$0x0], $0xffff  }
0x4b: {  	v1 =	vld [tilespmem:s22+$0x280];
	v2 =	vadd.f32 v2, v14;
	[tilespmem:s23+$0x180] =	vst v0  }
0x4c: {  	v0 =	vld [tilespmem:s22+$0x310]  }
0x4d: {  	v3 =	vadd.f32 v4, v3;
	[tilespmem:s23+$0xFFFFFE00] =	vst v2;
	v15 =	vld [tilespmem:s22+$0x390]  }
0x4e: {  	v7 =	vadd.f32 v8, v7;
	v4 =	vld [tilespmem:s22+$0xFFFFFC10]  }
0x4f: {  	[tilespmem:s23+$0xFFFFFE80] =	vst v3;
	v3 =	vadd.f32 v6, v5;
	v5 =	vld [tilespmem:s22+$0xFFFFFC90]  }
0x50: {  	[tilespmem:s23+$0xFFFFFF80] =	vst v7;
	v6 =	vld [tilespmem:s22+$0xFFFFFD10]  }
0x51: {  	v54 =	vld [tilespmem:s22+$0xFFFFFF10]  }
0x52: {  	v55 =	vld [tilespmem:s22+$0xFFFFFF90]  }
0x53: {  	v7 =	vadd.f32 v10, v9;
	[tilespmem:s23+$0xFFFFFF00] =	vst v3;
	v3 =	vld [tilespmem:s22+$0xFFFFFD90]  }
0x54: {  	v53 =	vld [tilespmem:s22+$0xFFFFFE10]  }
0x55: {  	[tilespmem:s23+$0x0] =	vst v7;
	v7 =	vadd.f32 v12, v11;
	v8 =	vld [tilespmem:s22+$0xFFFFFE90]  }
0x56: {  	v56 =	vld [tilespmem:s22+$0x10]  }
0x57: {  	[tilespmem:s23+$0x80] =	vst v7;
	v7 =	vld [tilespmem:s22+$0x90]  }
0x58: {  	v57 =	vld [tilespmem:s22+$0x110]  }
0x59: {  	v1 =	vld.idx.msk [tilespmem:v1+s4+$0x0], $0xffff  }
0x5a: {  	v0 =	vld.idx.msk [tilespmem:v0+s4+$0x0], $0xffff  }
0x5b: {  	v15 =	vld.idx.msk [tilespmem:v15+s4+$0x0], $0xffff  }
0x5c: {  	v4 =	vld.idx.msk [tilespmem:v4+s4+$0x0], $0xffff  }
0x5d: {  	v5 =	vld.idx.msk [tilespmem:v5+s4+$0x0], $0xffff  }
0x5e: {  	v6 =	vld.idx.msk [tilespmem:v6+s4+$0x0], $0xffff  }
0x5f: {  	v9 =	vld.idx.msk [tilespmem:v54+s4+$0x0], $0xffff  }
0x60: {  	v10 =	vld.idx.msk [tilespmem:v55+s4+$0x0], $0xffff  }
0x61: {  	v3 =	vld.idx.msk [tilespmem:v3+s4+$0x0], $0xffff  }
0x62: {  	v14 =	vld.idx.msk [tilespmem:v53+s4+$0x0], $0xffff  }
0x63: {  	v8 =	vld.idx.msk [tilespmem:v8+s4+$0x0], $0xffff  }
0x64: {  	v1 =	vadd.f32 v1, v13;
	v11 =	vld.idx.msk [tilespmem:v56+s4+$0x0], $0xffff  }
0x65: {  	v7 =	vld.idx.msk [tilespmem:v7+s4+$0x0], $0xffff  }
0x66: {  	[tilespmem:s23+$0x100] =	vst v1;
	v1 =	vld [tilespmem:s22+$0x190];
	v0 =	vadd.f32 v15, v0  }
0x67: {  	v12 =	vld.idx.msk [tilespmem:v57+s4+$0x0], $0xffff  }
0x68: {  	v58 =	vld [tilespmem:s22+$0x290];
	v4 =	vadd.f32 v5, v4;
	[tilespmem:s23+$0x190] =	vst v0  }
0x69: {  	v9 =	vadd.f32 v10, v9;
	v0 =	vld [tilespmem:s22+$0x320]  }
0x6a: {  	v3 =	vadd.f32 v3, v6;
	[tilespmem:s23+$0xFFFFFE10] =	vst v4;
	v2 =	vld [tilespmem:s22+$0x3A0]  }
0x6b: {  	[tilespmem:s23+$0xFFFFFF90] =	vst v9;
	v6 =	vld [tilespmem:s22+$0xFFFFFC20]  }
0x6c: {  	[tilespmem:s23+$0xFFFFFE90] =	vst v3;
	v3 =	vadd.f32 v8, v14;
	v8 =	vld [tilespmem:s22+$0xFFFFFCA0]  }
0x6d: {  	v9 =	vld [tilespmem:s22+$0xFFFFFF20]  }
0x6e: {  	v7 =	vadd.f32 v7, v11;
	v60 =	vld [tilespmem:s22+$0xFFFFFD20]  }
0x6f: {  	[tilespmem:s23+$0xFFFFFF10] =	vst v3;
	v3 =	vld [tilespmem:s22+$0xFFFFFDA0]  }
0x70: {  	[tilespmem:s23+$0x10] =	vst v7;
	v7 =	vld [tilespmem:s22+$0xFFFFFFA0]  }
0x71: {  	v61 =	vld [tilespmem:s22+$0xFFFFFE20]  }
0x72: {  	v62 =	vld [tilespmem:s22+$0xFFFFFEA0]  }
0x73: {  	v18 =	vld [tilespmem:s22+$0x20]  }
0x74: {  	v1 =	vld.idx.msk [tilespmem:v1+s4+$0x0], $0xffff  }
0x75: {  	v5 =	vld.idx.msk [tilespmem:v58+s4+$0x0], $0xffff  }
0x76: {  	v0 =	vld.idx.msk [tilespmem:v0+s4+$0x0], $0xffff  }
0x77: {  	v2 =	vld.idx.msk [tilespmem:v2+s4+$0x0], $0xffff  }
0x78: {  	v6 =	vld.idx.msk [tilespmem:v6+s4+$0x0], $0xffff  }
0x79: {  	v8 =	vld.idx.msk [tilespmem:v8+s4+$0x0], $0xffff  }
0x7a: {  	v9 =	vld.idx.msk [tilespmem:v9+s4+$0x0], $0xffff  }
0x7b: {  	v13 =	vld.idx.msk [tilespmem:v60+s4+$0x0], $0xffff  }
0x7c: {  	v3 =	vld.idx.msk [tilespmem:v3+s4+$0x0], $0xffff  }
0x7d: {  	v7 =	vld.idx.msk [tilespmem:v7+s4+$0x0], $0xffff  }
0x7e: {  	v14 =	vld.idx.msk [tilespmem:v61+s4+$0x0], $0xffff  }
0x7f: {  	v10 =	vld.idx.msk [tilespmem:v62+s4+$0x0], $0xffff;
	v0 =	vadd.f32 v2, v0  }
0x80: {  	v11 =	vld.idx.msk [tilespmem:v18+s4+$0x0], $0xffff  }
0x81: {  	v2 =	vld [tilespmem:s22+$0x210];
	v6 =	vadd.f32 v8, v6;
	[tilespmem:s23+$0x1A0] =	vst v0  }
0x82: {  	v0 =	vld [tilespmem:s22+$0x330]  }
0x83: {  	[tilespmem:s23+$0xFFFFFE20] =	vst v6;
	v3 =	vadd.f32 v3, v13;
	v59 =	vld [tilespmem:s22+$0x3B0]  }
0x84: {  	v7 =	vadd.f32 v7, v9;
	v21 =	vld [tilespmem:s22+$0xFFFFFC30]  }
0x85: {  	v22 =	vld [tilespmem:s22+$0xFFFFFCB0];
	[tilespmem:s23+$0xFFFFFEA0] =	vst v3  }
0x86: {  	v3 =	vadd.f32 v10, v14;
	[tilespmem:s23+$0xFFFFFFA0] =	vst v7;
	v23 =	vld [tilespmem:s22+$0xFFFFFD30]  }
0x87: {  	v7 =	vld [tilespmem:s22+$0xFFFFFF30]  }
0x88: {  	[tilespmem:s23+$0xFFFFFF20] =	vst v3;
	v3 =	vld [tilespmem:s22+$0xFFFFFDB0]  }
0x89: {  	v24 =	vld [tilespmem:s22+$0xFFFFFE30]  }
0x8a: {  	v25 =	vld [tilespmem:s22+$0xFFFFFEB0]  }
0x8b: {  	v2 =	vld.idx.msk [tilespmem:v2+s4+$0x0], $0xffff  }
0x8c: {  	v0 =	vld.idx.msk [tilespmem:v0+s4+$0x0], $0xffff  }
0x8d: {  	v15 =	vld.idx.msk [tilespmem:v59+s4+$0x0], $0xffff  }
0x8e: {  	v1 =	vadd.f32 v1, v12;
	v12 =	vld.idx.msk [tilespmem:v21+s4+$0x0], $0xffff  }
0x8f: {  	v10 =	vld.idx.msk [tilespmem:v22+s4+$0x0], $0xffff  }
0x90: {  	[tilespmem:s23+$0x90] =	vst v1;
	v1 =	vadd.f32 v5, v2;
	v2 =	vld [tilespmem:s22+$0xA0]  }
0x91: {  	v5 =	vld [tilespmem:s22+$0x120]  }
0x92: {  	v13 =	vld.idx.msk [tilespmem:v23+s4+$0x0], $0xffff  }
0x93: {  	v7 =	vld.idx.msk [tilespmem:v7+s4+$0x0], $0xffff  }
0x94: {  	v3 =	vld.idx.msk [tilespmem:v3+s4+$0x0], $0xffff;
	v0 =	vadd.f32 v15, v0  }
0x95: {  	[tilespmem:s23+$0x110] =	vst v1;
	v1 =	vld [tilespmem:s22+$0x1A0]  }
0x96: {  	v14 =	vld.idx.msk [tilespmem:v24+s4+$0x0], $0xffff;
	[tilespmem:s23+$0x1B0] =	vst v0  }
0x97: {  	v0 =	vld [tilespmem:s22+$0x340]  }
0x98: {  	v10 =	vadd.f32 v10, v12;
	v4 =	vld [tilespmem:s22+$0x3C0]  }
0x99: {  	v9 =	vld.idx.msk [tilespmem:v25+s4+$0x0], $0xffff  }
0x9a: {  	v19 =	vld [tilespmem:s22+$0x2A0];
	[tilespmem:s23+$0xFFFFFE30] =	vst v10  }
0x9b: {  	v29 =	vld [tilespmem:s22+$0xFFFFFC40]  }
0x9c: {  	v30 =	vld [tilespmem:s22+$0xFFFFFCC0]  }
0x9d: {  	v2 =	vld.idx.msk [tilespmem:v2+s4+$0x0], $0xffff  }
0x9e: {  	v3 =	vadd.f32 v3, v13;
	v5 =	vld.idx.msk [tilespmem:v5+s4+$0x0], $0xffff  }
0x9f: {  	v0 =	vld.idx.msk [tilespmem:v0+s4+$0x0], $0xffff  }
0xa0: {  	[tilespmem:s23+$0xFFFFFEB0] =	vst v3;
	v4 =	vld.idx.msk [tilespmem:v4+s4+$0x0], $0xffff  }
0xa1: {  	v3 =	vadd.f32 v9, v14;
	v31 =	vld [tilespmem:s22+$0xFFFFFD40]  }
0xa2: {  	v1 =	vld.idx.msk [tilespmem:v1+s4+$0x0], $0xffff  }
0xa3: {  	[tilespmem:s23+$0xFFFFFF30] =	vst v3;
	v3 =	vld [tilespmem:s22+$0xFFFFFDC0]  }
0xa4: {  	v8 =	vld.idx.msk [tilespmem:v19+s4+$0x0], $0xffff;
	v2 =	vadd.f32 v2, v11  }
0xa5: {  	v12 =	vld.idx.msk [tilespmem:v29+s4+$0x0], $0xffff;
	v0 =	vadd.f32 v4, v0  }
0xa6: {  	[tilespmem:s23+$0x20] =	vst v2;
	v4 =	vld [tilespmem:s22+$0x220]  }
0xa7: {  	v2 =	vld [tilespmem:s22+$0xFFFFFFB0];
	[tilespmem:s23+$0x1C0] =	vst v0  }
0xa8: {  	v0 =	vld [tilespmem:s22+$0x350]  }
0xa9: {  	v20 =	vld [tilespmem:s22+$0x3D0]  }
0xaa: {  	v9 =	vld.idx.msk [tilespmem:v30+s4+$0x0], $0xffff;
	v1 =	vadd.f32 v1, v5  }
0xab: {  	v5 =	vld [tilespmem:s22+$0x30]  }
0xac: {  	[tilespmem:s23+$0xA0] =	vst v1;
	v13 =	vld.idx.msk [tilespmem:v31+s4+$0x0], $0xffff  }
0xad: {  	v26 =	vld [tilespmem:s22+$0x1B0]  }
0xae: {  	v4 =	vld.idx.msk [tilespmem:v4+s4+$0x0], $0xffff  }
0xaf: {  	v2 =	vld.idx.msk [tilespmem:v2+s4+$0x0], $0xffff  }
0xb0: {  	v0 =	vld.idx.msk [tilespmem:v0+s4+$0x0], $0xffff  }
0xb1: {  	v9 =	vadd.f32 v9, v12;
	v15 =	vld.idx.msk [tilespmem:v20+s4+$0x0], $0xffff  }
0xb2: {  	v3 =	vld.idx.msk [tilespmem:v3+s4+$0x0], $0xffff  }
0xb3: {  	[tilespmem:s23+$0xFFFFFE40] =	vst v9;
	v1 =	vadd.f32 v8, v4;
	v4 =	vld [tilespmem:s22+$0xB0]  }
0xb4: {  	v38 =	vld [tilespmem:s22+$0xFFFFFC50]  }
0xb5: {  	v5 =	vld.idx.msk [tilespmem:v5+s4+$0x0], $0xffff  }
0xb6: {  	v2 =	vadd.f32 v2, v7;
	v7 =	vld [tilespmem:s22+$0xFFFFFE40];
	v0 =	vadd.f32 v15, v0  }
0xb7: {  	v8 =	vld [tilespmem:s22+$0x130]  }
0xb8: {  	s13 =	simm.s32 $0x7C0;
	v11 =	vld.idx.msk [tilespmem:v26+s4+$0x0], $0xffff;
	[tilespmem:s23+$0x1D0] =	vst v0  }
0xb9: {  	s0 =	sor.u32 $0xE0, s13;
	v0 =	vld [tilespmem:s22+$0x360]  }
0xba: {  	v6 =	vld [tilespmem:s0+$0x18800]  }
0xbb: {  	[tilespmem:s23+$0x120] =	vst v1;
	v4 =	vld.idx.msk [tilespmem:v4+s4+$0x0], $0xffff  }
0xbc: {  	v27 =	vld [tilespmem:s22+$0x2B0]  }
0xbd: {  	v3 =	vadd.f32 v3, v13;
	v13 =	vld.idx.msk [tilespmem:v38+s4+$0x0], $0xffff  }
0xbe: {  	v7 =	vld.idx.msk [tilespmem:v7+s4+$0x0], $0xffff  }
0xbf: {  	v8 =	vld.idx.msk [tilespmem:v8+s4+$0x0], $0xffff  }
0xc0: {  	[tilespmem:s23+$0xFFFFFFB0] =	vst v2;
	v2 =	vadd.f32 v4, v5;
	v4 =	vld [tilespmem:s22+$0xFFFFFEC0]  }
0xc1: {  	v5 =	vld [tilespmem:s22+$0xFFFFFF40]  }
0xc2: {  	v0 =	vld.idx.msk [tilespmem:v0+s4+$0x0], $0xffff  }
0xc3: {  	v6 =	vld.idx.msk [tilespmem:v6+s4+$0x0], $0xffff  }
0xc4: {  	v28 =	vld.idx.msk [tilespmem:v27+s4+$0x0], $0xffff;
	[tilespmem:s23+$0x30] =	vst v2;
	v2 =	vadd.f32 v11, v8  }
0xc5: {  	v8 =	vld [tilespmem:s22+$0xFFFFFFC0]  }
0xc6: {  	v32 =	vld [tilespmem:s22+$0x40];
	[tilespmem:s23+$0xB0] =	vst v2  }
0xc7: {  	v33 =	vld [tilespmem:s22+$0x140]  }
0xc8: {  	v0 =	vadd.f32 v6, v0;
	v6 =	vld [tilespmem:s22+$0x230]  }
0xc9: {  	v4 =	vld.idx.msk [tilespmem:v4+s4+$0x0], $0xffff  }
0xca: {  	s24 =	simm.s32 $0x7E0;
	[tilespmem:s23+$0x1E0] =	vst v0;
	v5 =	vld.idx.msk [tilespmem:v5+s4+$0x0], $0xffff  }
0xcb: {  	s18 =	sor.u32 $0xF0, s24;
	v0 =	vld [tilespmem:s22+$0x370]  }
0xcc: {  	v1 =	vld [tilespmem:s18+$0x18800]  }
0xcd: {  	v8 =	vld.idx.msk [tilespmem:v8+s4+$0x0], $0xffff  }
0xce: {  	v11 =	vld.idx.msk [tilespmem:v32+s4+$0x0], $0xffff  }
0xcf: {  	v10 =	vld.idx.msk [tilespmem:v33+s4+$0x0], $0xffff  }
0xd0: {  	[tilespmem:s23+$0xFFFFFEC0] =	vst v3;
	v3 =	vadd.f32 v4, v7;
	v4 =	vld [tilespmem:s22+$0xFFFFFCD0]  }
0xd1: {  	v6 =	vld.idx.msk [tilespmem:v6+s4+$0x0], $0xffff  }
0xd2: {  	v7 =	vld [tilespmem:s22+$0xFFFFFD50]  }
0xd3: {  	[tilespmem:s23+$0xFFFFFF40] =	vst v3;
	v3 =	vadd.f32 v8, v5;
	v5 =	vld [tilespmem:s22+$0xFFFFFDD0]  }
0xd4: {  	v8 =	vld [tilespmem:s22+$0xFFFFFE50]  }
0xd5: {  	v0 =	vld.idx.msk [tilespmem:v0+s4+$0x0], $0xffff  }
0xd6: {  	v1 =	vld.idx.msk [tilespmem:v1+s4+$0x0], $0xffff;
	v2 =	vadd.f32 v28, v6  }
0xd7: {  	v6 =	vld [tilespmem:s22+$0xC0]  }
0xd8: {  	[tilespmem:s23+$0x130] =	vst v2;
	v2 =	vld [tilespmem:s22+$0x1C0]  }
0xd9: {  	v4 =	vld.idx.msk [tilespmem:v4+s4+$0x0], $0xffff  }
0xda: {  	v7 =	vld.idx.msk [tilespmem:v7+s4+$0x0], $0xffff  }
0xdb: {  	v34 =	vld [tilespmem:s22+$0x240]  }
0xdc: {  	v35 =	vld [tilespmem:s22+$0x2C0]  }
0xdd: {  	[tilespmem:s23+$0xFFFFFFC0] =	vst v3;
	v5 =	vld.idx.msk [tilespmem:v5+s4+$0x0], $0xffff  }
0xde: {  	v39 =	vld [tilespmem:s22+$0xFFFFFF50]  }
0xdf: {  	v8 =	vld.idx.msk [tilespmem:v8+s4+$0x0], $0xffff;
	v4 =	vadd.f32 v4, v13  }
0xe0: {  	v6 =	vld.idx.msk [tilespmem:v6+s4+$0x0], $0xffff  }
0xe1: {  	[tilespmem:s23+$0xFFFFFE50] =	vst v4;
	v2 =	vld.idx.msk [tilespmem:v2+s4+$0x0], $0xffff  }
0xe2: {  	v4 =	vadd.f32 v5, v7;
	v7 =	vld [tilespmem:s22+$0xFFFFFC60]  }
0xe3: {  	v36 =	vld.idx.msk [tilespmem:v34+s4+$0x0], $0xffff  }
0xe4: {  	v37 =	vld.idx.msk [tilespmem:v35+s4+$0x0], $0xffff  }
0xe5: {  	v3 =	vadd.f32 v6, v11;
	v6 =	vld [tilespmem:s22+$0xFFFFFED0]  }
0xe6: {  	v11 =	vld.idx.msk [tilespmem:v39+s4+$0x0], $0xffff  }
0xe7: {  	[tilespmem:s23+$0x40] =	vst v3;
	v2 =	vadd.f32 v2, v10;
	v3 =	vld [tilespmem:s22+$0xFFFFFFD0]  }
0xe8: {  	v40 =	vld [tilespmem:s22+$0x50]  }
0xe9: {  	v41 =	vld [tilespmem:s22+$0xD0];
	[tilespmem:s23+$0xC0] =	vst v2  }
0xea: {  	v2 =	vadd.f32 v37, v36;
	v42 =	vld [tilespmem:s22+$0x150]  }
0xeb: {  	v7 =	vld.idx.msk [tilespmem:v7+s4+$0x0], $0xffff  }
0xec: {  	[tilespmem:s23+$0x140] =	vst v2;
	v2 =	vld [tilespmem:s22+$0x1D0]  }
0xed: {  	v43 =	vld [tilespmem:s22+$0x250]  }
0xee: {  	v44 =	vld [tilespmem:s22+$0x2D0]  }
0xef: {  	v6 =	vld.idx.msk [tilespmem:v6+s4+$0x0], $0xffff  }
0xf0: {  	v3 =	vld.idx.msk [tilespmem:v3+s4+$0x0], $0xffff  }
0xf1: {  	v10 =	vld.idx.msk [tilespmem:v40+s4+$0x0], $0xffff  }
0xf2: {  	v9 =	vld.idx.msk [tilespmem:v41+s4+$0x0], $0xffff  }
0xf3: {  	v12 =	vld.idx.msk [tilespmem:v42+s4+$0x0], $0xffff  }
0xf4: {  	[tilespmem:s23+$0xFFFFFED0] =	vst v4;
	v4 =	vadd.f32 v6, v8;
	v6 =	vld [tilespmem:s22+$0xFFFFFCE0]  }
0xf5: {  	v8 =	vld [tilespmem:s22+$0xFFFFFD60]  }
0xf6: {  	v2 =	vld.idx.msk [tilespmem:v2+s4+$0x0], $0xffff  }
0xf7: {  	s19 =	simm.s32 $0x1C0;
	v45 =	vld.idx.msk [tilespmem:v43+s4+$0x0], $0xffff  }
0xf8: {  	s0 =	sor.u32 $0xE0, s19;
	v5 =	vld.idx.msk [tilespmem:v44+s4+$0x0], $0xffff  }
0xf9: {  	s1 =	simm.s32 $0x2C0;
	[tilespmem:s23+$0xFFFFFF50] =	vst v4;
	v3 =	vadd.f32 v3, v11;
	v4 =	vld [tilespmem:s0+$0x18800]  }
0xfa: {  	s20 =	sor.u32 $0xE0, s1;
	v46 =	vld [tilespmem:s22+$0xFFFFFE60]  }
0xfb: {  	s25 =	simm.s32 $0x3C0;
	v47 =	vld [tilespmem:s20+$0x18800];
	[tilespmem:s23+$0xFFFFFFD0] =	vst v3;
	v3 =	vadd.f32 v9, v10  }
0xfc: {  	s26 =	sor.u32 $0xE0, s25;
	v48 =	vld [tilespmem:s22+$0xFFFFFF60]  }
0xfd: {  	s29 =	simm.s32 $0x4C0;
	[tilespmem:s23+$0x50] =	vst v3;
	v2 =	vadd.f32 v2, v12;
	v3 =	vld [tilespmem:s26+$0x18800]  }
0xfe: {  	s30 =	sor.u32 $0xE0, s29;
	v49 =	vld [tilespmem:s22+$0x60]  }
0xff: {  	[tilespmem:s23+$0xD0] =	vst v2;
	v2 =	vadd.f32 v5, v45;
	v5 =	vld [tilespmem:s30+$0x18800]  }
0x100: {  	v6 =	vld.idx.msk [tilespmem:v6+s4+$0x0], $0xffff  }
0x101: {  	s31 =	simm.s32 $0x5C0;
	v8 =	vld.idx.msk [tilespmem:v8+s4+$0x0], $0xffff  }
0x102: {  	s2 =	sor.u32 $0xE0, s31;
	v50 =	vld [tilespmem:s22+$0x160]  }
0x103: {  	[tilespmem:s23+$0x150] =	vst v2;
	v2 =	vld [tilespmem:s2+$0x18800]  }
0x104: {  	s8 =	simm.s32 $0x6C0;
	v4 =	vld.idx.msk [tilespmem:v4+s4+$0x0], $0xffff  }
0x105: {  	s9 =	sor.u32 $0xE0, s8;
	v51 =	vld [tilespmem:s22+$0x260]  }
0x106: {  	v52 =	vld [tilespmem:s9+$0x18800]  }
0x107: {  	v11 =	vld.idx.msk [tilespmem:v46+s4+$0x0], $0xffff  }
0x108: {  	v9 =	vld.idx.msk [tilespmem:v47+s4+$0x0], $0xffff  }
0x109: {  	v10 =	vld.idx.msk [tilespmem:v48+s4+$0x0], $0xffff  }
0x10a: {  	v6 =	vadd.f32 v6, v7;
	v3 =	vld.idx.msk [tilespmem:v3+s4+$0x0], $0xffff  }
0x10b: {  	v12 =	vld.idx.msk [tilespmem:v49+s4+$0x0], $0xffff  }
0x10c: {  	[tilespmem:s23+$0xFFFFFE60] =	vst v6;
	v5 =	vld.idx.msk [tilespmem:v5+s4+$0x0], $0xffff  }
0x10d: {  	v4 =	vadd.f32 v4, v8;
	v8 =	vld [tilespmem:s22+$0xFFFFFC70]  }
0x10e: {  	v53 =	vld [tilespmem:s22+$0xFFFFFCF0]  }
0x10f: {  	v13 =	vld.idx.msk [tilespmem:v50+s4+$0x0], $0xffff  }
0x110: {  	[tilespmem:s23+$0xFFFFFEE0] =	vst v4;
	v2 =	vld.idx.msk [tilespmem:v2+s4+$0x0], $0xffff  }
0x111: {  	v54 =	vld [tilespmem:s22+$0xFFFFFD70]  }
0x112: {  	s10 =	simm.s32 $0x1E0;
	v4 =	vadd.f32 v9, v11;
	v7 =	vld.idx.msk [tilespmem:v51+s4+$0x0], $0xffff  }
0x113: {  	s0 =	sor.u32 $0xF0, s10;
	v6 =	vld.idx.msk [tilespmem:v52+s4+$0x0], $0xffff  }
0x114: {  	s11 =	simm.s32 $0x2E0;
	[tilespmem:s23+$0xFFFFFF60] =	vst v4;
	v3 =	vadd.f32 v3, v10;
	v4 =	vld [tilespmem:s0+$0x18800]  }
0x115: {  	s12 =	sor.u32 $0xF0, s11;
	v55 =	vld [tilespmem:s22+$0xFFFFFE70]  }
0x116: {  	s13 =	simm.s32 $0x3E0;
	[tilespmem:s23+$0xFFFFFFE0] =	vst v3;
	v3 =	vadd.f32 v5, v12;
	v5 =	vld [tilespmem:s12+$0x18800]  }
0x117: {  	s18 =	sor.u32 $0xF0, s13;
	v56 =	vld [tilespmem:s22+$0xFFFFFF70]  }
0x118: {  	s19 =	simm.s32 $0x4E0;
	[tilespmem:s23+$0x60] =	vst v3;
	v2 =	vadd.f32 v2, v13;
	v3 =	vld [tilespmem:s18+$0x18800]  }
0x119: {  	s20 =	sor.u32 $0xF0, s19;
	v57 =	vld [tilespmem:s22+$0x70]  }
0x11a: {  	s25 =	simm.s32 $0x5E0;
	[tilespmem:s23+$0xE0] =	vst v2;
	v2 =	vadd.f32 v6, v7;
	v6 =	vld [tilespmem:s20+$0x18800]  }
0x11b: {  	s26 =	sor.u32 $0xF0, s25;
	v7 =	vld [tilespmem:s22+$0x170]  }
0x11c: {  	v58 =	vld [tilespmem:s26+$0x18800]  }
0x11d: {  	v60 =	vld.idx.msk [tilespmem:v54+s4+$0x0], $0xffff  }
0x11e: {  	[tilespmem:s23+$0x160] =	vst v2;
	v2 =	vld.idx.msk [tilespmem:v8+s4+$0x0], $0xffff  }
0x11f: {  	v8 =	vld.idx.msk [tilespmem:v53+s4+$0x0], $0xffff  }
0x120: {  	s29 =	simm.s32 $0x6E0;
	v4 =	vld.idx.msk [tilespmem:v4+s4+$0x0], $0xffff  }
0x121: {  	s30 =	sor.u32 $0xF0, s29;
	v59 =	vld [tilespmem:s22+$0x270]  }
0x122: {  	v16 =	vld [tilespmem:s30+$0x18800]  }
0x123: {  	v10 =	vld.idx.msk [tilespmem:v55+s4+$0x0], $0xffff  }
0x124: {  	v5 =	vld.idx.msk [tilespmem:v5+s4+$0x0], $0xffff  }
0x125: {  	v61 =	vld.idx.msk [tilespmem:v56+s4+$0x0], $0xffff  }
0x126: {  	v62 =	vld.idx.msk [tilespmem:v3+s4+$0x0], $0xffff  }
0x127: {  	v1 =	vadd.f32 v1, v0;
	v0 =	vld.idx.msk [tilespmem:v57+s4+$0x0], $0xffff  }
0x128: {  	v3 =	vadd.f32 v8, v2;
	v2 =	vld.idx.msk [tilespmem:v6+s4+$0x0], $0xffff  }
0x129: {  	[tilespmem:s23+$0x1F0] =	vst v1;
	v6 =	vadd.f32 v4, v60;
	v1 =	vld.idx.msk [tilespmem:v7+s4+$0x0], $0xffff  }
0x12a: {  	[tilespmem:s23+$0xFFFFFE70] =	vst v3;
	v5 =	vadd.f32 v5, v10;
	v4 =	vld.idx.msk [tilespmem:v58+s4+$0x0], $0xffff  }
0x12b: {  	s28 =	simm.s32 $0x19400;
	s31 =	sshll.u32 s21, $0x6;
	[tilespmem:s23+$0xFFFFFEF0] =	vst v6;
	v3 =	vld.idx.msk [tilespmem:v59+s4+$0x0], $0xffff  }
0x12c: {  	s25 =	sor.u32 s5, s31;
	s26 =	simm.s32 $0x0;
	s22 =	sshll.u32 s21, $0x1;
	[tilespmem:s23+$0xFFFFFF70] =	vst v5;
	v6 =	vadd.f32 v62, v61;
	v5 =	vld.idx.msk [tilespmem:v16+s4+$0x0], $0xffff  }
.LBB2_3:
0x12d: {  	v7 =	vld [tilespmem:s28+$0x300]  }
0x12e: {  	v0 =	vadd.f32 v2, v0;
	v8 =	vld [tilespmem:s28+$0x380];
	[tilespmem:s23+$0xFFFFFFF0] =	vst v6  }
0x12f: {  	v2 =	vld [tilespmem:s28+$0xFFFFFC80]  }
0x130: {  	v6 =	vld [tilespmem:s28+$0xFFFFFD00];
	[tilespmem:s23+$0x70] =	vst v0;
	v0 =	vadd.f32 v4, v1  }
0x131: {  	v1 =	vld [tilespmem:s28+$0xFFFFFD80]  }
0x132: {  	v4 =	vld [tilespmem:s28+$0xFFFFFE00];
	[tilespmem:s23+$0xF0] =	vst v0;
	v0 =	vadd.f32 v5, v3  }
0x133: {  	v3 =	vld [tilespmem:s28+$0xFFFFFE80]  }
0x134: {  	v5 =	vld [tilespmem:s28+$0xFFFFFF00];
	[tilespmem:s23+$0x170] =	vst v0  }
0x135: {  	s26 =	sadd.s32 $0x8, s26;
	v0 =	vld.idx.msk [tilespmem:v7+s4+$0x0], $0xffff  }
0x136: {  	p1 =	slt.u32 s26, $0x20;
	v7 =	vld.idx.msk [tilespmem:v8+s4+$0x0], $0xffff  }
0x137: {  	v8 =	vld [tilespmem:s28+$0xFFFFFF80]  }
0x138: {  	v9 =	vld [tilespmem:s28+$0x0]  }
0x139: {  	v10 =	vld [tilespmem:s28+$0x80]  }
0x13a: {  	v11 =	vld [tilespmem:s28+$0x100]  }
0x13b: {  	v12 =	vld [tilespmem:s28+$0x180]  }
0x13c: {  	v0 =	vadd.f32 v7, v0;
	v13 =	vld [tilespmem:s28+$0x200]  }
0x13d: {  	s23 =	sadd.s32 $0x400, s23;
	v7 =	vld [tilespmem:s28+$0x280]  }
0x13e: {  	v14 =	vld [tilespmem:s28+$0xFFFFFC00];
	[tilespmem:s23+$0x180] =	vst v0  }
0x13f: {  	v0 =	vld [tilespmem:s28+$0x310]  }
0x140: {  	v15 =	vld [tilespmem:s28+$0x390]  }
0x141: {  	v2 =	vld.idx.msk [tilespmem:v2+s4+$0x0], $0xffff  }
0x142: {  	v6 =	vld.idx.msk [tilespmem:v6+s4+$0x0], $0xffff  }
0x143: {  	v1 =	vld.idx.msk [tilespmem:v1+s4+$0x0], $0xffff  }
0x144: {  	v4 =	vld.idx.msk [tilespmem:v4+s4+$0x0], $0xffff  }
0x145: {  	v3 =	vld.idx.msk [tilespmem:v3+s4+$0x0], $0xffff  }
0x146: {  	v14 =	vld.idx.msk [tilespmem:v14+s4+$0x0], $0xffff  }
0x147: {  	v0 =	vld.idx.msk [tilespmem:v0+s4+$0x0], $0xffff  }
0x148: {  	v15 =	vld.idx.msk [tilespmem:v15+s4+$0x0], $0xffff  }
0x149: {  	v1 =	vadd.f32 v1, v6;
	v5 =	vld.idx.msk [tilespmem:v5+s4+$0x0], $0xffff  }
0x14a: {  	v6 =	vld.idx.msk [tilespmem:v8+s4+$0x0], $0xffff  }
0x14b: {  	[tilespmem:s23+$0xFFFFFE80] =	vst v1;
	v1 =	vadd.f32 v3, v4;
	v3 =	vld.idx.msk [tilespmem:v9+s4+$0x0], $0xffff  }
0x14c: {  	v2 =	vadd.f32 v2, v14;
	v4 =	vld.idx.msk [tilespmem:v10+s4+$0x0], $0xffff  }
0x14d: {  	[tilespmem:s23+$0xFFFFFF00] =	vst v1;
	v1 =	vld.idx.msk [tilespmem:v11+s4+$0x0], $0xffff  }
0x14e: {  	v0 =	vadd.f32 v15, v0;
	[tilespmem:s23+$0xFFFFFE00] =	vst v2;
	v2 =	vld.idx.msk [tilespmem:v12+s4+$0x0], $0xffff  }
0x14f: {  	v8 =	vld.idx.msk [tilespmem:v13+s4+$0x0], $0xffff  }
0x150: {  	v5 =	vadd.f32 v6, v5;
	v6 =	vld.idx.msk [tilespmem:v7+s4+$0x0], $0xffff;
	[tilespmem:s23+$0x190] =	vst v0  }
0x151: {  	v0 =	vld [tilespmem:s28+$0x320]  }
0x152: {  	v3 =	vadd.f32 v4, v3;
	[tilespmem:s23+$0xFFFFFF80] =	vst v5;
	v4 =	vld [tilespmem:s28+$0x3A0]  }
0x153: {  	v5 =	vld [tilespmem:s28+$0xFFFFFC10]  }
0x154: {  	v1 =	vadd.f32 v2, v1;
	v7 =	vld [tilespmem:s28+$0xFFFFFC90];
	[tilespmem:s23+$0x0] =	vst v3  }
0x155: {  	v2 =	vld [tilespmem:s28+$0xFFFFFD10]  }
0x156: {  	v3 =	vld [tilespmem:s28+$0xFFFFFD90];
	[tilespmem:s23+$0x80] =	vst v1;
	v1 =	vadd.f32 v6, v8  }
0x157: {  	v6 =	vld [tilespmem:s28+$0xFFFFFE10]  }
0x158: {  	v8 =	vld [tilespmem:s28+$0xFFFFFE90];
	[tilespmem:s23+$0x100] =	vst v1  }
0x159: {  	v0 =	vld.idx.msk [tilespmem:v0+s4+$0x0], $0xffff  }
0x15a: {  	v1 =	vld.idx.msk [tilespmem:v4+s4+$0x0], $0xffff  }
0x15b: {  	v4 =	vld [tilespmem:s28+$0xFFFFFF10]  }
0x15c: {  	v9 =	vld [tilespmem:s28+$0xFFFFFF90]  }
0x15d: {  	v10 =	vld [tilespmem:s28+$0x10]  }
0x15e: {  	v11 =	vld [tilespmem:s28+$0x90]  }
0x15f: {  	v12 =	vld [tilespmem:s28+$0x110]  }
0x160: {  	v0 =	vadd.f32 v1, v0;
	v13 =	vld [tilespmem:s28+$0x190]  }
0x161: {  	v1 =	vld [tilespmem:s28+$0x210]  }
0x162: {  	v14 =	vld [tilespmem:s28+$0x290];
	[tilespmem:s23+$0x1A0] =	vst v0  }
0x163: {  	v0 =	vld [tilespmem:s28+$0x330]  }
0x164: {  	v15 =	vld [tilespmem:s28+$0x3B0]  }
0x165: {  	v5 =	vld.idx.msk [tilespmem:v5+s4+$0x0], $0xffff  }
0x166: {  	v7 =	vld.idx.msk [tilespmem:v7+s4+$0x0], $0xffff  }
0x167: {  	v2 =	vld.idx.msk [tilespmem:v2+s4+$0x0], $0xffff  }
0x168: {  	v3 =	vld.idx.msk [tilespmem:v3+s4+$0x0], $0xffff  }
0x169: {  	v6 =	vld.idx.msk [tilespmem:v6+s4+$0x0], $0xffff  }
0x16a: {  	v8 =	vld.idx.msk [tilespmem:v8+s4+$0x0], $0xffff  }
0x16b: {  	v0 =	vld.idx.msk [tilespmem:v0+s4+$0x0], $0xffff  }
0x16c: {  	v5 =	vadd.f32 v7, v5;
	v7 =	vld.idx.msk [tilespmem:v15+s4+$0x0], $0xffff  }
0x16d: {  	v4 =	vld.idx.msk [tilespmem:v4+s4+$0x0], $0xffff  }
0x16e: {  	v2 =	vadd.f32 v3, v2;
	[tilespmem:s23+$0xFFFFFE10] =	vst v5;
	v3 =	vld.idx.msk [tilespmem:v9+s4+$0x0], $0xffff  }
0x16f: {  	v5 =	vld.idx.msk [tilespmem:v10+s4+$0x0], $0xffff  }
0x170: {  	[tilespmem:s23+$0xFFFFFE90] =	vst v2;
	v2 =	vadd.f32 v8, v6;
	v6 =	vld.idx.msk [tilespmem:v11+s4+$0x0], $0xffff  }
0x171: {  	v8 =	vld.idx.msk [tilespmem:v12+s4+$0x0], $0xffff  }
0x172: {  	v0 =	vadd.f32 v7, v0;
	[tilespmem:s23+$0xFFFFFF10] =	vst v2;
	v2 =	vld.idx.msk [tilespmem:v13+s4+$0x0], $0xffff  }
0x173: {  	v1 =	vld.idx.msk [tilespmem:v1+s4+$0x0], $0xffff  }
0x174: {  	v3 =	vadd.f32 v3, v4;
	v4 =	vld.idx.msk [tilespmem:v14+s4+$0x0], $0xffff;
	[tilespmem:s23+$0x1B0] =	vst v0  }
0x175: {  	v0 =	vld [tilespmem:s28+$0x340]  }
0x176: {  	[tilespmem:s23+$0xFFFFFF90] =	vst v3;
	v3 =	vadd.f32 v6, v5;
	v5 =	vld [tilespmem:s28+$0x3C0]  }
0x177: {  	v6 =	vld [tilespmem:s28+$0xFFFFFC20]  }
0x178: {  	v2 =	vadd.f32 v2, v8;
	v7 =	vld [tilespmem:s28+$0xFFFFFCA0];
	[tilespmem:s23+$0x10] =	vst v3  }
0x179: {  	v3 =	vld [tilespmem:s28+$0xFFFFFD20]  }
0x17a: {  	v1 =	vadd.f32 v4, v1;
	v8 =	vld [tilespmem:s28+$0xFFFFFDA0];
	[tilespmem:s23+$0x90] =	vst v2  }
0x17b: {  	v2 =	vld [tilespmem:s28+$0xFFFFFE20]  }
0x17c: {  	v4 =	vld [tilespmem:s28+$0xFFFFFEA0];
	[tilespmem:s23+$0x110] =	vst v1  }
0x17d: {  	v0 =	vld.idx.msk [tilespmem:v0+s4+$0x0], $0xffff  }
0x17e: {  	v1 =	vld.idx.msk [tilespmem:v5+s4+$0x0], $0xffff  }
0x17f: {  	v5 =	vld [tilespmem:s28+$0xFFFFFF20]  }
0x180: {  	v9 =	vld [tilespmem:s28+$0xFFFFFFA0]  }
0x181: {  	v10 =	vld [tilespmem:s28+$0x20]  }
0x182: {  	v11 =	vld [tilespmem:s28+$0xA0]  }
0x183: {  	v12 =	vld [tilespmem:s28+$0x120]  }
0x184: {  	v0 =	vadd.f32 v1, v0;
	v13 =	vld [tilespmem:s28+$0x1A0]  }
0x185: {  	v1 =	vld [tilespmem:s28+$0x220]  }
0x186: {  	v14 =	vld [tilespmem:s28+$0x2A0];
	[tilespmem:s23+$0x1C0] =	vst v0  }
0x187: {  	v0 =	vld [tilespmem:s28+$0x350]  }
0x188: {  	v15 =	vld [tilespmem:s28+$0x3D0]  }
0x189: {  	v6 =	vld.idx.msk [tilespmem:v6+s4+$0x0], $0xffff  }
0x18a: {  	v7 =	vld.idx.msk [tilespmem:v7+s4+$0x0], $0xffff  }
0x18b: {  	v3 =	vld.idx.msk [tilespmem:v3+s4+$0x0], $0xffff  }
0x18c: {  	v8 =	vld.idx.msk [tilespmem:v8+s4+$0x0], $0xffff  }
0x18d: {  	v2 =	vld.idx.msk [tilespmem:v2+s4+$0x0], $0xffff  }
0x18e: {  	v4 =	vld.idx.msk [tilespmem:v4+s4+$0x0], $0xffff  }
0x18f: {  	v0 =	vld.idx.msk [tilespmem:v0+s4+$0x0], $0xffff  }
0x190: {  	v6 =	vadd.f32 v7, v6;
	v7 =	vld.idx.msk [tilespmem:v15+s4+$0x0], $0xffff  }
0x191: {  	v5 =	vld.idx.msk [tilespmem:v5+s4+$0x0], $0xffff  }
0x192: {  	v3 =	vadd.f32 v8, v3;
	[tilespmem:s23+$0xFFFFFE20] =	vst v6;
	v6 =	vld.idx.msk [tilespmem:v9+s4+$0x0], $0xffff  }
0x193: {  	v8 =	vld.idx.msk [tilespmem:v10+s4+$0x0], $0xffff  }
0x194: {  	v2 =	vadd.f32 v4, v2;
	[tilespmem:s23+$0xFFFFFEA0] =	vst v3;
	v3 =	vld.idx.msk [tilespmem:v11+s4+$0x0], $0xffff  }
0x195: {  	v4 =	vld.idx.msk [tilespmem:v12+s4+$0x0], $0xffff  }
0x196: {  	v0 =	vadd.f32 v7, v0;
	[tilespmem:s23+$0xFFFFFF20] =	vst v2;
	v2 =	vld.idx.msk [tilespmem:v13+s4+$0x0], $0xffff  }
0x197: {  	s24 =	sadd.s32 $0x800, s24;
	v1 =	vld.idx.msk [tilespmem:v1+s4+$0x0], $0xffff  }
0x198: {  	s0 =	sadd.s32 $0xFFFFF9E0, s24;
	s1 =	sadd.s32 $0xFFFFFAE0, s24;
	s2 =	sadd.s32 $0xFFFFFFE0, s24;
	v5 =	vadd.f32 v6, v5;
	v6 =	vld.idx.msk [tilespmem:v14+s4+$0x0], $0xffff;
	[tilespmem:s23+$0x1D0] =	vst v0  }
0x199: {  	s8 =	sadd.s32 $0xFFFFFBE0, s24;
	s11 =	sadd.s32 $0xFFFFFCE0, s24;
	s2 =	sor.u32 $0xE0, s2;
	v0 =	vld [tilespmem:s28+$0x360]  }
0x19a: {  	s29 =	sadd.s32 $0xFFFFFEE0, s24;
	s10 =	sor.u32 $0xE0, s0;
	s0 =	sadd.s32 $0xFFFFFDE0, s24;
	v3 =	vadd.f32 v3, v8;
	[tilespmem:s23+$0xFFFFFFA0] =	vst v5;
	v5 =	vld [tilespmem:s2+$0x18800]  }
0x19b: {  	s13 =	sor.u32 $0xE0, s1;
	s9 =	sor.u32 $0xE0, s8;
	s12 =	sor.u32 $0xE0, s11;
	v7 =	vld [tilespmem:s28+$0xFFFFFC30]  }
0x19c: {  	s1 =	sadd.s32 $0xFFFFFA00, s24;
	s11 =	sor.u32 $0xE0, s29;
	s8 =	sor.u32 $0xE0, s0;
	v2 =	vadd.f32 v2, v4;
	v8 =	vld [tilespmem:s28+$0xFFFFFCB0];
	[tilespmem:s23+$0x20] =	vst v3  }
0x19d: {  	s30 =	sadd.s32 $0xFFFFFD00, s24;
	s29 =	sadd.s32 $0xFFFFFC00, s24;
	s0 =	sadd.s32 $0xFFFFFB00, s24;
	v3 =	vld [tilespmem:s28+$0xFFFFFD30]  }
0x19e: {  	s18 =	sadd.s32 $0xFFFFFE00, s24;
	s19 =	sadd.s32 $0xFFFFFF00, s24;
	s2 =	sor.u32 $0xF0, s1;
	v1 =	vadd.f32 v6, v1;
	v4 =	vld [tilespmem:s28+$0xFFFFFDB0];
	[tilespmem:s23+$0xA0] =	vst v2  }
0x19f: {  	s31 =	sor.u32 $0xF0, s30;
	s1 =	sor.u32 $0xF0, s0;
	s0 =	sor.u32 $0xF0, s29;
	v2 =	vld [tilespmem:s28+$0xFFFFFE30]  }
0x1a0: {  	s30 =	sor.u32 $0xF0, s18;
	s29 =	sor.u32 $0xF0, s19;
	v6 =	vld [tilespmem:s28+$0xFFFFFEB0];
	[tilespmem:s23+$0x120] =	vst v1  }
0x1a1: {  	v0 =	vld.idx.msk [tilespmem:v0+s4+$0x0], $0xffff  }
0x1a2: {  	v1 =	vld.idx.msk [tilespmem:v5+s4+$0x0], $0xffff  }
0x1a3: {  	v5 =	vld [tilespmem:s28+$0xFFFFFF30]  }
0x1a4: {  	v9 =	vld [tilespmem:s28+$0xFFFFFFB0]  }
0x1a5: {  	v10 =	vld [tilespmem:s28+$0x30]  }
0x1a6: {  	v11 =	vld [tilespmem:s28+$0xB0]  }
0x1a7: {  	v12 =	vld [tilespmem:s28+$0x130]  }
0x1a8: {  	v0 =	vadd.f32 v1, v0;
	v13 =	vld [tilespmem:s28+$0x1B0]  }
0x1a9: {  	v1 =	vld [tilespmem:s28+$0x230]  }
0x1aa: {  	v14 =	vld [tilespmem:s28+$0x2B0];
	[tilespmem:s23+$0x1E0] =	vst v0  }
0x1ab: {  	s18 =	sor.u32 $0xF0, s24;
	v0 =	vld [tilespmem:s28+$0x370]  }
0x1ac: {  	v15 =	vld [tilespmem:s18+$0x18800]  }
0x1ad: {  	v7 =	vld.idx.msk [tilespmem:v7+s4+$0x0], $0xffff  }
0x1ae: {  	v8 =	vld.idx.msk [tilespmem:v8+s4+$0x0], $0xffff  }
0x1af: {  	v3 =	vld.idx.msk [tilespmem:v3+s4+$0x0], $0xffff  }
0x1b0: {  	v4 =	vld.idx.msk [tilespmem:v4+s4+$0x0], $0xffff  }
0x1b1: {  	v2 =	vld.idx.msk [tilespmem:v2+s4+$0x0], $0xffff  }
0x1b2: {  	v6 =	vld.idx.msk [tilespmem:v6+s4+$0x0], $0xffff  }
0x1b3: {  	v0 =	vld.idx.msk [tilespmem:v0+s4+$0x0], $0xffff  }
0x1b4: {  	v7 =	vadd.f32 v8, v7;
	v8 =	vld.idx.msk [tilespmem:v15+s4+$0x0], $0xffff  }
0x1b5: {  	v5 =	vld.idx.msk [tilespmem:v5+s4+$0x0], $0xffff  }
0x1b6: {  	v3 =	vadd.f32 v4, v3;
	[tilespmem:s23+$0xFFFFFE30] =	vst v7;
	v4 =	vld.idx.msk [tilespmem:v9+s4+$0x0], $0xffff  }
0x1b7: {  	v7 =	vld.idx.msk [tilespmem:v10+s4+$0x0], $0xffff  }
0x1b8: {  	v2 =	vadd.f32 v6, v2;
	[tilespmem:s23+$0xFFFFFEB0] =	vst v3;
	v3 =	vld.idx.msk [tilespmem:v11+s4+$0x0], $0xffff  }
0x1b9: {  	v6 =	vld.idx.msk [tilespmem:v12+s4+$0x0], $0xffff  }
0x1ba: {  	v0 =	vadd.f32 v8, v0;
	[tilespmem:s23+$0xFFFFFF30] =	vst v2;
	v2 =	vld.idx.msk [tilespmem:v13+s4+$0x0], $0xffff  }
0x1bb: {  	v1 =	vld.idx.msk [tilespmem:v1+s4+$0x0], $0xffff  }
0x1bc: {  	v4 =	vadd.f32 v4, v5;
	v5 =	vld.idx.msk [tilespmem:v14+s4+$0x0], $0xffff;
	[tilespmem:s23+$0x1F0] =	vst v0  }
0x1bd: {  	v0 =	vld [tilespmem:s28+$0xFFFFFC40]  }
0x1be: {  	v3 =	vadd.f32 v3, v7;
	v8 =	vld [tilespmem:s28+$0xFFFFFCC0];
	[tilespmem:s23+$0xFFFFFFB0] =	vst v4  }
0x1bf: {  	v4 =	vld [tilespmem:s28+$0xFFFFFD40]  }
0x1c0: {  	v2 =	vadd.f32 v2, v6;
	v7 =	vld [tilespmem:s28+$0xFFFFFDC0];
	[tilespmem:s23+$0x30] =	vst v3  }
0x1c1: {  	v3 =	vld [tilespmem:s28+$0xFFFFFE40]  }
0x1c2: {  	v1 =	vadd.f32 v5, v1;
	v6 =	vld [tilespmem:s28+$0xFFFFFEC0];
	[tilespmem:s23+$0xB0] =	vst v2  }
0x1c3: {  	v2 =	vld [tilespmem:s28+$0xFFFFFF40]  }
0x1c4: {  	v5 =	vld [tilespmem:s28+$0xFFFFFFC0];
	[tilespmem:s23+$0x130] =	vst v1  }
0x1c5: {  	v1 =	vld [tilespmem:s28+$0x40]  }
0x1c6: {  	v9 =	vld [tilespmem:s28+$0xC0]  }
0x1c7: {  	v10 =	vld [tilespmem:s28+$0x140]  }
0x1c8: {  	v11 =	vld [tilespmem:s28+$0x1C0]  }
0x1c9: {  	v12 =	vld [tilespmem:s28+$0x240]  }
0x1ca: {  	v13 =	vld [tilespmem:s28+$0x2C0]  }
0x1cb: {  	v0 =	vld.idx.msk [tilespmem:v0+s4+$0x0], $0xffff  }
0x1cc: {  	v8 =	vld.idx.msk [tilespmem:v8+s4+$0x0], $0xffff  }
0x1cd: {  	v4 =	vld.idx.msk [tilespmem:v4+s4+$0x0], $0xffff  }
0x1ce: {  	v7 =	vld.idx.msk [tilespmem:v7+s4+$0x0], $0xffff  }
0x1cf: {  	v3 =	vld.idx.msk [tilespmem:v3+s4+$0x0], $0xffff  }
0x1d0: {  	v6 =	vld.idx.msk [tilespmem:v6+s4+$0x0], $0xffff  }
0x1d1: {  	v2 =	vld.idx.msk [tilespmem:v2+s4+$0x0], $0xffff  }
0x1d2: {  	v0 =	vadd.f32 v8, v0;
	v5 =	vld.idx.msk [tilespmem:v5+s4+$0x0], $0xffff  }
0x1d3: {  	v1 =	vld.idx.msk [tilespmem:v1+s4+$0x0], $0xffff  }
0x1d4: {  	[tilespmem:s23+$0xFFFFFE40] =	vst v0;
	v0 =	vadd.f32 v7, v4;
	v4 =	vld.idx.msk [tilespmem:v9+s4+$0x0], $0xffff  }
0x1d5: {  	v7 =	vld.idx.msk [tilespmem:v10+s4+$0x0], $0xffff  }
0x1d6: {  	[tilespmem:s23+$0xFFFFFEC0] =	vst v0;
	v0 =	vadd.f32 v6, v3;
	v3 =	vld.idx.msk [tilespmem:v11+s4+$0x0], $0xffff  }
0x1d7: {  	v6 =	vld.idx.msk [tilespmem:v12+s4+$0x0], $0xffff  }
0x1d8: {  	[tilespmem:s23+$0xFFFFFF40] =	vst v0;
	v0 =	vadd.f32 v5, v2;
	v2 =	vld.idx.msk [tilespmem:v13+s4+$0x0], $0xffff  }
0x1d9: {  	v5 =	vld [tilespmem:s28+$0xFFFFFC50]  }
0x1da: {  	v8 =	vld [tilespmem:s28+$0xFFFFFCD0];
	[tilespmem:s23+$0xFFFFFFC0] =	vst v0;
	v0 =	vadd.f32 v4, v1  }
0x1db: {  	v1 =	vld [tilespmem:s28+$0xFFFFFD50]  }
0x1dc: {  	v4 =	vld [tilespmem:s28+$0xFFFFFDD0];
	[tilespmem:s23+$0x40] =	vst v0;
	v0 =	vadd.f32 v3, v7  }
0x1dd: {  	v3 =	vld [tilespmem:s28+$0xFFFFFE50]  }
0x1de: {  	v7 =	vld [tilespmem:s28+$0xFFFFFED0];
	[tilespmem:s23+$0xC0] =	vst v0;
	v0 =	vadd.f32 v2, v6  }
0x1df: {  	v2 =	vld [tilespmem:s28+$0xFFFFFF50]  }
0x1e0: {  	v6 =	vld [tilespmem:s28+$0xFFFFFFD0];
	[tilespmem:s23+$0x140] =	vst v0  }
0x1e1: {  	v0 =	vld [tilespmem:s28+$0x50]  }
0x1e2: {  	v9 =	vld [tilespmem:s28+$0xD0]  }
0x1e3: {  	v10 =	vld [tilespmem:s28+$0x150]  }
0x1e4: {  	v11 =	vld [tilespmem:s28+$0x1D0]  }
0x1e5: {  	v12 =	vld [tilespmem:s28+$0x250]  }
0x1e6: {  	v13 =	vld [tilespmem:s28+$0x2D0]  }
0x1e7: {  	v5 =	vld.idx.msk [tilespmem:v5+s4+$0x0], $0xffff  }
0x1e8: {  	v8 =	vld.idx.msk [tilespmem:v8+s4+$0x0], $0xffff  }
0x1e9: {  	v1 =	vld.idx.msk [tilespmem:v1+s4+$0x0], $0xffff  }
0x1ea: {  	v4 =	vld.idx.msk [tilespmem:v4+s4+$0x0], $0xffff  }
0x1eb: {  	v3 =	vld.idx.msk [tilespmem:v3+s4+$0x0], $0xffff  }
0x1ec: {  	v7 =	vld.idx.msk [tilespmem:v7+s4+$0x0], $0xffff  }
0x1ed: {  	v2 =	vld.idx.msk [tilespmem:v2+s4+$0x0], $0xffff  }
0x1ee: {  	v5 =	vadd.f32 v8, v5;
	v6 =	vld.idx.msk [tilespmem:v6+s4+$0x0], $0xffff  }
0x1ef: {  	v0 =	vld.idx.msk [tilespmem:v0+s4+$0x0], $0xffff  }
0x1f0: {  	v1 =	vadd.f32 v4, v1;
	[tilespmem:s23+$0xFFFFFE50] =	vst v5;
	v4 =	vld.idx.msk [tilespmem:v9+s4+$0x0], $0xffff  }
0x1f1: {  	v5 =	vld.idx.msk [tilespmem:v10+s4+$0x0], $0xffff  }
0x1f2: {  	[tilespmem:s23+$0xFFFFFED0] =	vst v1;
	v1 =	vadd.f32 v7, v3;
	v3 =	vld.idx.msk [tilespmem:v11+s4+$0x0], $0xffff  }
0x1f3: {  	v7 =	vld.idx.msk [tilespmem:v12+s4+$0x0], $0xffff  }
0x1f4: {  	[tilespmem:s23+$0xFFFFFF50] =	vst v1;
	v1 =	vadd.f32 v6, v2;
	v2 =	vld.idx.msk [tilespmem:v13+s4+$0x0], $0xffff  }
0x1f5: {  	v6 =	vld [tilespmem:s28+$0xFFFFFC60]  }
0x1f6: {  	v0 =	vadd.f32 v4, v0;
	v8 =	vld [tilespmem:s28+$0xFFFFFCE0];
	[tilespmem:s23+$0xFFFFFFD0] =	vst v1  }
0x1f7: {  	v1 =	vld [tilespmem:s28+$0xFFFFFD60]  }
0x1f8: {  	v4 =	vld [tilespmem:s10+$0x18800];
	[tilespmem:s23+$0x50] =	vst v0;
	v0 =	vadd.f32 v3, v5  }
0x1f9: {  	v3 =	vld [tilespmem:s28+$0xFFFFFE60]  }
0x1fa: {  	v5 =	vld [tilespmem:s13+$0x18800];
	[tilespmem:s23+$0xD0] =	vst v0;
	v0 =	vadd.f32 v2, v7  }
0x1fb: {  	v2 =	vld [tilespmem:s28+$0xFFFFFF60]  }
0x1fc: {  	v7 =	vld [tilespmem:s9+$0x18800];
	[tilespmem:s23+$0x150] =	vst v0  }
0x1fd: {  	v0 =	vld [tilespmem:s28+$0x60]  }
0x1fe: {  	v9 =	vld [tilespmem:s12+$0x18800]  }
0x1ff: {  	v10 =	vld [tilespmem:s28+$0x160]  }
0x200: {  	v11 =	vld [tilespmem:s8+$0x18800]  }
0x201: {  	v12 =	vld [tilespmem:s28+$0x260]  }
0x202: {  	v13 =	vld [tilespmem:s11+$0x18800]  }
0x203: {  	v6 =	vld.idx.msk [tilespmem:v6+s4+$0x0], $0xffff  }
0x204: {  	v8 =	vld.idx.msk [tilespmem:v8+s4+$0x0], $0xffff  }
0x205: {  	v1 =	vld.idx.msk [tilespmem:v1+s4+$0x0], $0xffff  }
0x206: {  	v4 =	vld.idx.msk [tilespmem:v4+s4+$0x0], $0xffff  }
0x207: {  	v3 =	vld.idx.msk [tilespmem:v3+s4+$0x0], $0xffff  }
0x208: {  	v5 =	vld.idx.msk [tilespmem:v5+s4+$0x0], $0xffff  }
0x209: {  	v2 =	vld.idx.msk [tilespmem:v2+s4+$0x0], $0xffff  }
0x20a: {  	v6 =	vadd.f32 v8, v6;
	v7 =	vld.idx.msk [tilespmem:v7+s4+$0x0], $0xffff  }
0x20b: {  	v0 =	vld.idx.msk [tilespmem:v0+s4+$0x0], $0xffff  }
0x20c: {  	v1 =	vadd.f32 v4, v1;
	[tilespmem:s23+$0xFFFFFE60] =	vst v6;
	v4 =	vld.idx.msk [tilespmem:v9+s4+$0x0], $0xffff  }
0x20d: {  	v6 =	vld.idx.msk [tilespmem:v10+s4+$0x0], $0xffff  }
0x20e: {  	[tilespmem:s23+$0xFFFFFEE0] =	vst v1;
	v1 =	vadd.f32 v5, v3;
	v3 =	vld.idx.msk [tilespmem:v11+s4+$0x0], $0xffff  }
0x20f: {  	v5 =	vld.idx.msk [tilespmem:v12+s4+$0x0], $0xffff  }
0x210: {  	[tilespmem:s23+$0xFFFFFF60] =	vst v1;
	v1 =	vadd.f32 v7, v2;
	v2 =	vld.idx.msk [tilespmem:v13+s4+$0x0], $0xffff  }
0x211: {  	v7 =	vld [tilespmem:s28+$0xFFFFFC70]  }
0x212: {  	v0 =	vadd.f32 v4, v0;
	v8 =	vld [tilespmem:s28+$0xFFFFFCF0];
	[tilespmem:s23+$0xFFFFFFE0] =	vst v1  }
0x213: {  	v1 =	vld [tilespmem:s28+$0xFFFFFD70]  }
0x214: {  	v4 =	vld [tilespmem:s2+$0x18800];
	[tilespmem:s23+$0x60] =	vst v0;
	v0 =	vadd.f32 v3, v6  }
0x215: {  	v3 =	vld [tilespmem:s28+$0xFFFFFE70]  }
0x216: {  	v6 =	vld [tilespmem:s1+$0x18800];
	[tilespmem:s23+$0xE0] =	vst v0;
	v0 =	vadd.f32 v2, v5  }
0x217: {  	v2 =	vld [tilespmem:s28+$0xFFFFFF70]  }
0x218: {  	v5 =	vld [tilespmem:s0+$0x18800];
	[tilespmem:s23+$0x160] =	vst v0  }
0x219: {  	v0 =	vld [tilespmem:s28+$0x70]  }
0x21a: {  	v9 =	vld [tilespmem:s31+$0x18800]  }
0x21b: {  	v10 =	vld [tilespmem:s28+$0x170]  }
0x21c: {  	v11 =	vld [tilespmem:s30+$0x18800]  }
0x21d: {  	v12 =	vld [tilespmem:s28+$0x270]  }
0x21e: {  	v13 =	vld [tilespmem:s29+$0x18800]  }
0x21f: {  	v7 =	vld.idx.msk [tilespmem:v7+s4+$0x0], $0xffff  }
0x220: {  	v8 =	vld.idx.msk [tilespmem:v8+s4+$0x0], $0xffff  }
0x221: {  	v1 =	vld.idx.msk [tilespmem:v1+s4+$0x0], $0xffff  }
0x222: {  	v4 =	vld.idx.msk [tilespmem:v4+s4+$0x0], $0xffff  }
0x223: {  	v3 =	vld.idx.msk [tilespmem:v3+s4+$0x0], $0xffff  }
0x224: {  	v6 =	vld.idx.msk [tilespmem:v6+s4+$0x0], $0xffff  }
0x225: {  	v14 =	vld.idx.msk [tilespmem:v2+s4+$0x0], $0xffff  }
0x226: {  	v2 =	vadd.f32 v8, v7;
	v5 =	vld.idx.msk [tilespmem:v5+s4+$0x0], $0xffff  }
0x227: {  	v0 =	vld.idx.msk [tilespmem:v0+s4+$0x0], $0xffff  }
.Ltmp4:
0x228: {  	v4 =	vadd.f32 v4, v1;
	[tilespmem:s23+$0xFFFFFE70] =	vst v2;
	v2 =	vld.idx.msk [tilespmem:v9+s4+$0x0], $0xffff;
	(pc) =	sbr.rel @p1 .LBB2_3-.Ltmp4, $4  }
0x229: {  	v1 =	vld.idx.msk [tilespmem:v10+s4+$0x0], $0xffff  }
0x22a: {  	v6 =	vadd.f32 v6, v3;
	[tilespmem:s23+$0xFFFFFEF0] =	vst v4;
	v4 =	vld.idx.msk [tilespmem:v11+s4+$0x0], $0xffff  }
0x22b: {  	v3 =	vld.idx.msk [tilespmem:v12+s4+$0x0], $0xffff  }
0x22c: {  	s28 =	sadd.s32 $0x800, s28;
	[tilespmem:s23+$0xFFFFFF70] =	vst v6;
	v6 =	vadd.f32 v5, v14;
	v5 =	vld.idx.msk [tilespmem:v13+s4+$0x0], $0xffff  }
0x22d: {  	_ =	sdelay $0x1  }
0x22e: {  	v0 =	vadd.f32 v2, v0;
	s0 =	sadd.s32 $0x2, s22  }
0x22f: {  	[tilespmem:s23+$0xFFFFFFF0] =	vst v6;
	p1 =	sge.u32 s0, s7;
	v1 =	vadd.f32 v4, v1  }
0x230: {  	s1 =	smul.u32 $0x280, s25;
	[tilespmem:s23+$0x70] =	vst v0;
	s0 =	sshll.u32 @!p1 s0, $0x5;
	v62 =	vadd.f32 v5, v3  }
0x231: {  	s0 =	sor.u32 @!p1 s5, s0;
	[tilespmem:s23+$0xF0] =	vst v1  }
0x232: {  	s25 =	sor.u32 $0x1, s22;
	s1 =	sadd.s32 s6, s1;
	s0 =	smul.u32 @!p1 $0x500, s0;
	[tilespmem:s23+$0x170] =	vst v62  }
0x233: {  	[hbm4b:s1+s4] =	stream.linear.scatter [tilespmem:s15], [sflag:$0x4], $0x1400, $0x38;
	v63 =	vld [tilespmem:$0x0]  }
0x234: {  	s2 =	simm.s32 @!p1 $0x18800;
	s0 =	sadd.s32 @!p1 s3, s0;
	s1 =	simm.s32 @!p1 $0x0  }
0x235: {  	[tilespmem:s2], [sflag:$0x2] =	stream.linear.gather @!p1 [hbm4b:s0+s1], $0x2800, $0x38;
	v63 =	vld [tilespmem:$0x0]  }
0x236: {  	p1 =	sge.u32 s25, s7  }
.Ltmp5:
0x237: {  	_ = 	snop;
	(pc) =	sbr.rel @p1 .LBB2_8-.Ltmp5, $1  }
0x238: {  	_ =	sdelay $0x3  }
0x239: {  	_ =	swait.ge [sflag:s16], $0x2800  }
0x23a: {  	[sflag:s16] =	ssyncset.done $0x0  }
0x23b: {  	s0 =	simm.s32 @!p0 $0x5;
	[sflag:s16] =	ssyncadd.s32 $0xFFFFD800  }
0x23c: {  	_ =	swait.ge @!p0 [sflag:s0], $0x1400  }
0x23d: {  	[sflag:s0] =	ssyncset.done @!p0 $0x0  }
0x23e: {  	s26 =	simm.s32 $0x1B400;
	[sflag:s0] =	ssyncadd.s32 @!p0 $0xFFFFEC00  }
0x23f: {  	v0 =	vld [tilespmem:s26+$0x300]  }
0x240: {  	v1 =	vld [tilespmem:s26+$0x380]  }
0x241: {  	v2 =	vld [tilespmem:s26+$0xFFFFFC80]  }
0x242: {  	v3 =	vld [tilespmem:s26+$0xFFFFFD00]  }
0x243: {  	v4 =	vld [tilespmem:s26+$0xFFFFFD80]  }
0x244: {  	v5 =	vld [tilespmem:s26+$0xFFFFFE00]  }
0x245: {  	v6 =	vld [tilespmem:s26+$0xFFFFFE80]  }
0x246: {  	v7 =	vld [tilespmem:s26+$0xFFFFFF00]  }
0x247: {  	v8 =	vld [tilespmem:s26+$0xFFFFFF80]  }
0x248: {  	v9 =	vld [tilespmem:s26+$0x0]  }
0x249: {  	v10 =	vld [tilespmem:s26+$0x80]  }
0x24a: {  	v11 =	vld [tilespmem:s26+$0x100]  }
0x24b: {  	v12 =	vld [tilespmem:s26+$0x180]  }
0x24c: {  	v13 =	vld [tilespmem:s26+$0x200]  }
0x24d: {  	v14 =	vld [tilespmem:s26+$0xFFFFFC00]  }
0x24e: {  	v0 =	vld.idx.msk [tilespmem:v0+s4+$0x0], $0xffff  }
0x24f: {  	v1 =	vld.idx.msk [tilespmem:v1+s4+$0x0], $0xffff  }
0x250: {  	v2 =	vld.idx.msk [tilespmem:v2+s4+$0x0], $0xffff  }
0x251: {  	v3 =	vld.idx.msk [tilespmem:v3+s4+$0x0], $0xffff  }
0x252: {  	v4 =	vld.idx.msk [tilespmem:v4+s4+$0x0], $0xffff  }
0x253: {  	v5 =	vld.idx.msk [tilespmem:v5+s4+$0x0], $0xffff  }
0x254: {  	v6 =	vld.idx.msk [tilespmem:v6+s4+$0x0], $0xffff  }
0x255: {  	v14 =	vld.idx.msk [tilespmem:v14+s4+$0x0], $0xffff  }
0x256: {  	v7 =	vld.idx.msk [tilespmem:v7+s4+$0x0], $0xffff  }
0x257: {  	v8 =	vld.idx.msk [tilespmem:v8+s4+$0x0], $0xffff  }
0x258: {  	v9 =	vld.idx.msk [tilespmem:v9+s4+$0x0], $0xffff  }
0x259: {  	v10 =	vld.idx.msk [tilespmem:v10+s4+$0x0], $0xffff  }
0x25a: {  	v11 =	vld.idx.msk [tilespmem:v11+s4+$0x0], $0xffff  }
0x25b: {  	v12 =	vld.idx.msk [tilespmem:v12+s4+$0x0], $0xffff;
	v0 =	vadd.f32 v1, v0  }
0x25c: {  	s23 =	simm.s32 $0x1EE00;
	v13 =	vld.idx.msk [tilespmem:v13+s4+$0x0], $0xffff  }
0x25d: {  	v1 =	vld [tilespmem:s26+$0x280];
	v2 =	vadd.f32 v2, v14;
	[tilespmem:s23+$0x180] =	vst v0  }
0x25e: {  	v0 =	vld [tilespmem:s26+$0x310]  }
0x25f: {  	v3 =	vadd.f32 v4, v3;
	[tilespmem:s23+$0xFFFFFE00] =	vst v2;
	v15 =	vld [tilespmem:s26+$0x390]  }
0x260: {  	v7 =	vadd.f32 v8, v7;
	v4 =	vld [tilespmem:s26+$0xFFFFFC10]  }
0x261: {  	[tilespmem:s23+$0xFFFFFE80] =	vst v3;
	v3 =	vadd.f32 v6, v5;
	v5 =	vld [tilespmem:s26+$0xFFFFFC90]  }
0x262: {  	[tilespmem:s23+$0xFFFFFF80] =	vst v7;
	v6 =	vld [tilespmem:s26+$0xFFFFFD10]  }
0x263: {  	v57 =	vld [tilespmem:s26+$0xFFFFFF10]  }
0x264: {  	v58 =	vld [tilespmem:s26+$0xFFFFFF90]  }
0x265: {  	v7 =	vadd.f32 v10, v9;
	[tilespmem:s23+$0xFFFFFF00] =	vst v3;
	v3 =	vld [tilespmem:s26+$0xFFFFFD90]  }
0x266: {  	v56 =	vld [tilespmem:s26+$0xFFFFFE10]  }
0x267: {  	[tilespmem:s23+$0x0] =	vst v7;
	v7 =	vadd.f32 v12, v11;
	v8 =	vld [tilespmem:s26+$0xFFFFFE90]  }
0x268: {  	v59 =	vld [tilespmem:s26+$0x10]  }
0x269: {  	[tilespmem:s23+$0x80] =	vst v7;
	v7 =	vld [tilespmem:s26+$0x90]  }
0x26a: {  	v60 =	vld [tilespmem:s26+$0x110]  }
0x26b: {  	v1 =	vld.idx.msk [tilespmem:v1+s4+$0x0], $0xffff  }
0x26c: {  	v0 =	vld.idx.msk [tilespmem:v0+s4+$0x0], $0xffff  }
0x26d: {  	v15 =	vld.idx.msk [tilespmem:v15+s4+$0x0], $0xffff  }
0x26e: {  	v4 =	vld.idx.msk [tilespmem:v4+s4+$0x0], $0xffff  }
0x26f: {  	v5 =	vld.idx.msk [tilespmem:v5+s4+$0x0], $0xffff  }
0x270: {  	v6 =	vld.idx.msk [tilespmem:v6+s4+$0x0], $0xffff  }
0x271: {  	v9 =	vld.idx.msk [tilespmem:v57+s4+$0x0], $0xffff  }
0x272: {  	v10 =	vld.idx.msk [tilespmem:v58+s4+$0x0], $0xffff  }
0x273: {  	v3 =	vld.idx.msk [tilespmem:v3+s4+$0x0], $0xffff  }
0x274: {  	v14 =	vld.idx.msk [tilespmem:v56+s4+$0x0], $0xffff  }
0x275: {  	v8 =	vld.idx.msk [tilespmem:v8+s4+$0x0], $0xffff  }
0x276: {  	v1 =	vadd.f32 v1, v13;
	v11 =	vld.idx.msk [tilespmem:v59+s4+$0x0], $0xffff  }
0x277: {  	v7 =	vld.idx.msk [tilespmem:v7+s4+$0x0], $0xffff  }
0x278: {  	[tilespmem:s23+$0x100] =	vst v1;
	v1 =	vld [tilespmem:s26+$0x190];
	v0 =	vadd.f32 v15, v0  }
0x279: {  	v12 =	vld.idx.msk [tilespmem:v60+s4+$0x0], $0xffff  }
0x27a: {  	v61 =	vld [tilespmem:s26+$0x290];
	v4 =	vadd.f32 v5, v4;
	[tilespmem:s23+$0x190] =	vst v0  }
0x27b: {  	v9 =	vadd.f32 v10, v9;
	v0 =	vld [tilespmem:s26+$0x320]  }
0x27c: {  	v3 =	vadd.f32 v3, v6;
	[tilespmem:s23+$0xFFFFFE10] =	vst v4;
	v2 =	vld [tilespmem:s26+$0x3A0]  }
0x27d: {  	[tilespmem:s23+$0xFFFFFF90] =	vst v9;
	v6 =	vld [tilespmem:s26+$0xFFFFFC20]  }
0x27e: {  	[tilespmem:s23+$0xFFFFFE90] =	vst v3;
	v3 =	vadd.f32 v8, v14;
	v8 =	vld [tilespmem:s26+$0xFFFFFCA0]  }
0x27f: {  	v9 =	vld [tilespmem:s26+$0xFFFFFF20]  }
0x280: {  	v7 =	vadd.f32 v7, v11;
	v18 =	vld [tilespmem:s26+$0xFFFFFD20]  }
0x281: {  	[tilespmem:s23+$0xFFFFFF10] =	vst v3;
	v3 =	vld [tilespmem:s26+$0xFFFFFDA0]  }
0x282: {  	[tilespmem:s23+$0x10] =	vst v7;
	v7 =	vld [tilespmem:s26+$0xFFFFFFA0]  }
0x283: {  	v19 =	vld [tilespmem:s26+$0xFFFFFE20]  }
0x284: {  	v20 =	vld [tilespmem:s26+$0xFFFFFEA0]  }
0x285: {  	v21 =	vld [tilespmem:s26+$0x20]  }
0x286: {  	v1 =	vld.idx.msk [tilespmem:v1+s4+$0x0], $0xffff  }
0x287: {  	v5 =	vld.idx.msk [tilespmem:v61+s4+$0x0], $0xffff  }
0x288: {  	v0 =	vld.idx.msk [tilespmem:v0+s4+$0x0], $0xffff  }
0x289: {  	v2 =	vld.idx.msk [tilespmem:v2+s4+$0x0], $0xffff  }
0x28a: {  	v6 =	vld.idx.msk [tilespmem:v6+s4+$0x0], $0xffff  }
0x28b: {  	v8 =	vld.idx.msk [tilespmem:v8+s4+$0x0], $0xffff  }
0x28c: {  	v9 =	vld.idx.msk [tilespmem:v9+s4+$0x0], $0xffff  }
0x28d: {  	v13 =	vld.idx.msk [tilespmem:v18+s4+$0x0], $0xffff  }
0x28e: {  	v3 =	vld.idx.msk [tilespmem:v3+s4+$0x0], $0xffff  }
0x28f: {  	v7 =	vld.idx.msk [tilespmem:v7+s4+$0x0], $0xffff  }
0x290: {  	v14 =	vld.idx.msk [tilespmem:v19+s4+$0x0], $0xffff  }
0x291: {  	v10 =	vld.idx.msk [tilespmem:v20+s4+$0x0], $0xffff;
	v0 =	vadd.f32 v2, v0  }
0x292: {  	v11 =	vld.idx.msk [tilespmem:v21+s4+$0x0], $0xffff  }
0x293: {  	v2 =	vld [tilespmem:s26+$0x210];
	v6 =	vadd.f32 v8, v6;
	[tilespmem:s23+$0x1A0] =	vst v0  }
0x294: {  	v0 =	vld [tilespmem:s26+$0x330]  }
0x295: {  	[tilespmem:s23+$0xFFFFFE20] =	vst v6;
	v3 =	vadd.f32 v3, v13;
	v62 =	vld [tilespmem:s26+$0x3B0]  }
0x296: {  	v7 =	vadd.f32 v7, v9;
	v24 =	vld [tilespmem:s26+$0xFFFFFC30]  }
0x297: {  	v25 =	vld [tilespmem:s26+$0xFFFFFCB0];
	[tilespmem:s23+$0xFFFFFEA0] =	vst v3  }
0x298: {  	v3 =	vadd.f32 v10, v14;
	[tilespmem:s23+$0xFFFFFFA0] =	vst v7;
	v26 =	vld [tilespmem:s26+$0xFFFFFD30]  }
0x299: {  	v7 =	vld [tilespmem:s26+$0xFFFFFF30]  }
0x29a: {  	[tilespmem:s23+$0xFFFFFF20] =	vst v3;
	v3 =	vld [tilespmem:s26+$0xFFFFFDB0]  }
0x29b: {  	v27 =	vld [tilespmem:s26+$0xFFFFFE30]  }
0x29c: {  	v28 =	vld [tilespmem:s26+$0xFFFFFEB0]  }
0x29d: {  	v2 =	vld.idx.msk [tilespmem:v2+s4+$0x0], $0xffff  }
0x29e: {  	v0 =	vld.idx.msk [tilespmem:v0+s4+$0x0], $0xffff  }
0x29f: {  	v15 =	vld.idx.msk [tilespmem:v62+s4+$0x0], $0xffff  }
0x2a0: {  	v1 =	vadd.f32 v1, v12;
	v12 =	vld.idx.msk [tilespmem:v24+s4+$0x0], $0xffff  }
0x2a1: {  	v10 =	vld.idx.msk [tilespmem:v25+s4+$0x0], $0xffff  }
0x2a2: {  	[tilespmem:s23+$0x90] =	vst v1;
	v1 =	vadd.f32 v5, v2;
	v2 =	vld [tilespmem:s26+$0xA0]  }
0x2a3: {  	v5 =	vld [tilespmem:s26+$0x120]  }
0x2a4: {  	v13 =	vld.idx.msk [tilespmem:v26+s4+$0x0], $0xffff  }
0x2a5: {  	v7 =	vld.idx.msk [tilespmem:v7+s4+$0x0], $0xffff  }
0x2a6: {  	v3 =	vld.idx.msk [tilespmem:v3+s4+$0x0], $0xffff;
	v0 =	vadd.f32 v15, v0  }
0x2a7: {  	[tilespmem:s23+$0x110] =	vst v1;
	v1 =	vld [tilespmem:s26+$0x1A0]  }
0x2a8: {  	v14 =	vld.idx.msk [tilespmem:v27+s4+$0x0], $0xffff;
	[tilespmem:s23+$0x1B0] =	vst v0  }
0x2a9: {  	v0 =	vld [tilespmem:s26+$0x340]  }
0x2aa: {  	v10 =	vadd.f32 v10, v12;
	v4 =	vld [tilespmem:s26+$0x3C0]  }
0x2ab: {  	v9 =	vld.idx.msk [tilespmem:v28+s4+$0x0], $0xffff  }
0x2ac: {  	v22 =	vld [tilespmem:s26+$0x2A0];
	[tilespmem:s23+$0xFFFFFE30] =	vst v10  }
0x2ad: {  	v32 =	vld [tilespmem:s26+$0xFFFFFC40]  }
0x2ae: {  	v33 =	vld [tilespmem:s26+$0xFFFFFCC0]  }
0x2af: {  	v2 =	vld.idx.msk [tilespmem:v2+s4+$0x0], $0xffff  }
0x2b0: {  	v3 =	vadd.f32 v3, v13;
	v5 =	vld.idx.msk [tilespmem:v5+s4+$0x0], $0xffff  }
0x2b1: {  	v0 =	vld.idx.msk [tilespmem:v0+s4+$0x0], $0xffff  }
0x2b2: {  	[tilespmem:s23+$0xFFFFFEB0] =	vst v3;
	v4 =	vld.idx.msk [tilespmem:v4+s4+$0x0], $0xffff  }
0x2b3: {  	v3 =	vadd.f32 v9, v14;
	v34 =	vld [tilespmem:s26+$0xFFFFFD40]  }
0x2b4: {  	v1 =	vld.idx.msk [tilespmem:v1+s4+$0x0], $0xffff  }
0x2b5: {  	[tilespmem:s23+$0xFFFFFF30] =	vst v3;
	v3 =	vld [tilespmem:s26+$0xFFFFFDC0]  }
0x2b6: {  	v8 =	vld.idx.msk [tilespmem:v22+s4+$0x0], $0xffff;
	v2 =	vadd.f32 v2, v11  }
0x2b7: {  	v12 =	vld.idx.msk [tilespmem:v32+s4+$0x0], $0xffff;
	v0 =	vadd.f32 v4, v0  }
0x2b8: {  	[tilespmem:s23+$0x20] =	vst v2;
	v4 =	vld [tilespmem:s26+$0x220]  }
0x2b9: {  	v2 =	vld [tilespmem:s26+$0xFFFFFFB0];
	[tilespmem:s23+$0x1C0] =	vst v0  }
0x2ba: {  	v0 =	vld [tilespmem:s26+$0x350]  }
0x2bb: {  	v23 =	vld [tilespmem:s26+$0x3D0]  }
0x2bc: {  	v9 =	vld.idx.msk [tilespmem:v33+s4+$0x0], $0xffff;
	v1 =	vadd.f32 v1, v5  }
0x2bd: {  	v5 =	vld [tilespmem:s26+$0x30]  }
0x2be: {  	[tilespmem:s23+$0xA0] =	vst v1;
	v13 =	vld.idx.msk [tilespmem:v34+s4+$0x0], $0xffff  }
0x2bf: {  	v29 =	vld [tilespmem:s26+$0x1B0]  }
0x2c0: {  	v4 =	vld.idx.msk [tilespmem:v4+s4+$0x0], $0xffff  }
0x2c1: {  	v2 =	vld.idx.msk [tilespmem:v2+s4+$0x0], $0xffff  }
0x2c2: {  	v0 =	vld.idx.msk [tilespmem:v0+s4+$0x0], $0xffff  }
0x2c3: {  	v9 =	vadd.f32 v9, v12;
	v15 =	vld.idx.msk [tilespmem:v23+s4+$0x0], $0xffff  }
0x2c4: {  	v3 =	vld.idx.msk [tilespmem:v3+s4+$0x0], $0xffff  }
0x2c5: {  	[tilespmem:s23+$0xFFFFFE40] =	vst v9;
	v1 =	vadd.f32 v8, v4;
	v4 =	vld [tilespmem:s26+$0xB0]  }
0x2c6: {  	v41 =	vld [tilespmem:s26+$0xFFFFFC50]  }
0x2c7: {  	v5 =	vld.idx.msk [tilespmem:v5+s4+$0x0], $0xffff  }
0x2c8: {  	v2 =	vadd.f32 v2, v7;
	v7 =	vld [tilespmem:s26+$0xFFFFFE40];
	v0 =	vadd.f32 v15, v0  }
0x2c9: {  	v8 =	vld [tilespmem:s26+$0x130]  }
0x2ca: {  	s9 =	simm.s32 $0x7C0;
	v11 =	vld.idx.msk [tilespmem:v29+s4+$0x0], $0xffff;
	[tilespmem:s23+$0x1D0] =	vst v0  }
0x2cb: {  	s0 =	sor.u32 $0xE0, s9;
	v0 =	vld [tilespmem:s26+$0x360]  }
0x2cc: {  	v6 =	vld [tilespmem:s0+$0x1B000]  }
0x2cd: {  	[tilespmem:s23+$0x120] =	vst v1;
	v4 =	vld.idx.msk [tilespmem:v4+s4+$0x0], $0xffff  }
0x2ce: {  	v30 =	vld [tilespmem:s26+$0x2B0]  }
0x2cf: {  	v3 =	vadd.f32 v3, v13;
	v13 =	vld.idx.msk [tilespmem:v41+s4+$0x0], $0xffff  }
0x2d0: {  	v7 =	vld.idx.msk [tilespmem:v7+s4+$0x0], $0xffff  }
0x2d1: {  	v8 =	vld.idx.msk [tilespmem:v8+s4+$0x0], $0xffff  }
0x2d2: {  	[tilespmem:s23+$0xFFFFFFB0] =	vst v2;
	v2 =	vadd.f32 v4, v5;
	v4 =	vld [tilespmem:s26+$0xFFFFFEC0]  }
0x2d3: {  	v5 =	vld [tilespmem:s26+$0xFFFFFF40]  }
0x2d4: {  	v0 =	vld.idx.msk [tilespmem:v0+s4+$0x0], $0xffff  }
0x2d5: {  	v6 =	vld.idx.msk [tilespmem:v6+s4+$0x0], $0xffff  }
0x2d6: {  	v31 =	vld.idx.msk [tilespmem:v30+s4+$0x0], $0xffff;
	[tilespmem:s23+$0x30] =	vst v2;
	v2 =	vadd.f32 v11, v8  }
0x2d7: {  	v8 =	vld [tilespmem:s26+$0xFFFFFFC0]  }
0x2d8: {  	v35 =	vld [tilespmem:s26+$0x40];
	[tilespmem:s23+$0xB0] =	vst v2  }
0x2d9: {  	v36 =	vld [tilespmem:s26+$0x140]  }
0x2da: {  	v0 =	vadd.f32 v6, v0;
	v6 =	vld [tilespmem:s26+$0x230]  }
0x2db: {  	v4 =	vld.idx.msk [tilespmem:v4+s4+$0x0], $0xffff  }
0x2dc: {  	s24 =	simm.s32 $0x7E0;
	[tilespmem:s23+$0x1E0] =	vst v0;
	v5 =	vld.idx.msk [tilespmem:v5+s4+$0x0], $0xffff  }
0x2dd: {  	s10 =	sor.u32 $0xF0, s24;
	v0 =	vld [tilespmem:s26+$0x370]  }
0x2de: {  	v1 =	vld [tilespmem:s10+$0x1B000]  }
0x2df: {  	v8 =	vld.idx.msk [tilespmem:v8+s4+$0x0], $0xffff  }
0x2e0: {  	v11 =	vld.idx.msk [tilespmem:v35+s4+$0x0], $0xffff  }
0x2e1: {  	v10 =	vld.idx.msk [tilespmem:v36+s4+$0x0], $0xffff  }
0x2e2: {  	[tilespmem:s23+$0xFFFFFEC0] =	vst v3;
	v3 =	vadd.f32 v4, v7;
	v4 =	vld [tilespmem:s26+$0xFFFFFCD0]  }
0x2e3: {  	v6 =	vld.idx.msk [tilespmem:v6+s4+$0x0], $0xffff  }
0x2e4: {  	v7 =	vld [tilespmem:s26+$0xFFFFFD50]  }
0x2e5: {  	[tilespmem:s23+$0xFFFFFF40] =	vst v3;
	v3 =	vadd.f32 v8, v5;
	v5 =	vld [tilespmem:s26+$0xFFFFFDD0]  }
0x2e6: {  	v8 =	vld [tilespmem:s26+$0xFFFFFE50]  }
0x2e7: {  	v0 =	vld.idx.msk [tilespmem:v0+s4+$0x0], $0xffff  }
0x2e8: {  	v1 =	vld.idx.msk [tilespmem:v1+s4+$0x0], $0xffff;
	v2 =	vadd.f32 v31, v6  }
0x2e9: {  	v6 =	vld [tilespmem:s26+$0xC0]  }
0x2ea: {  	[tilespmem:s23+$0x130] =	vst v2;
	v2 =	vld [tilespmem:s26+$0x1C0]  }
0x2eb: {  	v4 =	vld.idx.msk [tilespmem:v4+s4+$0x0], $0xffff  }
0x2ec: {  	v7 =	vld.idx.msk [tilespmem:v7+s4+$0x0], $0xffff  }
0x2ed: {  	v37 =	vld [tilespmem:s26+$0x240]  }
0x2ee: {  	v38 =	vld [tilespmem:s26+$0x2C0]  }
0x2ef: {  	[tilespmem:s23+$0xFFFFFFC0] =	vst v3;
	v5 =	vld.idx.msk [tilespmem:v5+s4+$0x0], $0xffff  }
0x2f0: {  	v42 =	vld [tilespmem:s26+$0xFFFFFF50]  }
0x2f1: {  	v8 =	vld.idx.msk [tilespmem:v8+s4+$0x0], $0xffff;
	v4 =	vadd.f32 v4, v13  }
0x2f2: {  	v6 =	vld.idx.msk [tilespmem:v6+s4+$0x0], $0xffff  }
0x2f3: {  	[tilespmem:s23+$0xFFFFFE50] =	vst v4;
	v2 =	vld.idx.msk [tilespmem:v2+s4+$0x0], $0xffff  }
0x2f4: {  	v4 =	vadd.f32 v5, v7;
	v7 =	vld [tilespmem:s26+$0xFFFFFC60]  }
0x2f5: {  	v39 =	vld.idx.msk [tilespmem:v37+s4+$0x0], $0xffff  }
0x2f6: {  	v40 =	vld.idx.msk [tilespmem:v38+s4+$0x0], $0xffff  }
0x2f7: {  	v3 =	vadd.f32 v6, v11;
	v6 =	vld [tilespmem:s26+$0xFFFFFED0]  }
0x2f8: {  	v11 =	vld.idx.msk [tilespmem:v42+s4+$0x0], $0xffff  }
0x2f9: {  	[tilespmem:s23+$0x40] =	vst v3;
	v2 =	vadd.f32 v2, v10;
	v3 =	vld [tilespmem:s26+$0xFFFFFFD0]  }
0x2fa: {  	v43 =	vld [tilespmem:s26+$0x50]  }
0x2fb: {  	v44 =	vld [tilespmem:s26+$0xD0];
	[tilespmem:s23+$0xC0] =	vst v2  }
0x2fc: {  	v2 =	vadd.f32 v40, v39;
	v45 =	vld [tilespmem:s26+$0x150]  }
0x2fd: {  	v7 =	vld.idx.msk [tilespmem:v7+s4+$0x0], $0xffff  }
0x2fe: {  	[tilespmem:s23+$0x140] =	vst v2;
	v2 =	vld [tilespmem:s26+$0x1D0]  }
0x2ff: {  	v46 =	vld [tilespmem:s26+$0x250]  }
0x300: {  	v47 =	vld [tilespmem:s26+$0x2D0]  }
0x301: {  	v6 =	vld.idx.msk [tilespmem:v6+s4+$0x0], $0xffff  }
0x302: {  	v3 =	vld.idx.msk [tilespmem:v3+s4+$0x0], $0xffff  }
0x303: {  	v10 =	vld.idx.msk [tilespmem:v43+s4+$0x0], $0xffff  }
0x304: {  	v9 =	vld.idx.msk [tilespmem:v44+s4+$0x0], $0xffff  }
0x305: {  	v12 =	vld.idx.msk [tilespmem:v45+s4+$0x0], $0xffff  }
0x306: {  	[tilespmem:s23+$0xFFFFFED0] =	vst v4;
	v4 =	vadd.f32 v6, v8;
	v6 =	vld [tilespmem:s26+$0xFFFFFCE0]  }
0x307: {  	v8 =	vld [tilespmem:s26+$0xFFFFFD60]  }
0x308: {  	v2 =	vld.idx.msk [tilespmem:v2+s4+$0x0], $0xffff  }
0x309: {  	s11 =	simm.s32 $0x1C0;
	v48 =	vld.idx.msk [tilespmem:v46+s4+$0x0], $0xffff  }
0x30a: {  	s0 =	sor.u32 $0xE0, s11;
	v5 =	vld.idx.msk [tilespmem:v47+s4+$0x0], $0xffff  }
0x30b: {  	s1 =	simm.s32 $0x2C0;
	[tilespmem:s23+$0xFFFFFF50] =	vst v4;
	v3 =	vadd.f32 v3, v11;
	v4 =	vld [tilespmem:s0+$0x1B000]  }
0x30c: {  	s12 =	sor.u32 $0xE0, s1;
	v49 =	vld [tilespmem:s26+$0xFFFFFE60]  }
0x30d: {  	s13 =	simm.s32 $0x3C0;
	v50 =	vld [tilespmem:s12+$0x1B000];
	[tilespmem:s23+$0xFFFFFFD0] =	vst v3;
	v3 =	vadd.f32 v9, v10  }
0x30e: {  	s18 =	sor.u32 $0xE0, s13;
	v51 =	vld [tilespmem:s26+$0xFFFFFF60]  }
0x30f: {  	s19 =	simm.s32 $0x4C0;
	[tilespmem:s23+$0x50] =	vst v3;
	v2 =	vadd.f32 v2, v12;
	v3 =	vld [tilespmem:s18+$0x1B000]  }
0x310: {  	s20 =	sor.u32 $0xE0, s19;
	v52 =	vld [tilespmem:s26+$0x60]  }
0x311: {  	[tilespmem:s23+$0xD0] =	vst v2;
	v2 =	vadd.f32 v5, v48;
	v5 =	vld [tilespmem:s20+$0x1B000]  }
0x312: {  	v6 =	vld.idx.msk [tilespmem:v6+s4+$0x0], $0xffff  }
0x313: {  	s29 =	simm.s32 $0x5C0;
	v8 =	vld.idx.msk [tilespmem:v8+s4+$0x0], $0xffff  }
0x314: {  	s30 =	sor.u32 $0xE0, s29;
	v53 =	vld [tilespmem:s26+$0x160]  }
0x315: {  	[tilespmem:s23+$0x150] =	vst v2;
	v2 =	vld [tilespmem:s30+$0x1B000]  }
0x316: {  	s31 =	simm.s32 $0x6C0;
	v4 =	vld.idx.msk [tilespmem:v4+s4+$0x0], $0xffff  }
0x317: {  	s2 =	sor.u32 $0xE0, s31;
	v54 =	vld [tilespmem:s26+$0x260]  }
0x318: {  	v55 =	vld [tilespmem:s2+$0x1B000]  }
0x319: {  	v11 =	vld.idx.msk [tilespmem:v49+s4+$0x0], $0xffff  }
0x31a: {  	v9 =	vld.idx.msk [tilespmem:v50+s4+$0x0], $0xffff  }
0x31b: {  	v10 =	vld.idx.msk [tilespmem:v51+s4+$0x0], $0xffff  }
0x31c: {  	v6 =	vadd.f32 v6, v7;
	v3 =	vld.idx.msk [tilespmem:v3+s4+$0x0], $0xffff  }
0x31d: {  	v12 =	vld.idx.msk [tilespmem:v52+s4+$0x0], $0xffff  }
0x31e: {  	[tilespmem:s23+$0xFFFFFE60] =	vst v6;
	v5 =	vld.idx.msk [tilespmem:v5+s4+$0x0], $0xffff  }
0x31f: {  	v4 =	vadd.f32 v4, v8;
	v8 =	vld [tilespmem:s26+$0xFFFFFC70]  }
0x320: {  	v56 =	vld [tilespmem:s26+$0xFFFFFCF0]  }
0x321: {  	v13 =	vld.idx.msk [tilespmem:v53+s4+$0x0], $0xffff  }
0x322: {  	[tilespmem:s23+$0xFFFFFEE0] =	vst v4;
	v2 =	vld.idx.msk [tilespmem:v2+s4+$0x0], $0xffff  }
0x323: {  	v57 =	vld [tilespmem:s26+$0xFFFFFD70]  }
0x324: {  	s8 =	simm.s32 $0x1E0;
	v4 =	vadd.f32 v9, v11;
	v7 =	vld.idx.msk [tilespmem:v54+s4+$0x0], $0xffff  }
0x325: {  	s0 =	sor.u32 $0xF0, s8;
	v6 =	vld.idx.msk [tilespmem:v55+s4+$0x0], $0xffff  }
0x326: {  	s9 =	simm.s32 $0x2E0;
	[tilespmem:s23+$0xFFFFFF60] =	vst v4;
	v3 =	vadd.f32 v3, v10;
	v4 =	vld [tilespmem:s0+$0x1B000]  }
0x327: {  	s10 =	sor.u32 $0xF0, s9;
	v58 =	vld [tilespmem:s26+$0xFFFFFE70]  }
0x328: {  	s11 =	simm.s32 $0x3E0;
	[tilespmem:s23+$0xFFFFFFE0] =	vst v3;
	v3 =	vadd.f32 v5, v12;
	v5 =	vld [tilespmem:s10+$0x1B000]  }
0x329: {  	s12 =	sor.u32 $0xF0, s11;
	v59 =	vld [tilespmem:s26+$0xFFFFFF70]  }
0x32a: {  	[tilespmem:s23+$0x60] =	vst v3;
	v3 =	vld [tilespmem:s12+$0x1B000]  }
0x32b: {  	v60 =	vld [tilespmem:s26+$0x70]  }
0x32c: {  	s13 =	simm.s32 $0x4E0;
	v2 =	vadd.f32 v2, v13;
	v8 =	vld.idx.msk [tilespmem:v8+s4+$0x0], $0xffff  }
0x32d: {  	s18 =	sor.u32 $0xF0, s13;
	v9 =	vld.idx.msk [tilespmem:v56+s4+$0x0], $0xffff  }
0x32e: {  	[tilespmem:s23+$0xE0] =	vst v2;
	v2 =	vadd.f32 v6, v7;
	v6 =	vld [tilespmem:s18+$0x1B000]  }
0x32f: {  	s19 =	simm.s32 $0x5E0;
	v7 =	vld [tilespmem:s26+$0x170]  }
0x330: {  	s20 =	sor.u32 $0xF0, s19;
	v11 =	vld.idx.msk [tilespmem:v57+s4+$0x0], $0xffff  }
0x331: {  	[tilespmem:s23+$0x160] =	vst v2;
	v2 =	vld [tilespmem:s20+$0x1B000]  }
0x332: {  	s29 =	simm.s32 $0x6E0;
	v4 =	vld.idx.msk [tilespmem:v4+s4+$0x0], $0xffff  }
0x333: {  	s30 =	sor.u32 $0xF0, s29;
	v61 =	vld [tilespmem:s26+$0x270]  }
0x334: {  	v62 =	vld [tilespmem:s30+$0x1B000]  }
0x335: {  	v10 =	vld.idx.msk [tilespmem:v58+s4+$0x0], $0xffff  }
0x336: {  	v5 =	vld.idx.msk [tilespmem:v5+s4+$0x0], $0xffff  }
0x337: {  	v12 =	vld.idx.msk [tilespmem:v59+s4+$0x0], $0xffff  }
0x338: {  	v16 =	vld.idx.msk [tilespmem:v3+s4+$0x0], $0xffff  }
0x339: {  	v1 =	vadd.f32 v1, v0;
	v0 =	vld.idx.msk [tilespmem:v60+s4+$0x0], $0xffff  }
0x33a: {  	v8 =	vadd.f32 v9, v8;
	v3 =	vld.idx.msk [tilespmem:v6+s4+$0x0], $0xffff  }
0x33b: {  	[tilespmem:s23+$0x1F0] =	vst v1;
	v6 =	vadd.f32 v4, v11;
	v1 =	vld.idx.msk [tilespmem:v7+s4+$0x0], $0xffff  }
0x33c: {  	[tilespmem:s23+$0xFFFFFE70] =	vst v8;
	v5 =	vadd.f32 v5, v10;
	v4 =	vld.idx.msk [tilespmem:v2+s4+$0x0], $0xffff  }
0x33d: {  	s31 =	sshll.u32 s25, $0x5;
	[tilespmem:s23+$0xFFFFFEF0] =	vst v6;
	v2 =	vld.idx.msk [tilespmem:v61+s4+$0x0], $0xffff  }
0x33e: {  	s28 =	simm.s32 $0x1BC00;
	s25 =	sor.u32 s5, s31;
	s26 =	simm.s32 $0x0;
	[tilespmem:s23+$0xFFFFFF70] =	vst v5;
	v6 =	vadd.f32 v16, v12;
	v5 =	vld.idx.msk [tilespmem:v62+s4+$0x0], $0xffff  }
.LBB2_6:
0x33f: {  	v7 =	vld [tilespmem:s28+$0x300]  }
0x340: {  	v0 =	vadd.f32 v3, v0;
	v8 =	vld [tilespmem:s28+$0x380];
	[tilespmem:s23+$0xFFFFFFF0] =	vst v6  }
0x341: {  	v3 =	vld [tilespmem:s28+$0xFFFFFC80]  }
0x342: {  	v6 =	vld [tilespmem:s28+$0xFFFFFD00];
	[tilespmem:s23+$0x70] =	vst v0;
	v0 =	vadd.f32 v4, v1  }
0x343: {  	v1 =	vld [tilespmem:s28+$0xFFFFFD80]  }
0x344: {  	v4 =	vld [tilespmem:s28+$0xFFFFFE00];
	[tilespmem:s23+$0xF0] =	vst v0;
	v0 =	vadd.f32 v5, v2  }
0x345: {  	v2 =	vld [tilespmem:s28+$0xFFFFFE80]  }
0x346: {  	v5 =	vld [tilespmem:s28+$0xFFFFFF00];
	[tilespmem:s23+$0x170] =	vst v0  }
0x347: {  	s26 =	sadd.s32 $0x8, s26;
	v0 =	vld.idx.msk [tilespmem:v7+s4+$0x0], $0xffff  }
0x348: {  	p0 =	slt.u32 s26, $0x20;
	v7 =	vld.idx.msk [tilespmem:v8+s4+$0x0], $0xffff  }
0x349: {  	v8 =	vld [tilespmem:s28+$0xFFFFFF80]  }
0x34a: {  	v9 =	vld [tilespmem:s28+$0x0]  }
0x34b: {  	v10 =	vld [tilespmem:s28+$0x80]  }
0x34c: {  	v11 =	vld [tilespmem:s28+$0x100]  }
0x34d: {  	v12 =	vld [tilespmem:s28+$0x180]  }
0x34e: {  	v0 =	vadd.f32 v7, v0;
	v13 =	vld [tilespmem:s28+$0x200]  }
0x34f: {  	s23 =	sadd.s32 $0x400, s23;
	v7 =	vld [tilespmem:s28+$0x280]  }
0x350: {  	v14 =	vld [tilespmem:s28+$0xFFFFFC00];
	[tilespmem:s23+$0x180] =	vst v0  }
0x351: {  	v0 =	vld [tilespmem:s28+$0x310]  }
0x352: {  	v15 =	vld [tilespmem:s28+$0x390]  }
0x353: {  	v3 =	vld.idx.msk [tilespmem:v3+s4+$0x0], $0xffff  }
0x354: {  	v6 =	vld.idx.msk [tilespmem:v6+s4+$0x0], $0xffff  }
0x355: {  	v1 =	vld.idx.msk [tilespmem:v1+s4+$0x0], $0xffff  }
0x356: {  	v4 =	vld.idx.msk [tilespmem:v4+s4+$0x0], $0xffff  }
0x357: {  	v2 =	vld.idx.msk [tilespmem:v2+s4+$0x0], $0xffff  }
0x358: {  	v14 =	vld.idx.msk [tilespmem:v14+s4+$0x0], $0xffff  }
0x359: {  	v0 =	vld.idx.msk [tilespmem:v0+s4+$0x0], $0xffff  }
0x35a: {  	v15 =	vld.idx.msk [tilespmem:v15+s4+$0x0], $0xffff  }
0x35b: {  	v1 =	vadd.f32 v1, v6;
	v5 =	vld.idx.msk [tilespmem:v5+s4+$0x0], $0xffff  }
0x35c: {  	v6 =	vld.idx.msk [tilespmem:v8+s4+$0x0], $0xffff  }
0x35d: {  	[tilespmem:s23+$0xFFFFFE80] =	vst v1;
	v1 =	vadd.f32 v2, v4;
	v2 =	vld.idx.msk [tilespmem:v9+s4+$0x0], $0xffff  }
0x35e: {  	v3 =	vadd.f32 v3, v14;
	v4 =	vld.idx.msk [tilespmem:v10+s4+$0x0], $0xffff  }
0x35f: {  	[tilespmem:s23+$0xFFFFFF00] =	vst v1;
	v1 =	vld.idx.msk [tilespmem:v11+s4+$0x0], $0xffff  }
0x360: {  	v0 =	vadd.f32 v15, v0;
	[tilespmem:s23+$0xFFFFFE00] =	vst v3;
	v3 =	vld.idx.msk [tilespmem:v12+s4+$0x0], $0xffff  }
0x361: {  	v8 =	vld.idx.msk [tilespmem:v13+s4+$0x0], $0xffff  }
0x362: {  	v5 =	vadd.f32 v6, v5;
	v6 =	vld.idx.msk [tilespmem:v7+s4+$0x0], $0xffff;
	[tilespmem:s23+$0x190] =	vst v0  }
0x363: {  	v0 =	vld [tilespmem:s28+$0x320]  }
0x364: {  	v2 =	vadd.f32 v4, v2;
	[tilespmem:s23+$0xFFFFFF80] =	vst v5;
	v4 =	vld [tilespmem:s28+$0x3A0]  }
0x365: {  	v5 =	vld [tilespmem:s28+$0xFFFFFC10]  }
0x366: {  	v1 =	vadd.f32 v3, v1;
	v7 =	vld [tilespmem:s28+$0xFFFFFC90];
	[tilespmem:s23+$0x0] =	vst v2  }
0x367: {  	v2 =	vld [tilespmem:s28+$0xFFFFFD10]  }
0x368: {  	v3 =	vld [tilespmem:s28+$0xFFFFFD90];
	[tilespmem:s23+$0x80] =	vst v1;
	v1 =	vadd.f32 v6, v8  }
0x369: {  	v6 =	vld [tilespmem:s28+$0xFFFFFE10]  }
0x36a: {  	v8 =	vld [tilespmem:s28+$0xFFFFFE90];
	[tilespmem:s23+$0x100] =	vst v1  }
0x36b: {  	v0 =	vld.idx.msk [tilespmem:v0+s4+$0x0], $0xffff  }
0x36c: {  	v1 =	vld.idx.msk [tilespmem:v4+s4+$0x0], $0xffff  }
0x36d: {  	v4 =	vld [tilespmem:s28+$0xFFFFFF10]  }
0x36e: {  	v9 =	vld [tilespmem:s28+$0xFFFFFF90]  }
0x36f: {  	v10 =	vld [tilespmem:s28+$0x10]  }
0x370: {  	v11 =	vld [tilespmem:s28+$0x90]  }
0x371: {  	v12 =	vld [tilespmem:s28+$0x110]  }
0x372: {  	v0 =	vadd.f32 v1, v0;
	v13 =	vld [tilespmem:s28+$0x190]  }
0x373: {  	v1 =	vld [tilespmem:s28+$0x210]  }
0x374: {  	v14 =	vld [tilespmem:s28+$0x290];
	[tilespmem:s23+$0x1A0] =	vst v0  }
0x375: {  	v0 =	vld [tilespmem:s28+$0x330]  }
0x376: {  	v15 =	vld [tilespmem:s28+$0x3B0]  }
0x377: {  	v5 =	vld.idx.msk [tilespmem:v5+s4+$0x0], $0xffff  }
0x378: {  	v7 =	vld.idx.msk [tilespmem:v7+s4+$0x0], $0xffff  }
0x379: {  	v2 =	vld.idx.msk [tilespmem:v2+s4+$0x0], $0xffff  }
0x37a: {  	v3 =	vld.idx.msk [tilespmem:v3+s4+$0x0], $0xffff  }
0x37b: {  	v6 =	vld.idx.msk [tilespmem:v6+s4+$0x0], $0xffff  }
0x37c: {  	v8 =	vld.idx.msk [tilespmem:v8+s4+$0x0], $0xffff  }
0x37d: {  	v0 =	vld.idx.msk [tilespmem:v0+s4+$0x0], $0xffff  }
0x37e: {  	v5 =	vadd.f32 v7, v5;
	v7 =	vld.idx.msk [tilespmem:v15+s4+$0x0], $0xffff  }
0x37f: {  	v4 =	vld.idx.msk [tilespmem:v4+s4+$0x0], $0xffff  }
0x380: {  	v2 =	vadd.f32 v3, v2;
	[tilespmem:s23+$0xFFFFFE10] =	vst v5;
	v3 =	vld.idx.msk [tilespmem:v9+s4+$0x0], $0xffff  }
0x381: {  	v5 =	vld.idx.msk [tilespmem:v10+s4+$0x0], $0xffff  }
0x382: {  	[tilespmem:s23+$0xFFFFFE90] =	vst v2;
	v2 =	vadd.f32 v8, v6;
	v6 =	vld.idx.msk [tilespmem:v11+s4+$0x0], $0xffff  }
0x383: {  	v8 =	vld.idx.msk [tilespmem:v12+s4+$0x0], $0xffff  }
0x384: {  	v0 =	vadd.f32 v7, v0;
	[tilespmem:s23+$0xFFFFFF10] =	vst v2;
	v2 =	vld.idx.msk [tilespmem:v13+s4+$0x0], $0xffff  }
0x385: {  	v1 =	vld.idx.msk [tilespmem:v1+s4+$0x0], $0xffff  }
0x386: {  	v3 =	vadd.f32 v3, v4;
	v4 =	vld.idx.msk [tilespmem:v14+s4+$0x0], $0xffff;
	[tilespmem:s23+$0x1B0] =	vst v0  }
0x387: {  	v0 =	vld [tilespmem:s28+$0x340]  }
0x388: {  	[tilespmem:s23+$0xFFFFFF90] =	vst v3;
	v3 =	vadd.f32 v6, v5;
	v5 =	vld [tilespmem:s28+$0x3C0]  }
0x389: {  	v6 =	vld [tilespmem:s28+$0xFFFFFC20]  }
0x38a: {  	v2 =	vadd.f32 v2, v8;
	v7 =	vld [tilespmem:s28+$0xFFFFFCA0];
	[tilespmem:s23+$0x10] =	vst v3  }
0x38b: {  	v3 =	vld [tilespmem:s28+$0xFFFFFD20]  }
0x38c: {  	v1 =	vadd.f32 v4, v1;
	v8 =	vld [tilespmem:s28+$0xFFFFFDA0];
	[tilespmem:s23+$0x90] =	vst v2  }
0x38d: {  	v2 =	vld [tilespmem:s28+$0xFFFFFE20]  }
0x38e: {  	v4 =	vld [tilespmem:s28+$0xFFFFFEA0];
	[tilespmem:s23+$0x110] =	vst v1  }
0x38f: {  	v0 =	vld.idx.msk [tilespmem:v0+s4+$0x0], $0xffff  }
0x390: {  	v1 =	vld.idx.msk [tilespmem:v5+s4+$0x0], $0xffff  }
0x391: {  	v5 =	vld [tilespmem:s28+$0xFFFFFF20]  }
0x392: {  	v9 =	vld [tilespmem:s28+$0xFFFFFFA0]  }
0x393: {  	v10 =	vld [tilespmem:s28+$0x20]  }
0x394: {  	v11 =	vld [tilespmem:s28+$0xA0]  }
0x395: {  	v12 =	vld [tilespmem:s28+$0x120]  }
0x396: {  	v0 =	vadd.f32 v1, v0;
	v13 =	vld [tilespmem:s28+$0x1A0]  }
0x397: {  	v1 =	vld [tilespmem:s28+$0x220]  }
0x398: {  	v14 =	vld [tilespmem:s28+$0x2A0];
	[tilespmem:s23+$0x1C0] =	vst v0  }
0x399: {  	v0 =	vld [tilespmem:s28+$0x350]  }
0x39a: {  	v15 =	vld [tilespmem:s28+$0x3D0]  }
0x39b: {  	v6 =	vld.idx.msk [tilespmem:v6+s4+$0x0], $0xffff  }
0x39c: {  	v7 =	vld.idx.msk [tilespmem:v7+s4+$0x0], $0xffff  }
0x39d: {  	v3 =	vld.idx.msk [tilespmem:v3+s4+$0x0], $0xffff  }
0x39e: {  	v8 =	vld.idx.msk [tilespmem:v8+s4+$0x0], $0xffff  }
0x39f: {  	v2 =	vld.idx.msk [tilespmem:v2+s4+$0x0], $0xffff  }
0x3a0: {  	v4 =	vld.idx.msk [tilespmem:v4+s4+$0x0], $0xffff  }
0x3a1: {  	v0 =	vld.idx.msk [tilespmem:v0+s4+$0x0], $0xffff  }
0x3a2: {  	v6 =	vadd.f32 v7, v6;
	v7 =	vld.idx.msk [tilespmem:v15+s4+$0x0], $0xffff  }
0x3a3: {  	v5 =	vld.idx.msk [tilespmem:v5+s4+$0x0], $0xffff  }
0x3a4: {  	v3 =	vadd.f32 v8, v3;
	[tilespmem:s23+$0xFFFFFE20] =	vst v6;
	v6 =	vld.idx.msk [tilespmem:v9+s4+$0x0], $0xffff  }
0x3a5: {  	v8 =	vld.idx.msk [tilespmem:v10+s4+$0x0], $0xffff  }
0x3a6: {  	v2 =	vadd.f32 v4, v2;
	[tilespmem:s23+$0xFFFFFEA0] =	vst v3;
	v3 =	vld.idx.msk [tilespmem:v11+s4+$0x0], $0xffff  }
0x3a7: {  	v4 =	vld.idx.msk [tilespmem:v12+s4+$0x0], $0xffff  }
0x3a8: {  	v0 =	vadd.f32 v7, v0;
	[tilespmem:s23+$0xFFFFFF20] =	vst v2;
	v2 =	vld.idx.msk [tilespmem:v13+s4+$0x0], $0xffff  }
0x3a9: {  	s24 =	sadd.s32 $0x800, s24;
	v1 =	vld.idx.msk [tilespmem:v1+s4+$0x0], $0xffff  }
0x3aa: {  	s0 =	sadd.s32 $0xFFFFF9E0, s24;
	s1 =	sadd.s32 $0xFFFFFAE0, s24;
	s2 =	sadd.s32 $0xFFFFFFE0, s24;
	v5 =	vadd.f32 v6, v5;
	v6 =	vld.idx.msk [tilespmem:v14+s4+$0x0], $0xffff;
	[tilespmem:s23+$0x1D0] =	vst v0  }
0x3ab: {  	s8 =	sadd.s32 $0xFFFFFBE0, s24;
	s11 =	sadd.s32 $0xFFFFFCE0, s24;
	s2 =	sor.u32 $0xE0, s2;
	v0 =	vld [tilespmem:s28+$0x360]  }
0x3ac: {  	s18 =	sadd.s32 $0xFFFFFEE0, s24;
	s10 =	sor.u32 $0xE0, s0;
	s0 =	sadd.s32 $0xFFFFFDE0, s24;
	v3 =	vadd.f32 v3, v8;
	[tilespmem:s23+$0xFFFFFFA0] =	vst v5;
	v5 =	vld [tilespmem:s2+$0x1B000]  }
0x3ad: {  	s13 =	sor.u32 $0xE0, s1;
	s9 =	sor.u32 $0xE0, s8;
	s12 =	sor.u32 $0xE0, s11;
	v7 =	vld [tilespmem:s28+$0xFFFFFC30]  }
0x3ae: {  	s1 =	sadd.s32 $0xFFFFFA00, s24;
	s11 =	sor.u32 $0xE0, s18;
	s8 =	sor.u32 $0xE0, s0;
	v2 =	vadd.f32 v2, v4;
	v8 =	vld [tilespmem:s28+$0xFFFFFCB0];
	[tilespmem:s23+$0x20] =	vst v3  }
0x3af: {  	s19 =	sadd.s32 $0xFFFFFD00, s24;
	s18 =	sadd.s32 $0xFFFFFC00, s24;
	s0 =	sadd.s32 $0xFFFFFB00, s24;
	v3 =	vld [tilespmem:s28+$0xFFFFFD30]  }
0x3b0: {  	s29 =	sadd.s32 $0xFFFFFE00, s24;
	s20 =	sadd.s32 $0xFFFFFF00, s24;
	s2 =	sor.u32 $0xF0, s1;
	v1 =	vadd.f32 v6, v1;
	v4 =	vld [tilespmem:s28+$0xFFFFFDB0];
	[tilespmem:s23+$0xA0] =	vst v2  }
0x3b1: {  	s31 =	sor.u32 $0xF0, s19;
	s1 =	sor.u32 $0xF0, s0;
	s0 =	sor.u32 $0xF0, s18;
	v2 =	vld [tilespmem:s28+$0xFFFFFE30]  }
0x3b2: {  	s30 =	sor.u32 $0xF0, s29;
	s29 =	sor.u32 $0xF0, s20;
	v6 =	vld [tilespmem:s28+$0xFFFFFEB0];
	[tilespmem:s23+$0x120] =	vst v1  }
0x3b3: {  	v0 =	vld.idx.msk [tilespmem:v0+s4+$0x0], $0xffff  }
0x3b4: {  	v1 =	vld.idx.msk [tilespmem:v5+s4+$0x0], $0xffff  }
0x3b5: {  	v5 =	vld [tilespmem:s28+$0xFFFFFF30]  }
0x3b6: {  	v9 =	vld [tilespmem:s28+$0xFFFFFFB0]  }
0x3b7: {  	v10 =	vld [tilespmem:s28+$0x30]  }
0x3b8: {  	v11 =	vld [tilespmem:s28+$0xB0]  }
0x3b9: {  	v12 =	vld [tilespmem:s28+$0x130]  }
0x3ba: {  	v0 =	vadd.f32 v1, v0;
	v13 =	vld [tilespmem:s28+$0x1B0]  }
0x3bb: {  	v1 =	vld [tilespmem:s28+$0x230]  }
0x3bc: {  	v14 =	vld [tilespmem:s28+$0x2B0];
	[tilespmem:s23+$0x1E0] =	vst v0  }
0x3bd: {  	s18 =	sor.u32 $0xF0, s24;
	v0 =	vld [tilespmem:s28+$0x370]  }
0x3be: {  	v15 =	vld [tilespmem:s18+$0x1B000]  }
0x3bf: {  	v7 =	vld.idx.msk [tilespmem:v7+s4+$0x0], $0xffff  }
0x3c0: {  	v8 =	vld.idx.msk [tilespmem:v8+s4+$0x0], $0xffff  }
0x3c1: {  	v3 =	vld.idx.msk [tilespmem:v3+s4+$0x0], $0xffff  }
0x3c2: {  	v4 =	vld.idx.msk [tilespmem:v4+s4+$0x0], $0xffff  }
0x3c3: {  	v2 =	vld.idx.msk [tilespmem:v2+s4+$0x0], $0xffff  }
0x3c4: {  	v6 =	vld.idx.msk [tilespmem:v6+s4+$0x0], $0xffff  }
0x3c5: {  	v0 =	vld.idx.msk [tilespmem:v0+s4+$0x0], $0xffff  }
0x3c6: {  	v7 =	vadd.f32 v8, v7;
	v8 =	vld.idx.msk [tilespmem:v15+s4+$0x0], $0xffff  }
0x3c7: {  	v5 =	vld.idx.msk [tilespmem:v5+s4+$0x0], $0xffff  }
0x3c8: {  	v3 =	vadd.f32 v4, v3;
	[tilespmem:s23+$0xFFFFFE30] =	vst v7;
	v4 =	vld.idx.msk [tilespmem:v9+s4+$0x0], $0xffff  }
0x3c9: {  	v7 =	vld.idx.msk [tilespmem:v10+s4+$0x0], $0xffff  }
0x3ca: {  	v2 =	vadd.f32 v6, v2;
	[tilespmem:s23+$0xFFFFFEB0] =	vst v3;
	v3 =	vld.idx.msk [tilespmem:v11+s4+$0x0], $0xffff  }
0x3cb: {  	v6 =	vld.idx.msk [tilespmem:v12+s4+$0x0], $0xffff  }
0x3cc: {  	v0 =	vadd.f32 v8, v0;
	[tilespmem:s23+$0xFFFFFF30] =	vst v2;
	v2 =	vld.idx.msk [tilespmem:v13+s4+$0x0], $0xffff  }
0x3cd: {  	v1 =	vld.idx.msk [tilespmem:v1+s4+$0x0], $0xffff  }
0x3ce: {  	v4 =	vadd.f32 v4, v5;
	v5 =	vld.idx.msk [tilespmem:v14+s4+$0x0], $0xffff;
	[tilespmem:s23+$0x1F0] =	vst v0  }
0x3cf: {  	v0 =	vld [tilespmem:s28+$0xFFFFFC40]  }
0x3d0: {  	v3 =	vadd.f32 v3, v7;
	v8 =	vld [tilespmem:s28+$0xFFFFFCC0];
	[tilespmem:s23+$0xFFFFFFB0] =	vst v4  }
0x3d1: {  	v4 =	vld [tilespmem:s28+$0xFFFFFD40]  }
0x3d2: {  	v2 =	vadd.f32 v2, v6;
	v7 =	vld [tilespmem:s28+$0xFFFFFDC0];
	[tilespmem:s23+$0x30] =	vst v3  }
0x3d3: {  	v3 =	vld [tilespmem:s28+$0xFFFFFE40]  }
0x3d4: {  	v1 =	vadd.f32 v5, v1;
	v6 =	vld [tilespmem:s28+$0xFFFFFEC0];
	[tilespmem:s23+$0xB0] =	vst v2  }
0x3d5: {  	v2 =	vld [tilespmem:s28+$0xFFFFFF40]  }
0x3d6: {  	v5 =	vld [tilespmem:s28+$0xFFFFFFC0];
	[tilespmem:s23+$0x130] =	vst v1  }
0x3d7: {  	v1 =	vld [tilespmem:s28+$0x40]  }
0x3d8: {  	v9 =	vld [tilespmem:s28+$0xC0]  }
0x3d9: {  	v10 =	vld [tilespmem:s28+$0x140]  }
0x3da: {  	v11 =	vld [tilespmem:s28+$0x1C0]  }
0x3db: {  	v12 =	vld [tilespmem:s28+$0x240]  }
0x3dc: {  	v13 =	vld [tilespmem:s28+$0x2C0]  }
0x3dd: {  	v0 =	vld.idx.msk [tilespmem:v0+s4+$0x0], $0xffff  }
0x3de: {  	v8 =	vld.idx.msk [tilespmem:v8+s4+$0x0], $0xffff  }
0x3df: {  	v4 =	vld.idx.msk [tilespmem:v4+s4+$0x0], $0xffff  }
0x3e0: {  	v7 =	vld.idx.msk [tilespmem:v7+s4+$0x0], $0xffff  }
0x3e1: {  	v3 =	vld.idx.msk [tilespmem:v3+s4+$0x0], $0xffff  }
0x3e2: {  	v6 =	vld.idx.msk [tilespmem:v6+s4+$0x0], $0xffff  }
0x3e3: {  	v2 =	vld.idx.msk [tilespmem:v2+s4+$0x0], $0xffff  }
0x3e4: {  	v0 =	vadd.f32 v8, v0;
	v5 =	vld.idx.msk [tilespmem:v5+s4+$0x0], $0xffff  }
0x3e5: {  	v1 =	vld.idx.msk [tilespmem:v1+s4+$0x0], $0xffff  }
0x3e6: {  	[tilespmem:s23+$0xFFFFFE40] =	vst v0;
	v0 =	vadd.f32 v7, v4;
	v4 =	vld.idx.msk [tilespmem:v9+s4+$0x0], $0xffff  }
0x3e7: {  	v7 =	vld.idx.msk [tilespmem:v10+s4+$0x0], $0xffff  }
0x3e8: {  	[tilespmem:s23+$0xFFFFFEC0] =	vst v0;
	v0 =	vadd.f32 v6, v3;
	v3 =	vld.idx.msk [tilespmem:v11+s4+$0x0], $0xffff  }
0x3e9: {  	v6 =	vld.idx.msk [tilespmem:v12+s4+$0x0], $0xffff  }
0x3ea: {  	[tilespmem:s23+$0xFFFFFF40] =	vst v0;
	v0 =	vadd.f32 v5, v2;
	v2 =	vld.idx.msk [tilespmem:v13+s4+$0x0], $0xffff  }
0x3eb: {  	v5 =	vld [tilespmem:s28+$0xFFFFFC50]  }
0x3ec: {  	v8 =	vld [tilespmem:s28+$0xFFFFFCD0];
	[tilespmem:s23+$0xFFFFFFC0] =	vst v0;
	v0 =	vadd.f32 v4, v1  }
0x3ed: {  	v1 =	vld [tilespmem:s28+$0xFFFFFD50]  }
0x3ee: {  	v4 =	vld [tilespmem:s28+$0xFFFFFDD0];
	[tilespmem:s23+$0x40] =	vst v0;
	v0 =	vadd.f32 v3, v7  }
0x3ef: {  	v3 =	vld [tilespmem:s28+$0xFFFFFE50]  }
0x3f0: {  	v7 =	vld [tilespmem:s28+$0xFFFFFED0];
	[tilespmem:s23+$0xC0] =	vst v0;
	v0 =	vadd.f32 v2, v6  }
0x3f1: {  	v2 =	vld [tilespmem:s28+$0xFFFFFF50]  }
0x3f2: {  	v6 =	vld [tilespmem:s28+$0xFFFFFFD0];
	[tilespmem:s23+$0x140] =	vst v0  }
0x3f3: {  	v0 =	vld [tilespmem:s28+$0x50]  }
0x3f4: {  	v9 =	vld [tilespmem:s28+$0xD0]  }
0x3f5: {  	v10 =	vld [tilespmem:s28+$0x150]  }
0x3f6: {  	v11 =	vld [tilespmem:s28+$0x1D0]  }
0x3f7: {  	v12 =	vld [tilespmem:s28+$0x250]  }
0x3f8: {  	v13 =	vld [tilespmem:s28+$0x2D0]  }
0x3f9: {  	v5 =	vld.idx.msk [tilespmem:v5+s4+$0x0], $0xffff  }
0x3fa: {  	v8 =	vld.idx.msk [tilespmem:v8+s4+$0x0], $0xffff  }
0x3fb: {  	v1 =	vld.idx.msk [tilespmem:v1+s4+$0x0], $0xffff  }
0x3fc: {  	v4 =	vld.idx.msk [tilespmem:v4+s4+$0x0], $0xffff  }
0x3fd: {  	v3 =	vld.idx.msk [tilespmem:v3+s4+$0x0], $0xffff  }
0x3fe: {  	v7 =	vld.idx.msk [tilespmem:v7+s4+$0x0], $0xffff  }
0x3ff: {  	v2 =	vld.idx.msk [tilespmem:v2+s4+$0x0], $0xffff  }
0x400: {  	v5 =	vadd.f32 v8, v5;
	v6 =	vld.idx.msk [tilespmem:v6+s4+$0x0], $0xffff  }
0x401: {  	v0 =	vld.idx.msk [tilespmem:v0+s4+$0x0], $0xffff  }
0x402: {  	v1 =	vadd.f32 v4, v1;
	[tilespmem:s23+$0xFFFFFE50] =	vst v5;
	v4 =	vld.idx.msk [tilespmem:v9+s4+$0x0], $0xffff  }
0x403: {  	v5 =	vld.idx.msk [tilespmem:v10+s4+$0x0], $0xffff  }
0x404: {  	[tilespmem:s23+$0xFFFFFED0] =	vst v1;
	v1 =	vadd.f32 v7, v3;
	v3 =	vld.idx.msk [tilespmem:v11+s4+$0x0], $0xffff  }
0x405: {  	v7 =	vld.idx.msk [tilespmem:v12+s4+$0x0], $0xffff  }
0x406: {  	[tilespmem:s23+$0xFFFFFF50] =	vst v1;
	v1 =	vadd.f32 v6, v2;
	v2 =	vld.idx.msk [tilespmem:v13+s4+$0x0], $0xffff  }
0x407: {  	v6 =	vld [tilespmem:s28+$0xFFFFFC60]  }
0x408: {  	v0 =	vadd.f32 v4, v0;
	v8 =	vld [tilespmem:s28+$0xFFFFFCE0];
	[tilespmem:s23+$0xFFFFFFD0] =	vst v1  }
0x409: {  	v1 =	vld [tilespmem:s28+$0xFFFFFD60]  }
0x40a: {  	v4 =	vld [tilespmem:s10+$0x1B000];
	[tilespmem:s23+$0x50] =	vst v0;
	v0 =	vadd.f32 v3, v5  }
0x40b: {  	v3 =	vld [tilespmem:s28+$0xFFFFFE60]  }
0x40c: {  	v5 =	vld [tilespmem:s13+$0x1B000];
	[tilespmem:s23+$0xD0] =	vst v0;
	v0 =	vadd.f32 v2, v7  }
0x40d: {  	v2 =	vld [tilespmem:s28+$0xFFFFFF60]  }
0x40e: {  	v7 =	vld [tilespmem:s9+$0x1B000];
	[tilespmem:s23+$0x150] =	vst v0  }
0x40f: {  	v0 =	vld [tilespmem:s28+$0x60]  }
0x410: {  	v9 =	vld [tilespmem:s12+$0x1B000]  }
0x411: {  	v10 =	vld [tilespmem:s28+$0x160]  }
0x412: {  	v11 =	vld [tilespmem:s8+$0x1B000]  }
0x413: {  	v12 =	vld [tilespmem:s28+$0x260]  }
0x414: {  	v13 =	vld [tilespmem:s11+$0x1B000]  }
0x415: {  	v6 =	vld.idx.msk [tilespmem:v6+s4+$0x0], $0xffff  }
0x416: {  	v8 =	vld.idx.msk [tilespmem:v8+s4+$0x0], $0xffff  }
0x417: {  	v1 =	vld.idx.msk [tilespmem:v1+s4+$0x0], $0xffff  }
0x418: {  	v4 =	vld.idx.msk [tilespmem:v4+s4+$0x0], $0xffff  }
0x419: {  	v3 =	vld.idx.msk [tilespmem:v3+s4+$0x0], $0xffff  }
0x41a: {  	v5 =	vld.idx.msk [tilespmem:v5+s4+$0x0], $0xffff  }
0x41b: {  	v2 =	vld.idx.msk [tilespmem:v2+s4+$0x0], $0xffff  }
0x41c: {  	v6 =	vadd.f32 v8, v6;
	v7 =	vld.idx.msk [tilespmem:v7+s4+$0x0], $0xffff  }
0x41d: {  	v0 =	vld.idx.msk [tilespmem:v0+s4+$0x0], $0xffff  }
0x41e: {  	v1 =	vadd.f32 v4, v1;
	[tilespmem:s23+$0xFFFFFE60] =	vst v6;
	v4 =	vld.idx.msk [tilespmem:v9+s4+$0x0], $0xffff  }
0x41f: {  	v6 =	vld.idx.msk [tilespmem:v10+s4+$0x0], $0xffff  }
0x420: {  	[tilespmem:s23+$0xFFFFFEE0] =	vst v1;
	v1 =	vadd.f32 v5, v3;
	v3 =	vld.idx.msk [tilespmem:v11+s4+$0x0], $0xffff  }
0x421: {  	v5 =	vld.idx.msk [tilespmem:v12+s4+$0x0], $0xffff  }
0x422: {  	[tilespmem:s23+$0xFFFFFF60] =	vst v1;
	v1 =	vadd.f32 v7, v2;
	v2 =	vld.idx.msk [tilespmem:v13+s4+$0x0], $0xffff  }
0x423: {  	v7 =	vld [tilespmem:s28+$0xFFFFFC70]  }
0x424: {  	v0 =	vadd.f32 v4, v0;
	v8 =	vld [tilespmem:s28+$0xFFFFFCF0];
	[tilespmem:s23+$0xFFFFFFE0] =	vst v1  }
0x425: {  	v1 =	vld [tilespmem:s28+$0xFFFFFD70]  }
0x426: {  	v4 =	vld [tilespmem:s2+$0x1B000];
	[tilespmem:s23+$0x60] =	vst v0;
	v0 =	vadd.f32 v3, v6  }
0x427: {  	v3 =	vld [tilespmem:s28+$0xFFFFFE70]  }
0x428: {  	v6 =	vld [tilespmem:s1+$0x1B000];
	[tilespmem:s23+$0xE0] =	vst v0;
	v0 =	vadd.f32 v2, v5  }
0x429: {  	v2 =	vld [tilespmem:s28+$0xFFFFFF70]  }
0x42a: {  	v5 =	vld [tilespmem:s0+$0x1B000];
	[tilespmem:s23+$0x160] =	vst v0  }
0x42b: {  	v0 =	vld [tilespmem:s28+$0x70]  }
0x42c: {  	v9 =	vld [tilespmem:s31+$0x1B000]  }
0x42d: {  	v10 =	vld [tilespmem:s28+$0x170]  }
0x42e: {  	v11 =	vld [tilespmem:s30+$0x1B000]  }
0x42f: {  	v12 =	vld [tilespmem:s28+$0x270]  }
0x430: {  	v13 =	vld [tilespmem:s29+$0x1B000]  }
0x431: {  	v7 =	vld.idx.msk [tilespmem:v7+s4+$0x0], $0xffff  }
0x432: {  	v8 =	vld.idx.msk [tilespmem:v8+s4+$0x0], $0xffff  }
0x433: {  	v1 =	vld.idx.msk [tilespmem:v1+s4+$0x0], $0xffff  }
0x434: {  	v4 =	vld.idx.msk [tilespmem:v4+s4+$0x0], $0xffff  }
0x435: {  	v14 =	vld.idx.msk [tilespmem:v3+s4+$0x0], $0xffff  }
0x436: {  	v6 =	vld.idx.msk [tilespmem:v6+s4+$0x0], $0xffff  }
0x437: {  	v15 =	vld.idx.msk [tilespmem:v2+s4+$0x0], $0xffff  }
0x438: {  	v2 =	vadd.f32 v8, v7;
	v5 =	vld.idx.msk [tilespmem:v5+s4+$0x0], $0xffff  }
0x439: {  	v0 =	vld.idx.msk [tilespmem:v0+s4+$0x0], $0xffff  }
.Ltmp6:
0x43a: {  	[tilespmem:s23+$0xFFFFFE70] =	vst v2;
	v2 =	vadd.f32 v4, v1;
	v3 =	vld.idx.msk [tilespmem:v9+s4+$0x0], $0xffff;
	(pc) =	sbr.rel @p0 .LBB2_6-.Ltmp6, $4  }
0x43b: {  	v1 =	vld.idx.msk [tilespmem:v10+s4+$0x0], $0xffff  }
0x43c: {  	v6 =	vadd.f32 v6, v14;
	[tilespmem:s23+$0xFFFFFEF0] =	vst v2;
	v4 =	vld.idx.msk [tilespmem:v11+s4+$0x0], $0xffff  }
0x43d: {  	v2 =	vld.idx.msk [tilespmem:v12+s4+$0x0], $0xffff  }
0x43e: {  	s28 =	sadd.s32 $0x800, s28;
	[tilespmem:s23+$0xFFFFFF70] =	vst v6;
	v6 =	vadd.f32 v5, v15;
	v5 =	vld.idx.msk [tilespmem:v13+s4+$0x0], $0xffff  }
0x43f: {  	_ =	sdelay $0x1  }
0x440: {  	v0 =	vadd.f32 v3, v0;
	s0 =	sadd.s32 $0x3, s22  }
0x441: {  	[tilespmem:s23+$0xFFFFFFF0] =	vst v6;
	p0 =	sge.u32 s0, s7;
	v1 =	vadd.f32 v4, v1  }
0x442: {  	s1 =	smul.u32 $0x280, s25;
	[tilespmem:s23+$0x70] =	vst v0;
	s0 =	sshll.u32 @!p0 s0, $0x5;
	v62 =	vadd.f32 v5, v2  }
.Ltmp7:
0x443: {  	s0 =	sor.u32 @!p0 s5, s0;
	[tilespmem:s23+$0xF0] =	vst v1;
	(pc) =	sbr.rel .LBB2_8-.Ltmp7, $4  }
0x444: {  	s1 =	sadd.s32 s6, s1;
	s0 =	smul.u32 @!p0 $0x500, s0;
	[tilespmem:s23+$0x170] =	vst v62  }
0x445: {  	[hbm4b:s1+s4] =	stream.linear.scatter [tilespmem:s17], [sflag:$0x5], $0x1400, $0x38;
	v63 =	vld [tilespmem:$0x0]  }
0x446: {  	s2 =	simm.s32 @!p0 $0x1B000;
	s0 =	sadd.s32 @!p0 s3, s0;
	s1 =	simm.s32 @!p0 $0x0  }
0x447: {  	[tilespmem:s2], [sflag:$0x3] =	stream.linear.gather @!p0 [hbm4b:s0+s1], $0x2800, $0x38;
	v63 =	vld [tilespmem:$0x0]  }
.LBB2_10:
0x448: {  	_ =	sfence.sel $0x180000  }
0x449: {  	[bflag:$0x0] =	sbarrier.arrive $0xFFFF  }
0x44a: {  	_ =	strace $0x90000047  }
0x44b: {  	s0 =	stileid.u32;
	[bflag:$0x2] =	sbarrier.arrive $0xFFFF  }
0x44c: {  	p0 =	sne.s32 s0, $0x0;
	s0 =	rddreg [dreg:$0x3]  }
0x44d: {  	s0 =	sadd.s32 @!p0 $0x100000, s0  }
0x44e: {  	[sflag:s0] =	ssyncadd.tile.s32 @!p0 $0x1;
	_ =	shalt  }
.Lfunc_end2:
_tile_overlayer_lowered:
.L_overlay_start_2:
0x44f: {  	(tag) =	ssettag $0x2  }
0x450: {  	s0 =	rddreg [dreg:$0x0];
	s2 =	stileid.u32  }
0x451: {  	s1 =	rddreg [dreg:$0x1];
	p0 =	sne.s32 s2, $0x0  }
0x452: {  	s3 =	rddreg [dreg:$0x2];
	[bflag:$0x3] =	sbarrier.arrive $0xFFFF;
	s2 =	simm.s32 @!p0 $0x1C06  }
0x453: {  	[timem:s3], [sflag:s2] =	dma.local @!p0 [hbm:s0], s1  }
0x454: {  	s0 =	simm.s32 @!p0 $0x6  }
0x455: {  	_ =	swait.ge @!p0 [sflag:s0], s1  }
0x456: {  	s1 =	ssub.s32 @!p0 $0x0, s1;
	[sflag:s0] =	ssyncset.done @!p0 $0x0  }
0x457: {  	[sflag:s0] =	ssyncadd.s32 @!p0 s1  }
0x458: {  	[bflag:$0x3] =	sbarrier.arrive $0xFFFF  }
0x459: {  	_ =	shalt  }

</sc_bundles>
